<compile_context>
chip_gen: v7x
topology: tpu7x:2x2x1
jax: 0.10.2.dev20260603
libtpu: 0.0.44.dev20260713+nightly
codegen_flags: <defaults>
</compile_context>

<pallas_src>
import functools

import jax
import jax.numpy as jnp
import numpy as np
from jax import lax
from jax.experimental import pallas as pl
from jax.experimental.pallas import tpu as pltpu
from jax.experimental.pallas import tpu_sc as plsc

N = 10000
E = 320000
D = 128
NW = 32
LB = 128
BPW = 81
SLOP = 3
NE_P = (NW * BPW + SLOP) * LB
NP = 10112
RPT = NP // 16

_PAD_SRC = np.asarray((np.arange(NE_P - E) * 997) % N, dtype=np.int32)
_PAD_DST = np.asarray(N + np.arange(NE_P - E) % (NP - N), dtype=np.int32)


def _segment_sum_sc(x, edge_index, pad_src, pad_dst):
    mesh = plsc.VectorSubcoreMesh(core_axis_name="c", subcore_axis_name="s")

    @functools.partial(
        pl.kernel,
        mesh=mesh,
        out_type=jax.ShapeDtypeStruct((2 * NP, D), jnp.float32),
        scratch_types=[
            pltpu.VMEM((3, 1, 2, LB), jnp.int32),
            pltpu.VMEM((3, LB, D), jnp.float32),
            pltpu.VMEM_SHARED((NP, D), jnp.float32),
            pltpu.SemaphoreType.DMA,
            pltpu.SemaphoreType.DMA,
        ],
    )
    def seg_kernel(x_hbm, edge_hbm, psrc_hbm, pdst_hbm, out_hbm,
                   ibuf, rows, agg, gsem, isem):
        c = lax.axis_index("c")
        s = lax.axis_index("s")
        wid = c * 16 + s
        base = wid * BPW * LB

        def fire_idx(b, slot):
            off = base + b * LB

            @pl.when(off < E)
            def _():
                pltpu.async_copy(edge_hbm.at[0, pl.ds(off, LB)],
                                 ibuf.at[slot, 0, 0], isem)
                pltpu.async_copy(edge_hbm.at[1, pl.ds(off, LB)],
                                 ibuf.at[slot, 0, 1], isem)

            @pl.when(off >= E)
            def _():
                pltpu.async_copy(psrc_hbm.at[pl.ds(off - E, LB)],
                                 ibuf.at[slot, 0, 0], isem)
                pltpu.async_copy(pdst_hbm.at[pl.ds(off - E, LB)],
                                 ibuf.at[slot, 0, 1], isem)

        def wait_idx(slot):
            pltpu.make_async_copy(
                psrc_hbm.at[pl.ds(0, LB)], ibuf.at[slot, 0, 0], isem).wait()
            pltpu.make_async_copy(
                pdst_hbm.at[pl.ds(0, LB)], ibuf.at[slot, 0, 1], isem).wait()

        def fire_gather(slot):
            return pltpu.async_copy(
                x_hbm.at[ibuf.at[slot, 0, 0]], rows.at[slot], gsem)

        def wait_gather(slot):
            pltpu.make_async_copy(
                x_hbm.at[ibuf.at[slot, 0, 0]], rows.at[slot], gsem).wait()

        fire_idx(0, 0)
        fire_idx(1, 1)
        fire_idx(2, 2)

        def zrow(r, carry):
            for k in (0, 1, 2):
                for q in range(D // 16):
                    rows[k, r, pl.ds(q * 16, 16)] = jnp.zeros((16,), jnp.float32)
            return carry

        lax.fori_loop(0, LB, zrow, 0)
        zcps = [
            pltpu.async_copy(rows.at[k % 3],
                             agg.at[pl.ds(s * RPT + k * LB, LB)], gsem)
            for k in range(4)
        ]
        zcps.append(pltpu.async_copy(
            rows.at[1].at[pl.ds(0, RPT - 4 * LB)],
            agg.at[pl.ds(s * RPT + 4 * LB, RPT - 4 * LB)], gsem))
        for cp in zcps:
            cp.wait()

        wait_idx(0)
        fire_gather(0)
        wait_idx(1)
        fire_gather(1)
        plsc.subcore_barrier()

        def body(i, carry):
            for j in (0, 1, 2):
                b = i * 3 + j
                wait_idx((b + 2) % 3)
                fire_gather((b + 2) % 3)
                wait_gather(b % 3)
                pltpu.sync_copy(rows.at[b % 3],
                                agg.at[ibuf.at[b % 3, 0, 1]], add=True)
                fire_idx(b + 3, b % 3)
            return carry

        lax.fori_loop(0, BPW // 3, body, 0)

        wait_gather(0)
        wait_gather(1)
        wait_idx(2)
        plsc.subcore_barrier()

        pltpu.sync_copy(
            agg.at[pl.ds(s * RPT, RPT)],
            out_hbm.at[pl.ds(c * NP + s * RPT, RPT)],
        )

    return seg_kernel(x, edge_index, pad_src, pad_dst)


def _mlp_body(x_ref, p_ref, w1_ref, b1_ref, g1_ref, be1_ref,
              w2_ref, b2_ref, g2_ref, be2_ref, o_ref):
    h = x_ref[...] + p_ref[0:N, :] + p_ref[NP:NP + N, :]
    h1 = jnp.dot(h, w1_ref[...], preferred_element_type=jnp.float32) + b1_ref[...]
    h1 = jnp.maximum(h1, 0.0)
    m1 = jnp.mean(h1, axis=0, keepdims=True)
    v1 = jnp.mean((h1 - m1) * (h1 - m1), axis=0, keepdims=True)
    h1 = (h1 - m1) * lax.rsqrt(v1 + 1e-5) * g1_ref[...] + be1_ref[...]
    h2 = jnp.dot(h1, w2_ref[...], preferred_element_type=jnp.float32) + b2_ref[...]
    m2 = jnp.mean(h2, axis=0, keepdims=True)
    v2 = jnp.mean((h2 - m2) * (h2 - m2), axis=0, keepdims=True)
    h2 = (h2 - m2) * lax.rsqrt(v2 + 1e-5) * g2_ref[...] + be2_ref[...]
    o_ref[...] = jnp.where(h2 >= 0, h2, 0.01 * h2)


def kernel(x, edge_index, W1, b1, g1, be1, W2, b2, g2, be2):
    partials = _segment_sum_sc(
        x, edge_index, jnp.asarray(_PAD_SRC), jnp.asarray(_PAD_DST))

    out = pl.pallas_call(
        _mlp_body,
        out_shape=jax.ShapeDtypeStruct((N, 64), jnp.float32),
    )(
        x, partials, W1,
        b1.reshape(1, -1), g1.reshape(1, -1), be1.reshape(1, -1),
        W2,
        b2.reshape(1, -1), g2.reshape(1, -1), be2.reshape(1, -1),
    )
    return out

# --- scband reference (transcript-rebuilt; emitter-appended) ---
"""Pipeline reference for scband-gin-35914516529300 (READ-ONLY COPY).

The authoritative reference and input builder live on the scoring server;
editing this copy changes nothing except your own understanding.
"""

import jax, jax.numpy as jnp
import numpy as np

N, E, D, H, O = 10000, 320000, 128, 32, 64


def _batchnorm(h, gamma, beta, eps=1e-5):
    mean = jnp.mean(h, axis=0, keepdims=True)
    var = jnp.var(h, axis=0, keepdims=True)
    return (h - mean) / jnp.sqrt(var + eps) * gamma + beta


def setup_inputs(seed: int = 0) -> dict:
    key = jax.random.key(seed)
    ks = jax.random.split(key, 10)
    x = jax.random.normal(ks[0], (N, D), dtype=jnp.float32)
    edge_index = jax.random.randint(ks[1], (2, E), 0, N, dtype=jnp.int32)
    W1 = jax.random.normal(ks[2], (D, H), dtype=jnp.float32) * (1.0 / np.sqrt(D))
    b1 = jnp.zeros((H,), dtype=jnp.float32)
    g1 = jnp.ones((H,), dtype=jnp.float32)
    be1 = jnp.zeros((H,), dtype=jnp.float32)
    W2 = jax.random.normal(ks[3], (H, O), dtype=jnp.float32) * (1.0 / np.sqrt(H))
    b2 = jnp.zeros((O,), dtype=jnp.float32)
    g2 = jnp.ones((O,), dtype=jnp.float32)
    be2 = jnp.zeros((O,), dtype=jnp.float32)
    return {"x": x, "edge_index": edge_index, "W1": W1, "b1": b1, "g1": g1, "be1": be1, "W2": W2, "b2": b2, "g2": g2, "be2": be2}


def reference(x, edge_index, W1, b1, g1, be1, W2, b2, g2, be2):
    src = edge_index[0]
    dst = edge_index[1]
    n = x.shape[0]
    # GINConv with aggregator_type='sum', eps=0: h = (1+eps)*x + sum_{j in N(i)} x_j
    agg = jax.ops.segment_sum(jnp.take(x, src, axis=0), dst, num_segments=n)
    h = x + agg
    # apply_func MLP: Linear(D,32) -> ReLU -> BN(32) -> Linear(32,O) -> BN(O)
    h = h @ W1 + b1
    h = jax.nn.relu(h)
    h = _batchnorm(h, g1, be1)
    h = h @ W2 + b2
    h = _batchnorm(h, g2, be2)
    # activation = LeakyReLU(0.01)
    h = jnp.where(h >= 0, h, 0.01 * h)
    return h

if __name__ == "__main__":
    import jax
    _d = setup_inputs()
    print(jax.jit(kernel)(*tuple(_d.values())))

</pallas_src>

<mosaic_0001>
#map = affine_map<(d0, d1) -> (0, 0)>
#map1 = affine_map<(d0, d1) -> (0)>
module attributes {stable_mosaic.version = 14 : i64} {
  func.func @seg_kernel(%arg0: i32, %arg1: i32, %arg2: memref<10000x128xf32, #tpu.memory_space<hbm>>, %arg3: memref<2x320000xi32, #tpu.memory_space<hbm>>, %arg4: memref<12160xi32, #tpu.memory_space<hbm>>, %arg5: memref<12160xi32, #tpu.memory_space<hbm>>, %arg6: memref<20224x128xf32, #tpu.memory_space<hbm>>, %arg7: memref<3x1x2x128xi32, #tpu.memory_space<vmem>>, %arg8: memref<3x128x128xf32, #tpu.memory_space<vmem>>, %arg9: memref<10112x128xf32, #tpu.memory_space<vmem_shared>>, %arg10: memref<!tpu.dma_semaphore, #tpu.memory_space<semaphore_mem>>, %arg11: memref<!tpu.dma_semaphore, #tpu.memory_space<semaphore_mem>>) attributes {dimension_semantics = [#tpu.dimension_semantics<core_parallel>, #tpu.dimension_semantics<subcore_parallel>], iteration_bounds = array<i64: 2, 16>, scalar_prefetch = 0 : i64, scratch_operands = 5 : i64, tpu.core_type = #tpu.core_type<sc_vector_subcore>, window_params = [{transform_indices = #map}, {transform_indices = #map}, {transform_indices = #map1}, {transform_indices = #map1}, {transform_indices = #map}]} {
    %mul3A = arith.constant 16 : i32
    %mul3A_0 = arith.muli %arg0, %mul3A : i32
    %add3A = arith.addi %mul3A_0, %arg1 : i32
    %mul3A_1 = arith.constant 81 : i32
    %mul3A_2 = arith.muli %add3A, %mul3A_1 : i32
    %mul3A_3 = arith.constant 128 : i32
    %mul3A_4 = arith.muli %mul3A_2, %mul3A_3 : i32
    %add3A_5 = arith.constant 0 : i32
    %add3A_6 = arith.addi %mul3A_4, %add3A_5 : i32
    %lt3A = arith.constant 320000 : i32
    %lt3A_7 = arith.cmpi slt, %add3A_6, %lt3A : i32
    %convert_element_type3A = arith.extui %lt3A_7 : i1 to i32
    %cond3A = arith.constant 0 : i32
    %cond3A_8 = arith.cmpi ne, %convert_element_type3A, %cond3A : i32
    scf.if %cond3A_8 {
      %dma_start3A_350 = arith.constant 0 : i32
      %dma_start3A_351 = arith.constant 0 : i32
      %dma_start3A_352 = arith.constant 0 : i32
      %dma_start3A_353 = arith.constant 0 : i32
      %dma_start3A_354 = arith.constant 0 : i32
      %dma_start3A_355 = tpu.memref_slice %arg7[%dma_start3A_351, %dma_start3A_352, %dma_start3A_353, %dma_start3A_354] : memref<3x1x2x128xi32, #tpu.memory_space<vmem>> -> memref<1x1x1x128xi32, #tpu.memory_space<vmem>>
      %dma_start3A_356 = tpu.memref_squeeze %dma_start3A_355 : memref<1x1x1x128xi32, #tpu.memory_space<vmem>> -> memref<128xi32, #tpu.memory_space<vmem>>
      %dma_start3A_357 = tpu.memref_slice %arg3[%dma_start3A_350, %add3A_6] : memref<2x320000xi32, #tpu.memory_space<hbm>> -> memref<1x128xi32, #tpu.memory_space<hbm>>
      %dma_start3A_358 = tpu.memref_squeeze %dma_start3A_357 : memref<1x128xi32, #tpu.memory_space<hbm>> -> memref<128xi32, #tpu.memory_space<hbm>>
      %dma_start3A_359 = arith.constant 0 : i32
      %dma_start3A_360 = tpu.memref_slice %arg7[%dma_start3A_351, %dma_start3A_352, %dma_start3A_353, %dma_start3A_359] : memref<3x1x2x128xi32, #tpu.memory_space<vmem>> -> memref<1x1x1x128xi32, #tpu.memory_space<vmem>>
      %dma_start3A_361 = tpu.memref_squeeze %dma_start3A_360 : memref<1x1x1x128xi32, #tpu.memory_space<vmem>> -> memref<128xi32, #tpu.memory_space<vmem>>
      %dma_start3A_362 = tpu.memref_slice %arg3[%dma_start3A_350, %add3A_6] : memref<2x320000xi32, #tpu.memory_space<hbm>> -> memref<1x128xi32, #tpu.memory_space<hbm>>
      %dma_start3A_363 = tpu.memref_squeeze %dma_start3A_362 : memref<1x128xi32, #tpu.memory_space<hbm>> -> memref<128xi32, #tpu.memory_space<hbm>>
      tpu.enqueue_dma source(%dma_start3A_363 : memref<128xi32, #tpu.memory_space<hbm>>) target(%dma_start3A_361 : memref<128xi32, #tpu.memory_space<vmem>>) target_semaphore(%arg11 : memref<!tpu.dma_semaphore, #tpu.memory_space<semaphore_mem>>)
      %dma_start3A_364 = arith.constant 1 : i32
      %dma_start3A_365 = arith.constant 0 : i32
      %dma_start3A_366 = arith.constant 0 : i32
      %dma_start3A_367 = arith.constant 1 : i32
      %dma_start3A_368 = arith.constant 0 : i32
      %dma_start3A_369 = tpu.memref_slice %arg7[%dma_start3A_365, %dma_start3A_366, %dma_start3A_367, %dma_start3A_368] : memref<3x1x2x128xi32, #tpu.memory_space<vmem>> -> memref<1x1x1x128xi32, #tpu.memory_space<vmem>>
      %dma_start3A_370 = tpu.memref_squeeze %dma_start3A_369 : memref<1x1x1x128xi32, #tpu.memory_space<vmem>> -> memref<128xi32, #tpu.memory_space<vmem>>
      %dma_start3A_371 = tpu.memref_slice %arg3[%dma_start3A_364, %add3A_6] : memref<2x320000xi32, #tpu.memory_space<hbm>> -> memref<1x128xi32, #tpu.memory_space<hbm>>
      %dma_start3A_372 = tpu.memref_squeeze %dma_start3A_371 : memref<1x128xi32, #tpu.memory_space<hbm>> -> memref<128xi32, #tpu.memory_space<hbm>>
      %dma_start3A_373 = arith.constant 0 : i32
      %dma_start3A_374 = tpu.memref_slice %arg7[%dma_start3A_365, %dma_start3A_366, %dma_start3A_367, %dma_start3A_373] : memref<3x1x2x128xi32, #tpu.memory_space<vmem>> -> memref<1x1x1x128xi32, #tpu.memory_space<vmem>>
      %dma_start3A_375 = tpu.memref_squeeze %dma_start3A_374 : memref<1x1x1x128xi32, #tpu.memory_space<vmem>> -> memref<128xi32, #tpu.memory_space<vmem>>
      %dma_start3A_376 = tpu.memref_slice %arg3[%dma_start3A_364, %add3A_6] : memref<2x320000xi32, #tpu.memory_space<hbm>> -> memref<1x128xi32, #tpu.memory_space<hbm>>
      %dma_start3A_377 = tpu.memref_squeeze %dma_start3A_376 : memref<1x128xi32, #tpu.memory_space<hbm>> -> memref<128xi32, #tpu.memory_space<hbm>>
      tpu.enqueue_dma source(%dma_start3A_377 : memref<128xi32, #tpu.memory_space<hbm>>) target(%dma_start3A_375 : memref<128xi32, #tpu.memory_space<vmem>>) target_semaphore(%arg11 : memref<!tpu.dma_semaphore, #tpu.memory_space<semaphore_mem>>)
    } else {
    }
    %ge3A = arith.constant 320000 : i32
    %ge3A_9 = arith.cmpi sge, %add3A_6, %ge3A : i32
    %convert_element_type3A_10 = arith.extui %ge3A_9 : i1 to i32
    %cond3A_11 = arith.constant 0 : i32
    %cond3A_12 = arith.cmpi ne, %convert_element_type3A_10, %cond3A_11 : i32
    scf.if %cond3A_12 {
      %sub3A = arith.constant 320000 : i32
      %sub3A_350 = arith.subi %add3A_6, %sub3A : i32
      %dma_start3A_351 = arith.constant 0 : i32
      %dma_start3A_352 = arith.constant 0 : i32
      %dma_start3A_353 = arith.constant 0 : i32
      %dma_start3A_354 = arith.constant 0 : i32
      %dma_start3A_355 = tpu.memref_slice %arg7[%dma_start3A_351, %dma_start3A_352, %dma_start3A_353, %dma_start3A_354] : memref<3x1x2x128xi32, #tpu.memory_space<vmem>> -> memref<1x1x1x128xi32, #tpu.memory_space<vmem>>
      %dma_start3A_356 = tpu.memref_squeeze %dma_start3A_355 : memref<1x1x1x128xi32, #tpu.memory_space<vmem>> -> memref<128xi32, #tpu.memory_space<vmem>>
      %dma_start3A_357 = tpu.memref_slice %arg4[%sub3A_350] : memref<12160xi32, #tpu.memory_space<hbm>> -> memref<128xi32, #tpu.memory_space<hbm>>
      %dma_start3A_358 = arith.constant 0 : i32
      %dma_start3A_359 = tpu.memref_slice %arg7[%dma_start3A_351, %dma_start3A_352, %dma_start3A_353, %dma_start3A_358] : memref<3x1x2x128xi32, #tpu.memory_space<vmem>> -> memref<1x1x1x128xi32, #tpu.memory_space<vmem>>
      %dma_start3A_360 = tpu.memref_squeeze %dma_start3A_359 : memref<1x1x1x128xi32, #tpu.memory_space<vmem>> -> memref<128xi32, #tpu.memory_space<vmem>>
      %dma_start3A_361 = tpu.memref_slice %arg4[%sub3A_350] : memref<12160xi32, #tpu.memory_space<hbm>> -> memref<128xi32, #tpu.memory_space<hbm>>
      tpu.enqueue_dma source(%dma_start3A_361 : memref<128xi32, #tpu.memory_space<hbm>>) target(%dma_start3A_360 : memref<128xi32, #tpu.memory_space<vmem>>) target_semaphore(%arg11 : memref<!tpu.dma_semaphore, #tpu.memory_space<semaphore_mem>>)
      %sub3A_362 = arith.constant 320000 : i32
      %sub3A_363 = arith.subi %add3A_6, %sub3A_362 : i32
      %dma_start3A_364 = arith.constant 0 : i32
      %dma_start3A_365 = arith.constant 0 : i32
      %dma_start3A_366 = arith.constant 1 : i32
      %dma_start3A_367 = arith.constant 0 : i32
      %dma_start3A_368 = tpu.memref_slice %arg7[%dma_start3A_364, %dma_start3A_365, %dma_start3A_366, %dma_start3A_367] : memref<3x1x2x128xi32, #tpu.memory_space<vmem>> -> memref<1x1x1x128xi32, #tpu.memory_space<vmem>>
      %dma_start3A_369 = tpu.memref_squeeze %dma_start3A_368 : memref<1x1x1x128xi32, #tpu.memory_space<vmem>> -> memref<128xi32, #tpu.memory_space<vmem>>
      %dma_start3A_370 = tpu.memref_slice %arg5[%sub3A_363] : memref<12160xi32, #tpu.memory_space<hbm>> -> memref<128xi32, #tpu.memory_space<hbm>>
      %dma_start3A_371 = arith.constant 0 : i32
      %dma_start3A_372 = tpu.memref_slice %arg7[%dma_start3A_364, %dma_start3A_365, %dma_start3A_366, %dma_start3A_371] : memref<3x1x2x128xi32, #tpu.memory_space<vmem>> -> memref<1x1x1x128xi32, #tpu.memory_space<vmem>>
      %dma_start3A_373 = tpu.memref_squeeze %dma_start3A_372 : memref<1x1x1x128xi32, #tpu.memory_space<vmem>> -> memref<128xi32, #tpu.memory_space<vmem>>
      %dma_start3A_374 = tpu.memref_slice %arg5[%sub3A_363] : memref<12160xi32, #tpu.memory_space<hbm>> -> memref<128xi32, #tpu.memory_space<hbm>>
      tpu.enqueue_dma source(%dma_start3A_374 : memref<128xi32, #tpu.memory_space<hbm>>) target(%dma_start3A_373 : memref<128xi32, #tpu.memory_space<vmem>>) target_semaphore(%arg11 : memref<!tpu.dma_semaphore, #tpu.memory_space<semaphore_mem>>)
    } else {
    }
    %add3A_13 = arith.constant 128 : i32
    %add3A_14 = arith.addi %mul3A_4, %add3A_13 : i32
    %lt3A_15 = arith.constant 320000 : i32
    %lt3A_16 = arith.cmpi slt, %add3A_14, %lt3A_15 : i32
    %convert_element_type3A_17 = arith.extui %lt3A_16 : i1 to i32
    %cond3A_18 = arith.constant 0 : i32
    %cond3A_19 = arith.cmpi ne, %convert_element_type3A_17, %cond3A_18 : i32
    scf.if %cond3A_19 {
      %dma_start3A_350 = arith.constant 0 : i32
      %dma_start3A_351 = arith.constant 1 : i32
      %dma_start3A_352 = arith.constant 0 : i32
      %dma_start3A_353 = arith.constant 0 : i32
      %dma_start3A_354 = arith.constant 0 : i32
      %dma_start3A_355 = tpu.memref_slice %arg7[%dma_start3A_351, %dma_start3A_352, %dma_start3A_353, %dma_start3A_354] : memref<3x1x2x128xi32, #tpu.memory_space<vmem>> -> memref<1x1x1x128xi32, #tpu.memory_space<vmem>>
      %dma_start3A_356 = tpu.memref_squeeze %dma_start3A_355 : memref<1x1x1x128xi32, #tpu.memory_space<vmem>> -> memref<128xi32, #tpu.memory_space<vmem>>
      %dma_start3A_357 = tpu.memref_slice %arg3[%dma_start3A_350, %add3A_14] : memref<2x320000xi32, #tpu.memory_space<hbm>> -> memref<1x128xi32, #tpu.memory_space<hbm>>
      %dma_start3A_358 = tpu.memref_squeeze %dma_start3A_357 : memref<1x128xi32, #tpu.memory_space<hbm>> -> memref<128xi32, #tpu.memory_space<hbm>>
      %dma_start3A_359 = arith.constant 0 : i32
      %dma_start3A_360 = tpu.memref_slice %arg7[%dma_start3A_351, %dma_start3A_352, %dma_start3A_353, %dma_start3A_359] : memref<3x1x2x128xi32, #tpu.memory_space<vmem>> -> memref<1x1x1x128xi32, #tpu.memory_space<vmem>>
      %dma_start3A_361 = tpu.memref_squeeze %dma_start3A_360 : memref<1x1x1x128xi32, #tpu.memory_space<vmem>> -> memref<128xi32, #tpu.memory_space<vmem>>
      %dma_start3A_362 = tpu.memref_slice %arg3[%dma_start3A_350, %add3A_14] : memref<2x320000xi32, #tpu.memory_space<hbm>> -> memref<1x128xi32, #tpu.memory_space<hbm>>
      %dma_start3A_363 = tpu.memref_squeeze %dma_start3A_362 : memref<1x128xi32, #tpu.memory_space<hbm>> -> memref<128xi32, #tpu.memory_space<hbm>>
      tpu.enqueue_dma source(%dma_start3A_363 : memref<128xi32, #tpu.memory_space<hbm>>) target(%dma_start3A_361 : memref<128xi32, #tpu.memory_space<vmem>>) target_semaphore(%arg11 : memref<!tpu.dma_semaphore, #tpu.memory_space<semaphore_mem>>)
      %dma_start3A_364 = arith.constant 1 : i32
      %dma_start3A_365 = arith.constant 1 : i32
      %dma_start3A_366 = arith.constant 0 : i32
      %dma_start3A_367 = arith.constant 1 : i32
      %dma_start3A_368 = arith.constant 0 : i32
      %dma_start3A_369 = tpu.memref_slice %arg7[%dma_start3A_365, %dma_start3A_366, %dma_start3A_367, %dma_start3A_368] : memref<3x1x2x128xi32, #tpu.memory_space<vmem>> -> memref<1x1x1x128xi32, #tpu.memory_space<vmem>>
      %dma_start3A_370 = tpu.memref_squeeze %dma_start3A_369 : memref<1x1x1x128xi32, #tpu.memory_space<vmem>> -> memref<128xi32, #tpu.memory_space<vmem>>
      %dma_start3A_371 = tpu.memref_slice %arg3[%dma_start3A_364, %add3A_14] : memref<2x320000xi32, #tpu.memory_space<hbm>> -> memref<1x128xi32, #tpu.memory_space<hbm>>
      %dma_start3A_372 = tpu.memref_squeeze %dma_start3A_371 : memref<1x128xi32, #tpu.memory_space<hbm>> -> memref<128xi32, #tpu.memory_space<hbm>>
      %dma_start3A_373 = arith.constant 0 : i32
      %dma_start3A_374 = tpu.memref_slice %arg7[%dma_start3A_365, %dma_start3A_366, %dma_start3A_367, %dma_start3A_373] : memref<3x1x2x128xi32, #tpu.memory_space<vmem>> -> memref<1x1x1x128xi32, #tpu.memory_space<vmem>>
      %dma_start3A_375 = tpu.memref_squeeze %dma_start3A_374 : memref<1x1x1x128xi32, #tpu.memory_space<vmem>> -> memref<128xi32, #tpu.memory_space<vmem>>
      %dma_start3A_376 = tpu.memref_slice %arg3[%dma_start3A_364, %add3A_14] : memref<2x320000xi32, #tpu.memory_space<hbm>> -> memref<1x128xi32, #tpu.memory_space<hbm>>
      %dma_start3A_377 = tpu.memref_squeeze %dma_start3A_376 : memref<1x128xi32, #tpu.memory_space<hbm>> -> memref<128xi32, #tpu.memory_space<hbm>>
      tpu.enqueue_dma source(%dma_start3A_377 : memref<128xi32, #tpu.memory_space<hbm>>) target(%dma_start3A_375 : memref<128xi32, #tpu.memory_space<vmem>>) target_semaphore(%arg11 : memref<!tpu.dma_semaphore, #tpu.memory_space<semaphore_mem>>)
    } else {
    }
    %ge3A_20 = arith.constant 320000 : i32
    %ge3A_21 = arith.cmpi sge, %add3A_14, %ge3A_20 : i32
    %convert_element_type3A_22 = arith.extui %ge3A_21 : i1 to i32
    %cond3A_23 = arith.constant 0 : i32
    %cond3A_24 = arith.cmpi ne, %convert_element_type3A_22, %cond3A_23 : i32
    scf.if %cond3A_24 {
      %sub3A = arith.constant 320000 : i32
      %sub3A_350 = arith.subi %add3A_14, %sub3A : i32
      %dma_start3A_351 = arith.constant 1 : i32
      %dma_start3A_352 = arith.constant 0 : i32
      %dma_start3A_353 = arith.constant 0 : i32
      %dma_start3A_354 = arith.constant 0 : i32
      %dma_start3A_355 = tpu.memref_slice %arg7[%dma_start3A_351, %dma_start3A_352, %dma_start3A_353, %dma_start3A_354] : memref<3x1x2x128xi32, #tpu.memory_space<vmem>> -> memref<1x1x1x128xi32, #tpu.memory_space<vmem>>
      %dma_start3A_356 = tpu.memref_squeeze %dma_start3A_355 : memref<1x1x1x128xi32, #tpu.memory_space<vmem>> -> memref<128xi32, #tpu.memory_space<vmem>>
      %dma_start3A_357 = tpu.memref_slice %arg4[%sub3A_350] : memref<12160xi32, #tpu.memory_space<hbm>> -> memref<128xi32, #tpu.memory_space<hbm>>
      %dma_start3A_358 = arith.constant 0 : i32
      %dma_start3A_359 = tpu.memref_slice %arg7[%dma_start3A_351, %dma_start3A_352, %dma_start3A_353, %dma_start3A_358] : memref<3x1x2x128xi32, #tpu.memory_space<vmem>> -> memref<1x1x1x128xi32, #tpu.memory_space<vmem>>
      %dma_start3A_360 = tpu.memref_squeeze %dma_start3A_359 : memref<1x1x1x128xi32, #tpu.memory_space<vmem>> -> memref<128xi32, #tpu.memory_space<vmem>>
      %dma_start3A_361 = tpu.memref_slice %arg4[%sub3A_350] : memref<12160xi32, #tpu.memory_space<hbm>> -> memref<128xi32, #tpu.memory_space<hbm>>
      tpu.enqueue_dma source(%dma_start3A_361 : memref<128xi32, #tpu.memory_space<hbm>>) target(%dma_start3A_360 : memref<128xi32, #tpu.memory_space<vmem>>) target_semaphore(%arg11 : memref<!tpu.dma_semaphore, #tpu.memory_space<semaphore_mem>>)
      %sub3A_362 = arith.constant 320000 : i32
      %sub3A_363 = arith.subi %add3A_14, %sub3A_362 : i32
      %dma_start3A_364 = arith.constant 1 : i32
      %dma_start3A_365 = arith.constant 0 : i32
      %dma_start3A_366 = arith.constant 1 : i32
      %dma_start3A_367 = arith.constant 0 : i32
      %dma_start3A_368 = tpu.memref_slice %arg7[%dma_start3A_364, %dma_start3A_365, %dma_start3A_366, %dma_start3A_367] : memref<3x1x2x128xi32, #tpu.memory_space<vmem>> -> memref<1x1x1x128xi32, #tpu.memory_space<vmem>>
      %dma_start3A_369 = tpu.memref_squeeze %dma_start3A_368 : memref<1x1x1x128xi32, #tpu.memory_space<vmem>> -> memref<128xi32, #tpu.memory_space<vmem>>
      %dma_start3A_370 = tpu.memref_slice %arg5[%sub3A_363] : memref<12160xi32, #tpu.memory_space<hbm>> -> memref<128xi32, #tpu.memory_space<hbm>>
      %dma_start3A_371 = arith.constant 0 : i32
      %dma_start3A_372 = tpu.memref_slice %arg7[%dma_start3A_364, %dma_start3A_365, %dma_start3A_366, %dma_start3A_371] : memref<3x1x2x128xi32, #tpu.memory_space<vmem>> -> memref<1x1x1x128xi32, #tpu.memory_space<vmem>>
      %dma_start3A_373 = tpu.memref_squeeze %dma_start3A_372 : memref<1x1x1x128xi32, #tpu.memory_space<vmem>> -> memref<128xi32, #tpu.memory_space<vmem>>
      %dma_start3A_374 = tpu.memref_slice %arg5[%sub3A_363] : memref<12160xi32, #tpu.memory_space<hbm>> -> memref<128xi32, #tpu.memory_space<hbm>>
      tpu.enqueue_dma source(%dma_start3A_374 : memref<128xi32, #tpu.memory_space<hbm>>) target(%dma_start3A_373 : memref<128xi32, #tpu.memory_space<vmem>>) target_semaphore(%arg11 : memref<!tpu.dma_semaphore, #tpu.memory_space<semaphore_mem>>)
    } else {
    }
    %add3A_25 = arith.constant 256 : i32
    %add3A_26 = arith.addi %mul3A_4, %add3A_25 : i32
    %lt3A_27 = arith.constant 320000 : i32
    %lt3A_28 = arith.cmpi slt, %add3A_26, %lt3A_27 : i32
    %convert_element_type3A_29 = arith.extui %lt3A_28 : i1 to i32
    %cond3A_30 = arith.constant 0 : i32
    %cond3A_31 = arith.cmpi ne, %convert_element_type3A_29, %cond3A_30 : i32
    scf.if %cond3A_31 {
      %dma_start3A_350 = arith.constant 0 : i32
      %dma_start3A_351 = arith.constant 2 : i32
      %dma_start3A_352 = arith.constant 0 : i32
      %dma_start3A_353 = arith.constant 0 : i32
      %dma_start3A_354 = arith.constant 0 : i32
      %dma_start3A_355 = tpu.memref_slice %arg7[%dma_start3A_351, %dma_start3A_352, %dma_start3A_353, %dma_start3A_354] : memref<3x1x2x128xi32, #tpu.memory_space<vmem>> -> memref<1x1x1x128xi32, #tpu.memory_space<vmem>>
      %dma_start3A_356 = tpu.memref_squeeze %dma_start3A_355 : memref<1x1x1x128xi32, #tpu.memory_space<vmem>> -> memref<128xi32, #tpu.memory_space<vmem>>
      %dma_start3A_357 = tpu.memref_slice %arg3[%dma_start3A_350, %add3A_26] : memref<2x320000xi32, #tpu.memory_space<hbm>> -> memref<1x128xi32, #tpu.memory_space<hbm>>
      %dma_start3A_358 = tpu.memref_squeeze %dma_start3A_357 : memref<1x128xi32, #tpu.memory_space<hbm>> -> memref<128xi32, #tpu.memory_space<hbm>>
      %dma_start3A_359 = arith.constant 0 : i32
      %dma_start3A_360 = tpu.memref_slice %arg7[%dma_start3A_351, %dma_start3A_352, %dma_start3A_353, %dma_start3A_359] : memref<3x1x2x128xi32, #tpu.memory_space<vmem>> -> memref<1x1x1x128xi32, #tpu.memory_space<vmem>>
      %dma_start3A_361 = tpu.memref_squeeze %dma_start3A_360 : memref<1x1x1x128xi32, #tpu.memory_space<vmem>> -> memref<128xi32, #tpu.memory_space<vmem>>
      %dma_start3A_362 = tpu.memref_slice %arg3[%dma_start3A_350, %add3A_26] : memref<2x320000xi32, #tpu.memory_space<hbm>> -> memref<1x128xi32, #tpu.memory_space<hbm>>
      %dma_start3A_363 = tpu.memref_squeeze %dma_start3A_362 : memref<1x128xi32, #tpu.memory_space<hbm>> -> memref<128xi32, #tpu.memory_space<hbm>>
      tpu.enqueue_dma source(%dma_start3A_363 : memref<128xi32, #tpu.memory_space<hbm>>) target(%dma_start3A_361 : memref<128xi32, #tpu.memory_space<vmem>>) target_semaphore(%arg11 : memref<!tpu.dma_semaphore, #tpu.memory_space<semaphore_mem>>)
      %dma_start3A_364 = arith.constant 1 : i32
      %dma_start3A_365 = arith.constant 2 : i32
      %dma_start3A_366 = arith.constant 0 : i32
      %dma_start3A_367 = arith.constant 1 : i32
      %dma_start3A_368 = arith.constant 0 : i32
      %dma_start3A_369 = tpu.memref_slice %arg7[%dma_start3A_365, %dma_start3A_366, %dma_start3A_367, %dma_start3A_368] : memref<3x1x2x128xi32, #tpu.memory_space<vmem>> -> memref<1x1x1x128xi32, #tpu.memory_space<vmem>>
      %dma_start3A_370 = tpu.memref_squeeze %dma_start3A_369 : memref<1x1x1x128xi32, #tpu.memory_space<vmem>> -> memref<128xi32, #tpu.memory_space<vmem>>
      %dma_start3A_371 = tpu.memref_slice %arg3[%dma_start3A_364, %add3A_26] : memref<2x320000xi32, #tpu.memory_space<hbm>> -> memref<1x128xi32, #tpu.memory_space<hbm>>
      %dma_start3A_372 = tpu.memref_squeeze %dma_start3A_371 : memref<1x128xi32, #tpu.memory_space<hbm>> -> memref<128xi32, #tpu.memory_space<hbm>>
      %dma_start3A_373 = arith.constant 0 : i32
      %dma_start3A_374 = tpu.memref_slice %arg7[%dma_start3A_365, %dma_start3A_366, %dma_start3A_367, %dma_start3A_373] : memref<3x1x2x128xi32, #tpu.memory_space<vmem>> -> memref<1x1x1x128xi32, #tpu.memory_space<vmem>>
      %dma_start3A_375 = tpu.memref_squeeze %dma_start3A_374 : memref<1x1x1x128xi32, #tpu.memory_space<vmem>> -> memref<128xi32, #tpu.memory_space<vmem>>
      %dma_start3A_376 = tpu.memref_slice %arg3[%dma_start3A_364, %add3A_26] : memref<2x320000xi32, #tpu.memory_space<hbm>> -> memref<1x128xi32, #tpu.memory_space<hbm>>
      %dma_start3A_377 = tpu.memref_squeeze %dma_start3A_376 : memref<1x128xi32, #tpu.memory_space<hbm>> -> memref<128xi32, #tpu.memory_space<hbm>>
      tpu.enqueue_dma source(%dma_start3A_377 : memref<128xi32, #tpu.memory_space<hbm>>) target(%dma_start3A_375 : memref<128xi32, #tpu.memory_space<vmem>>) target_semaphore(%arg11 : memref<!tpu.dma_semaphore, #tpu.memory_space<semaphore_mem>>)
    } else {
    }
    %ge3A_32 = arith.constant 320000 : i32
    %ge3A_33 = arith.cmpi sge, %add3A_26, %ge3A_32 : i32
    %convert_element_type3A_34 = arith.extui %ge3A_33 : i1 to i32
    %cond3A_35 = arith.constant 0 : i32
    %cond3A_36 = arith.cmpi ne, %convert_element_type3A_34, %cond3A_35 : i32
    scf.if %cond3A_36 {
      %sub3A = arith.constant 320000 : i32
      %sub3A_350 = arith.subi %add3A_26, %sub3A : i32
      %dma_start3A_351 = arith.constant 2 : i32
      %dma_start3A_352 = arith.constant 0 : i32
      %dma_start3A_353 = arith.constant 0 : i32
      %dma_start3A_354 = arith.constant 0 : i32
      %dma_start3A_355 = tpu.memref_slice %arg7[%dma_start3A_351, %dma_start3A_352, %dma_start3A_353, %dma_start3A_354] : memref<3x1x2x128xi32, #tpu.memory_space<vmem>> -> memref<1x1x1x128xi32, #tpu.memory_space<vmem>>
      %dma_start3A_356 = tpu.memref_squeeze %dma_start3A_355 : memref<1x1x1x128xi32, #tpu.memory_space<vmem>> -> memref<128xi32, #tpu.memory_space<vmem>>
      %dma_start3A_357 = tpu.memref_slice %arg4[%sub3A_350] : memref<12160xi32, #tpu.memory_space<hbm>> -> memref<128xi32, #tpu.memory_space<hbm>>
      %dma_start3A_358 = arith.constant 0 : i32
      %dma_start3A_359 = tpu.memref_slice %arg7[%dma_start3A_351, %dma_start3A_352, %dma_start3A_353, %dma_start3A_358] : memref<3x1x2x128xi32, #tpu.memory_space<vmem>> -> memref<1x1x1x128xi32, #tpu.memory_space<vmem>>
      %dma_start3A_360 = tpu.memref_squeeze %dma_start3A_359 : memref<1x1x1x128xi32, #tpu.memory_space<vmem>> -> memref<128xi32, #tpu.memory_space<vmem>>
      %dma_start3A_361 = tpu.memref_slice %arg4[%sub3A_350] : memref<12160xi32, #tpu.memory_space<hbm>> -> memref<128xi32, #tpu.memory_space<hbm>>
      tpu.enqueue_dma source(%dma_start3A_361 : memref<128xi32, #tpu.memory_space<hbm>>) target(%dma_start3A_360 : memref<128xi32, #tpu.memory_space<vmem>>) target_semaphore(%arg11 : memref<!tpu.dma_semaphore, #tpu.memory_space<semaphore_mem>>)
      %sub3A_362 = arith.constant 320000 : i32
      %sub3A_363 = arith.subi %add3A_26, %sub3A_362 : i32
      %dma_start3A_364 = arith.constant 2 : i32
      %dma_start3A_365 = arith.constant 0 : i32
      %dma_start3A_366 = arith.constant 1 : i32
      %dma_start3A_367 = arith.constant 0 : i32
      %dma_start3A_368 = tpu.memref_slice %arg7[%dma_start3A_364, %dma_start3A_365, %dma_start3A_366, %dma_start3A_367] : memref<3x1x2x128xi32, #tpu.memory_space<vmem>> -> memref<1x1x1x128xi32, #tpu.memory_space<vmem>>
      %dma_start3A_369 = tpu.memref_squeeze %dma_start3A_368 : memref<1x1x1x128xi32, #tpu.memory_space<vmem>> -> memref<128xi32, #tpu.memory_space<vmem>>
      %dma_start3A_370 = tpu.memref_slice %arg5[%sub3A_363] : memref<12160xi32, #tpu.memory_space<hbm>> -> memref<128xi32, #tpu.memory_space<hbm>>
      %dma_start3A_371 = arith.constant 0 : i32
      %dma_start3A_372 = tpu.memref_slice %arg7[%dma_start3A_364, %dma_start3A_365, %dma_start3A_366, %dma_start3A_371] : memref<3x1x2x128xi32, #tpu.memory_space<vmem>> -> memref<1x1x1x128xi32, #tpu.memory_space<vmem>>
      %dma_start3A_373 = tpu.memref_squeeze %dma_start3A_372 : memref<1x1x1x128xi32, #tpu.memory_space<vmem>> -> memref<128xi32, #tpu.memory_space<vmem>>
      %dma_start3A_374 = tpu.memref_slice %arg5[%sub3A_363] : memref<12160xi32, #tpu.memory_space<hbm>> -> memref<128xi32, #tpu.memory_space<hbm>>
      tpu.enqueue_dma source(%dma_start3A_374 : memref<128xi32, #tpu.memory_space<hbm>>) target(%dma_start3A_373 : memref<128xi32, #tpu.memory_space<vmem>>) target_semaphore(%arg11 : memref<!tpu.dma_semaphore, #tpu.memory_space<semaphore_mem>>)
    } else {
    }
    %scan3A = arith.constant 0 : i32
    %scan3A_37 = arith.constant 0 : i32
    %scan3A_38 = arith.constant 128 : i32
    %scan3A_39 = arith.addi %scan3A_37, %scan3A_38 : i32
    %scan3A_40 = arith.constant 1 : i32
    scf.for %scan3A_350 = %scan3A_37 to %scan3A_39 step %scan3A_40  : i32 {
      %broadcast_in_dim3A = arith.constant 0.000000e+00 : f32
      %broadcast_in_dim3A_351 = vector.broadcast %broadcast_in_dim3A : f32 to vector<16xf32>
      %swap3A = arith.constant 0 : i32
      %swap3A_352 = arith.index_cast %swap3A : i32 to index
      %swap3A_353 = arith.index_cast %scan3A_350 : i32 to index
      %swap3A_354 = arith.constant 0 : index
      %swap3A_355 = tpu.vector_load %arg8[%swap3A_352, %swap3A_353, %swap3A_354] {strides = array<i32>} : memref<3x128x128xf32, #tpu.memory_space<vmem>>, vector<1x1x16xf32>,
      %swap3A_356 = vector.shape_cast %swap3A_355 : vector<1x1x16xf32> to vector<16xf32>
      %swap3A_357 = vector.shape_cast %broadcast_in_dim3A_351 : vector<16xf32> to vector<1x1x16xf32>
      tpu.vector_store %arg8[%swap3A_352, %swap3A_353, %swap3A_354], %swap3A_357 {strides = array<i32>} : memref<3x128x128xf32, #tpu.memory_space<vmem>>, vector<1x1x16xf32>,
      %broadcast_in_dim3A_358 = arith.constant 0.000000e+00 : f32
      %broadcast_in_dim3A_359 = vector.broadcast %broadcast_in_dim3A_358 : f32 to vector<16xf32>
      %swap3A_360 = arith.constant 0 : i32
      %swap3A_361 = arith.index_cast %swap3A_360 : i32 to index
      %swap3A_362 = arith.index_cast %scan3A_350 : i32 to index
      %swap3A_363 = arith.constant 16 : index
      %swap3A_364 = tpu.vector_load %arg8[%swap3A_361, %swap3A_362, %swap3A_363] {strides = array<i32>} : memref<3x128x128xf32, #tpu.memory_space<vmem>>, vector<1x1x16xf32>,
      %swap3A_365 = vector.shape_cast %swap3A_364 : vector<1x1x16xf32> to vector<16xf32>
      %swap3A_366 = vector.shape_cast %broadcast_in_dim3A_359 : vector<16xf32> to vector<1x1x16xf32>
      tpu.vector_store %arg8[%swap3A_361, %swap3A_362, %swap3A_363], %swap3A_366 {strides = array<i32>} : memref<3x128x128xf32, #tpu.memory_space<vmem>>, vector<1x1x16xf32>,
      %broadcast_in_dim3A_367 = arith.constant 0.000000e+00 : f32
      %broadcast_in_dim3A_368 = vector.broadcast %broadcast_in_dim3A_367 : f32 to vector<16xf32>
      %swap3A_369 = arith.constant 0 : i32
      %swap3A_370 = arith.index_cast %swap3A_369 : i32 to index
      %swap3A_371 = arith.index_cast %scan3A_350 : i32 to index
      %swap3A_372 = arith.constant 32 : index
      %swap3A_373 = tpu.vector_load %arg8[%swap3A_370, %swap3A_371, %swap3A_372] {strides = array<i32>} : memref<3x128x128xf32, #tpu.memory_space<vmem>>, vector<1x1x16xf32>,
      %swap3A_374 = vector.shape_cast %swap3A_373 : vector<1x1x16xf32> to vector<16xf32>
      %swap3A_375 = vector.shape_cast %broadcast_in_dim3A_368 : vector<16xf32> to vector<1x1x16xf32>
      tpu.vector_store %arg8[%swap3A_370, %swap3A_371, %swap3A_372], %swap3A_375 {strides = array<i32>} : memref<3x128x128xf32, #tpu.memory_space<vmem>>, vector<1x1x16xf32>,
      %broadcast_in_dim3A_376 = arith.constant 0.000000e+00 : f32
      %broadcast_in_dim3A_377 = vector.broadcast %broadcast_in_dim3A_376 : f32 to vector<16xf32>
      %swap3A_378 = arith.constant 0 : i32
      %swap3A_379 = arith.index_cast %swap3A_378 : i32 to index
      %swap3A_380 = arith.index_cast %scan3A_350 : i32 to index
      %swap3A_381 = arith.constant 48 : index
      %swap3A_382 = tpu.vector_load %arg8[%swap3A_379, %swap3A_380, %swap3A_381] {strides = array<i32>} : memref<3x128x128xf32, #tpu.memory_space<vmem>>, vector<1x1x16xf32>,
      %swap3A_383 = vector.shape_cast %swap3A_382 : vector<1x1x16xf32> to vector<16xf32>
      %swap3A_384 = vector.shape_cast %broadcast_in_dim3A_377 : vector<16xf32> to vector<1x1x16xf32>
      tpu.vector_store %arg8[%swap3A_379, %swap3A_380, %swap3A_381], %swap3A_384 {strides = array<i32>} : memref<3x128x128xf32, #tpu.memory_space<vmem>>, vector<1x1x16xf32>,
      %broadcast_in_dim3A_385 = arith.constant 0.000000e+00 : f32
      %broadcast_in_dim3A_386 = vector.broadcast %broadcast_in_dim3A_385 : f32 to vector<16xf32>
      %swap3A_387 = arith.constant 0 : i32
      %swap3A_388 = arith.index_cast %swap3A_387 : i32 to index
      %swap3A_389 = arith.index_cast %scan3A_350 : i32 to index
      %swap3A_390 = arith.constant 64 : index
      %swap3A_391 = tpu.vector_load %arg8[%swap3A_388, %swap3A_389, %swap3A_390] {strides = array<i32>} : memref<3x128x128xf32, #tpu.memory_space<vmem>>, vector<1x1x16xf32>,
      %swap3A_392 = vector.shape_cast %swap3A_391 : vector<1x1x16xf32> to vector<16xf32>
      %swap3A_393 = vector.shape_cast %broadcast_in_dim3A_386 : vector<16xf32> to vector<1x1x16xf32>
      tpu.vector_store %arg8[%swap3A_388, %swap3A_389, %swap3A_390], %swap3A_393 {strides = array<i32>} : memref<3x128x128xf32, #tpu.memory_space<vmem>>, vector<1x1x16xf32>,
      %broadcast_in_dim3A_394 = arith.constant 0.000000e+00 : f32
      %broadcast_in_dim3A_395 = vector.broadcast %broadcast_in_dim3A_394 : f32 to vector<16xf32>
      %swap3A_396 = arith.constant 0 : i32
      %swap3A_397 = arith.index_cast %swap3A_396 : i32 to index
      %swap3A_398 = arith.index_cast %scan3A_350 : i32 to index
      %swap3A_399 = arith.constant 80 : index
      %swap3A_400 = tpu.vector_load %arg8[%swap3A_397, %swap3A_398, %swap3A_399] {strides = array<i32>} : memref<3x128x128xf32, #tpu.memory_space<vmem>>, vector<1x1x16xf32>,
      %swap3A_401 = vector.shape_cast %swap3A_400 : vector<1x1x16xf32> to vector<16xf32>
      %swap3A_402 = vector.shape_cast %broadcast_in_dim3A_395 : vector<16xf32> to vector<1x1x16xf32>
      tpu.vector_store %arg8[%swap3A_397, %swap3A_398, %swap3A_399], %swap3A_402 {strides = array<i32>} : memref<3x128x128xf32, #tpu.memory_space<vmem>>, vector<1x1x16xf32>,
      %broadcast_in_dim3A_403 = arith.constant 0.000000e+00 : f32
      %broadcast_in_dim3A_404 = vector.broadcast %broadcast_in_dim3A_403 : f32 to vector<16xf32>
      %swap3A_405 = arith.constant 0 : i32
      %swap3A_406 = arith.index_cast %swap3A_405 : i32 to index
      %swap3A_407 = arith.index_cast %scan3A_350 : i32 to index
      %swap3A_408 = arith.constant 96 : index
      %swap3A_409 = tpu.vector_load %arg8[%swap3A_406, %swap3A_407, %swap3A_408] {strides = array<i32>} : memref<3x128x128xf32, #tpu.memory_space<vmem>>, vector<1x1x16xf32>,
      %swap3A_410 = vector.shape_cast %swap3A_409 : vector<1x1x16xf32> to vector<16xf32>
      %swap3A_411 = vector.shape_cast %broadcast_in_dim3A_404 : vector<16xf32> to vector<1x1x16xf32>
      tpu.vector_store %arg8[%swap3A_406, %swap3A_407, %swap3A_408], %swap3A_411 {strides = array<i32>} : memref<3x128x128xf32, #tpu.memory_space<vmem>>, vector<1x1x16xf32>,
      %broadcast_in_dim3A_412 = arith.constant 0.000000e+00 : f32
      %broadcast_in_dim3A_413 = vector.broadcast %broadcast_in_dim3A_412 : f32 to vector<16xf32>
      %swap3A_414 = arith.constant 0 : i32
      %swap3A_415 = arith.index_cast %swap3A_414 : i32 to index
      %swap3A_416 = arith.index_cast %scan3A_350 : i32 to index
      %swap3A_417 = arith.constant 112 : index
      %swap3A_418 = tpu.vector_load %arg8[%swap3A_415, %swap3A_416, %swap3A_417] {strides = array<i32>} : memref<3x128x128xf32, #tpu.memory_space<vmem>>, vector<1x1x16xf32>,
      %swap3A_419 = vector.shape_cast %swap3A_418 : vector<1x1x16xf32> to vector<16xf32>
      %swap3A_420 = vector.shape_cast %broadcast_in_dim3A_413 : vector<16xf32> to vector<1x1x16xf32>
      tpu.vector_store %arg8[%swap3A_415, %swap3A_416, %swap3A_417], %swap3A_420 {strides = array<i32>} : memref<3x128x128xf32, #tpu.memory_space<vmem>>, vector<1x1x16xf32>,
      %broadcast_in_dim3A_421 = arith.constant 0.000000e+00 : f32
      %broadcast_in_dim3A_422 = vector.broadcast %broadcast_in_dim3A_421 : f32 to vector<16xf32>
      %swap3A_423 = arith.constant 1 : i32
      %swap3A_424 = arith.index_cast %swap3A_423 : i32 to index
      %swap3A_425 = arith.index_cast %scan3A_350 : i32 to index
      %swap3A_426 = arith.constant 0 : index
      %swap3A_427 = tpu.vector_load %arg8[%swap3A_424, %swap3A_425, %swap3A_426] {strides = array<i32>} : memref<3x128x128xf32, #tpu.memory_space<vmem>>, vector<1x1x16xf32>,
      %swap3A_428 = vector.shape_cast %swap3A_427 : vector<1x1x16xf32> to vector<16xf32>
      %swap3A_429 = vector.shape_cast %broadcast_in_dim3A_422 : vector<16xf32> to vector<1x1x16xf32>
      tpu.vector_store %arg8[%swap3A_424, %swap3A_425, %swap3A_426], %swap3A_429 {strides = array<i32>} : memref<3x128x128xf32, #tpu.memory_space<vmem>>, vector<1x1x16xf32>,
      %broadcast_in_dim3A_430 = arith.constant 0.000000e+00 : f32
      %broadcast_in_dim3A_431 = vector.broadcast %broadcast_in_dim3A_430 : f32 to vector<16xf32>
      %swap3A_432 = arith.constant 1 : i32
      %swap3A_433 = arith.index_cast %swap3A_432 : i32 to index
      %swap3A_434 = arith.index_cast %scan3A_350 : i32 to index
      %swap3A_435 = arith.constant 16 : index
      %swap3A_436 = tpu.vector_load %arg8[%swap3A_433, %swap3A_434, %swap3A_435] {strides = array<i32>} : memref<3x128x128xf32, #tpu.memory_space<vmem>>, vector<1x1x16xf32>,
      %swap3A_437 = vector.shape_cast %swap3A_436 : vector<1x1x16xf32> to vector<16xf32>
      %swap3A_438 = vector.shape_cast %broadcast_in_dim3A_431 : vector<16xf32> to vector<1x1x16xf32>
      tpu.vector_store %arg8[%swap3A_433, %swap3A_434, %swap3A_435], %swap3A_438 {strides = array<i32>} : memref<3x128x128xf32, #tpu.memory_space<vmem>>, vector<1x1x16xf32>,
      %broadcast_in_dim3A_439 = arith.constant 0.000000e+00 : f32
      %broadcast_in_dim3A_440 = vector.broadcast %broadcast_in_dim3A_439 : f32 to vector<16xf32>
      %swap3A_441 = arith.constant 1 : i32
      %swap3A_442 = arith.index_cast %swap3A_441 : i32 to index
      %swap3A_443 = arith.index_cast %scan3A_350 : i32 to index
      %swap3A_444 = arith.constant 32 : index
      %swap3A_445 = tpu.vector_load %arg8[%swap3A_442, %swap3A_443, %swap3A_444] {strides = array<i32>} : memref<3x128x128xf32, #tpu.memory_space<vmem>>, vector<1x1x16xf32>,
      %swap3A_446 = vector.shape_cast %swap3A_445 : vector<1x1x16xf32> to vector<16xf32>
      %swap3A_447 = vector.shape_cast %broadcast_in_dim3A_440 : vector<16xf32> to vector<1x1x16xf32>
      tpu.vector_store %arg8[%swap3A_442, %swap3A_443, %swap3A_444], %swap3A_447 {strides = array<i32>} : memref<3x128x128xf32, #tpu.memory_space<vmem>>, vector<1x1x16xf32>,
      %broadcast_in_dim3A_448 = arith.constant 0.000000e+00 : f32
      %broadcast_in_dim3A_449 = vector.broadcast %broadcast_in_dim3A_448 : f32 to vector<16xf32>
      %swap3A_450 = arith.constant 1 : i32
      %swap3A_451 = arith.index_cast %swap3A_450 : i32 to index
      %swap3A_452 = arith.index_cast %scan3A_350 : i32 to index
      %swap3A_453 = arith.constant 48 : index
      %swap3A_454 = tpu.vector_load %arg8[%swap3A_451, %swap3A_452, %swap3A_453] {strides = array<i32>} : memref<3x128x128xf32, #tpu.memory_space<vmem>>, vector<1x1x16xf32>,
      %swap3A_455 = vector.shape_cast %swap3A_454 : vector<1x1x16xf32> to vector<16xf32>
      %swap3A_456 = vector.shape_cast %broadcast_in_dim3A_449 : vector<16xf32> to vector<1x1x16xf32>
      tpu.vector_store %arg8[%swap3A_451, %swap3A_452, %swap3A_453], %swap3A_456 {strides = array<i32>} : memref<3x128x128xf32, #tpu.memory_space<vmem>>, vector<1x1x16xf32>,
      %broadcast_in_dim3A_457 = arith.constant 0.000000e+00 : f32
      %broadcast_in_dim3A_458 = vector.broadcast %broadcast_in_dim3A_457 : f32 to vector<16xf32>
      %swap3A_459 = arith.constant 1 : i32
      %swap3A_460 = arith.index_cast %swap3A_459 : i32 to index
      %swap3A_461 = arith.index_cast %scan3A_350 : i32 to index
      %swap3A_462 = arith.constant 64 : index
      %swap3A_463 = tpu.vector_load %arg8[%swap3A_460, %swap3A_461, %swap3A_462] {strides = array<i32>} : memref<3x128x128xf32, #tpu.memory_space<vmem>>, vector<1x1x16xf32>,
      %swap3A_464 = vector.shape_cast %swap3A_463 : vector<1x1x16xf32> to vector<16xf32>
      %swap3A_465 = vector.shape_cast %broadcast_in_dim3A_458 : vector<16xf32> to vector<1x1x16xf32>
      tpu.vector_store %arg8[%swap3A_460, %swap3A_461, %swap3A_462], %swap3A_465 {strides = array<i32>} : memref<3x128x128xf32, #tpu.memory_space<vmem>>, vector<1x1x16xf32>,
      %broadcast_in_dim3A_466 = arith.constant 0.000000e+00 : f32
      %broadcast_in_dim3A_467 = vector.broadcast %broadcast_in_dim3A_466 : f32 to vector<16xf32>
      %swap3A_468 = arith.constant 1 : i32
      %swap3A_469 = arith.index_cast %swap3A_468 : i32 to index
      %swap3A_470 = arith.index_cast %scan3A_350 : i32 to index
      %swap3A_471 = arith.constant 80 : index
      %swap3A_472 = tpu.vector_load %arg8[%swap3A_469, %swap3A_470, %swap3A_471] {strides = array<i32>} : memref<3x128x128xf32, #tpu.memory_space<vmem>>, vector<1x1x16xf32>,
      %swap3A_473 = vector.shape_cast %swap3A_472 : vector<1x1x16xf32> to vector<16xf32>
      %swap3A_474 = vector.shape_cast %broadcast_in_dim3A_467 : vector<16xf32> to vector<1x1x16xf32>
      tpu.vector_store %arg8[%swap3A_469, %swap3A_470, %swap3A_471], %swap3A_474 {strides = array<i32>} : memref<3x128x128xf32, #tpu.memory_space<vmem>>, vector<1x1x16xf32>,
      %broadcast_in_dim3A_475 = arith.constant 0.000000e+00 : f32
      %broadcast_in_dim3A_476 = vector.broadcast %broadcast_in_dim3A_475 : f32 to vector<16xf32>
      %swap3A_477 = arith.constant 1 : i32
      %swap3A_478 = arith.index_cast %swap3A_477 : i32 to index
      %swap3A_479 = arith.index_cast %scan3A_350 : i32 to index
      %swap3A_480 = arith.constant 96 : index
      %swap3A_481 = tpu.vector_load %arg8[%swap3A_478, %swap3A_479, %swap3A_480] {strides = array<i32>} : memref<3x128x128xf32, #tpu.memory_space<vmem>>, vector<1x1x16xf32>,
      %swap3A_482 = vector.shape_cast %swap3A_481 : vector<1x1x16xf32> to vector<16xf32>
      %swap3A_483 = vector.shape_cast %broadcast_in_dim3A_476 : vector<16xf32> to vector<1x1x16xf32>
      tpu.vector_store %arg8[%swap3A_478, %swap3A_479, %swap3A_480], %swap3A_483 {strides = array<i32>} : memref<3x128x128xf32, #tpu.memory_space<vmem>>, vector<1x1x16xf32>,
      %broadcast_in_dim3A_484 = arith.constant 0.000000e+00 : f32
      %broadcast_in_dim3A_485 = vector.broadcast %broadcast_in_dim3A_484 : f32 to vector<16xf32>
      %swap3A_486 = arith.constant 1 : i32
      %swap3A_487 = arith.index_cast %swap3A_486 : i32 to index
      %swap3A_488 = arith.index_cast %scan3A_350 : i32 to index
      %swap3A_489 = arith.constant 112 : index
      %swap3A_490 = tpu.vector_load %arg8[%swap3A_487, %swap3A_488, %swap3A_489] {strides = array<i32>} : memref<3x128x128xf32, #tpu.memory_space<vmem>>, vector<1x1x16xf32>,
      %swap3A_491 = vector.shape_cast %swap3A_490 : vector<1x1x16xf32> to vector<16xf32>
      %swap3A_492 = vector.shape_cast %broadcast_in_dim3A_485 : vector<16xf32> to vector<1x1x16xf32>
      tpu.vector_store %arg8[%swap3A_487, %swap3A_488, %swap3A_489], %swap3A_492 {strides = array<i32>} : memref<3x128x128xf32, #tpu.memory_space<vmem>>, vector<1x1x16xf32>,
      %broadcast_in_dim3A_493 = arith.constant 0.000000e+00 : f32
      %broadcast_in_dim3A_494 = vector.broadcast %broadcast_in_dim3A_493 : f32 to vector<16xf32>
      %swap3A_495 = arith.constant 2 : i32
      %swap3A_496 = arith.index_cast %swap3A_495 : i32 to index
      %swap3A_497 = arith.index_cast %scan3A_350 : i32 to index
      %swap3A_498 = arith.constant 0 : index
      %swap3A_499 = tpu.vector_load %arg8[%swap3A_496, %swap3A_497, %swap3A_498] {strides = array<i32>} : memref<3x128x128xf32, #tpu.memory_space<vmem>>, vector<1x1x16xf32>,
      %swap3A_500 = vector.shape_cast %swap3A_499 : vector<1x1x16xf32> to vector<16xf32>
      %swap3A_501 = vector.shape_cast %broadcast_in_dim3A_494 : vector<16xf32> to vector<1x1x16xf32>
      tpu.vector_store %arg8[%swap3A_496, %swap3A_497, %swap3A_498], %swap3A_501 {strides = array<i32>} : memref<3x128x128xf32, #tpu.memory_space<vmem>>, vector<1x1x16xf32>,
      %broadcast_in_dim3A_502 = arith.constant 0.000000e+00 : f32
      %broadcast_in_dim3A_503 = vector.broadcast %broadcast_in_dim3A_502 : f32 to vector<16xf32>
      %swap3A_504 = arith.constant 2 : i32
      %swap3A_505 = arith.index_cast %swap3A_504 : i32 to index
      %swap3A_506 = arith.index_cast %scan3A_350 : i32 to index
      %swap3A_507 = arith.constant 16 : index
      %swap3A_508 = tpu.vector_load %arg8[%swap3A_505, %swap3A_506, %swap3A_507] {strides = array<i32>} : memref<3x128x128xf32, #tpu.memory_space<vmem>>, vector<1x1x16xf32>,
      %swap3A_509 = vector.shape_cast %swap3A_508 : vector<1x1x16xf32> to vector<16xf32>
      %swap3A_510 = vector.shape_cast %broadcast_in_dim3A_503 : vector<16xf32> to vector<1x1x16xf32>
      tpu.vector_store %arg8[%swap3A_505, %swap3A_506, %swap3A_507], %swap3A_510 {strides = array<i32>} : memref<3x128x128xf32, #tpu.memory_space<vmem>>, vector<1x1x16xf32>,
      %broadcast_in_dim3A_511 = arith.constant 0.000000e+00 : f32
      %broadcast_in_dim3A_512 = vector.broadcast %broadcast_in_dim3A_511 : f32 to vector<16xf32>
      %swap3A_513 = arith.constant 2 : i32
      %swap3A_514 = arith.index_cast %swap3A_513 : i32 to index
      %swap3A_515 = arith.index_cast %scan3A_350 : i32 to index
      %swap3A_516 = arith.constant 32 : index
      %swap3A_517 = tpu.vector_load %arg8[%swap3A_514, %swap3A_515, %swap3A_516] {strides = array<i32>} : memref<3x128x128xf32, #tpu.memory_space<vmem>>, vector<1x1x16xf32>,
      %swap3A_518 = vector.shape_cast %swap3A_517 : vector<1x1x16xf32> to vector<16xf32>
      %swap3A_519 = vector.shape_cast %broadcast_in_dim3A_512 : vector<16xf32> to vector<1x1x16xf32>
      tpu.vector_store %arg8[%swap3A_514, %swap3A_515, %swap3A_516], %swap3A_519 {strides = array<i32>} : memref<3x128x128xf32, #tpu.memory_space<vmem>>, vector<1x1x16xf32>,
      %broadcast_in_dim3A_520 = arith.constant 0.000000e+00 : f32
      %broadcast_in_dim3A_521 = vector.broadcast %broadcast_in_dim3A_520 : f32 to vector<16xf32>
      %swap3A_522 = arith.constant 2 : i32
      %swap3A_523 = arith.index_cast %swap3A_522 : i32 to index
      %swap3A_524 = arith.index_cast %scan3A_350 : i32 to index
      %swap3A_525 = arith.constant 48 : index
      %swap3A_526 = tpu.vector_load %arg8[%swap3A_523, %swap3A_524, %swap3A_525] {strides = array<i32>} : memref<3x128x128xf32, #tpu.memory_space<vmem>>, vector<1x1x16xf32>,
      %swap3A_527 = vector.shape_cast %swap3A_526 : vector<1x1x16xf32> to vector<16xf32>
      %swap3A_528 = vector.shape_cast %broadcast_in_dim3A_521 : vector<16xf32> to vector<1x1x16xf32>
      tpu.vector_store %arg8[%swap3A_523, %swap3A_524, %swap3A_525], %swap3A_528 {strides = array<i32>} : memref<3x128x128xf32, #tpu.memory_space<vmem>>, vector<1x1x16xf32>,
      %broadcast_in_dim3A_529 = arith.constant 0.000000e+00 : f32
      %broadcast_in_dim3A_530 = vector.broadcast %broadcast_in_dim3A_529 : f32 to vector<16xf32>
      %swap3A_531 = arith.constant 2 : i32
      %swap3A_532 = arith.index_cast %swap3A_531 : i32 to index
      %swap3A_533 = arith.index_cast %scan3A_350 : i32 to index
      %swap3A_534 = arith.constant 64 : index
      %swap3A_535 = tpu.vector_load %arg8[%swap3A_532, %swap3A_533, %swap3A_534] {strides = array<i32>} : memref<3x128x128xf32, #tpu.memory_space<vmem>>, vector<1x1x16xf32>,
      %swap3A_536 = vector.shape_cast %swap3A_535 : vector<1x1x16xf32> to vector<16xf32>
      %swap3A_537 = vector.shape_cast %broadcast_in_dim3A_530 : vector<16xf32> to vector<1x1x16xf32>
      tpu.vector_store %arg8[%swap3A_532, %swap3A_533, %swap3A_534], %swap3A_537 {strides = array<i32>} : memref<3x128x128xf32, #tpu.memory_space<vmem>>, vector<1x1x16xf32>,
      %broadcast_in_dim3A_538 = arith.constant 0.000000e+00 : f32
      %broadcast_in_dim3A_539 = vector.broadcast %broadcast_in_dim3A_538 : f32 to vector<16xf32>
      %swap3A_540 = arith.constant 2 : i32
      %swap3A_541 = arith.index_cast %swap3A_540 : i32 to index
      %swap3A_542 = arith.index_cast %scan3A_350 : i32 to index
      %swap3A_543 = arith.constant 80 : index
      %swap3A_544 = tpu.vector_load %arg8[%swap3A_541, %swap3A_542, %swap3A_543] {strides = array<i32>} : memref<3x128x128xf32, #tpu.memory_space<vmem>>, vector<1x1x16xf32>,
      %swap3A_545 = vector.shape_cast %swap3A_544 : vector<1x1x16xf32> to vector<16xf32>
      %swap3A_546 = vector.shape_cast %broadcast_in_dim3A_539 : vector<16xf32> to vector<1x1x16xf32>
      tpu.vector_store %arg8[%swap3A_541, %swap3A_542, %swap3A_543], %swap3A_546 {strides = array<i32>} : memref<3x128x128xf32, #tpu.memory_space<vmem>>, vector<1x1x16xf32>,
      %broadcast_in_dim3A_547 = arith.constant 0.000000e+00 : f32
      %broadcast_in_dim3A_548 = vector.broadcast %broadcast_in_dim3A_547 : f32 to vector<16xf32>
      %swap3A_549 = arith.constant 2 : i32
      %swap3A_550 = arith.index_cast %swap3A_549 : i32 to index
      %swap3A_551 = arith.index_cast %scan3A_350 : i32 to index
      %swap3A_552 = arith.constant 96 : index
      %swap3A_553 = tpu.vector_load %arg8[%swap3A_550, %swap3A_551, %swap3A_552] {strides = array<i32>} : memref<3x128x128xf32, #tpu.memory_space<vmem>>, vector<1x1x16xf32>,
      %swap3A_554 = vector.shape_cast %swap3A_553 : vector<1x1x16xf32> to vector<16xf32>
      %swap3A_555 = vector.shape_cast %broadcast_in_dim3A_548 : vector<16xf32> to vector<1x1x16xf32>
      tpu.vector_store %arg8[%swap3A_550, %swap3A_551, %swap3A_552], %swap3A_555 {strides = array<i32>} : memref<3x128x128xf32, #tpu.memory_space<vmem>>, vector<1x1x16xf32>,
      %broadcast_in_dim3A_556 = arith.constant 0.000000e+00 : f32
      %broadcast_in_dim3A_557 = vector.broadcast %broadcast_in_dim3A_556 : f32 to vector<16xf32>
      %swap3A_558 = arith.constant 2 : i32
      %swap3A_559 = arith.index_cast %swap3A_558 : i32 to index
      %swap3A_560 = arith.index_cast %scan3A_350 : i32 to index
      %swap3A_561 = arith.constant 112 : index
      %swap3A_562 = tpu.vector_load %arg8[%swap3A_559, %swap3A_560, %swap3A_561] {strides = array<i32>} : memref<3x128x128xf32, #tpu.memory_space<vmem>>, vector<1x1x16xf32>,
      %swap3A_563 = vector.shape_cast %swap3A_562 : vector<1x1x16xf32> to vector<16xf32>
      %swap3A_564 = vector.shape_cast %broadcast_in_dim3A_557 : vector<16xf32> to vector<1x1x16xf32>
      tpu.vector_store %arg8[%swap3A_559, %swap3A_560, %swap3A_561], %swap3A_564 {strides = array<i32>} : memref<3x128x128xf32, #tpu.memory_space<vmem>>, vector<1x1x16xf32>,
    }
    %scan3A_41 = arith.constant 128 : i32
    %mul3A_42 = arith.constant 632 : i32
    %mul3A_43 = arith.muli %arg1, %mul3A_42 : i32
    %add3A_44 = arith.constant 0 : i32
    %add3A_45 = arith.addi %mul3A_43, %add3A_44 : i32
    %dma_start3A = arith.constant 0 : i32
    %dma_start3A_46 = arith.constant 0 : i32
    %dma_start3A_47 = arith.constant 0 : i32
    %dma_start3A_48 = tpu.memref_slice %arg8[%dma_start3A, %dma_start3A_46, %dma_start3A_47] : memref<3x128x128xf32, #tpu.memory_space<vmem>> -> memref<1x128x128xf32, #tpu.memory_space<vmem>>
    %dma_start3A_49 = tpu.memref_squeeze %dma_start3A_48 : memref<1x128x128xf32, #tpu.memory_space<vmem>> -> memref<128x128xf32, #tpu.memory_space<vmem>>
    %dma_start3A_50 = arith.constant 0 : i32
    %dma_start3A_51 = tpu.memref_slice %arg9[%add3A_45, %dma_start3A_50] : memref<10112x128xf32, #tpu.memory_space<vmem_shared>> -> memref<128x128xf32, #tpu.memory_space<vmem_shared>>
    %dma_start3A_52 = arith.constant 0 : i32
    %dma_start3A_53 = tpu.memref_slice %arg9[%add3A_45, %dma_start3A_52] : memref<10112x128xf32, #tpu.memory_space<vmem_shared>> -> memref<128x128xf32, #tpu.memory_space<vmem_shared>>
    %dma_start3A_54 = arith.constant 0 : i32
    %dma_start3A_55 = arith.constant 0 : i32
    %dma_start3A_56 = tpu.memref_slice %arg8[%dma_start3A, %dma_start3A_54, %dma_start3A_55] : memref<3x128x128xf32, #tpu.memory_space<vmem>> -> memref<1x128x128xf32, #tpu.memory_space<vmem>>
    %dma_start3A_57 = tpu.memref_squeeze %dma_start3A_56 : memref<1x128x128xf32, #tpu.memory_space<vmem>> -> memref<128x128xf32, #tpu.memory_space<vmem>>
    tpu.enqueue_dma source(%dma_start3A_57 : memref<128x128xf32, #tpu.memory_space<vmem>>) target(%dma_start3A_53 : memref<128x128xf32, #tpu.memory_space<vmem_shared>>) target_semaphore(%arg10 : memref<!tpu.dma_semaphore, #tpu.memory_space<semaphore_mem>>)
    %mul3A_58 = arith.constant 632 : i32
    %mul3A_59 = arith.muli %arg1, %mul3A_58 : i32
    %add3A_60 = arith.constant 128 : i32
    %add3A_61 = arith.addi %mul3A_59, %add3A_60 : i32
    %dma_start3A_62 = arith.constant 1 : i32
    %dma_start3A_63 = arith.constant 0 : i32
    %dma_start3A_64 = arith.constant 0 : i32
    %dma_start3A_65 = tpu.memref_slice %arg8[%dma_start3A_62, %dma_start3A_63, %dma_start3A_64] : memref<3x128x128xf32, #tpu.memory_space<vmem>> -> memref<1x128x128xf32, #tpu.memory_space<vmem>>
    %dma_start3A_66 = tpu.memref_squeeze %dma_start3A_65 : memref<1x128x128xf32, #tpu.memory_space<vmem>> -> memref<128x128xf32, #tpu.memory_space<vmem>>
    %dma_start3A_67 = arith.constant 0 : i32
    %dma_start3A_68 = tpu.memref_slice %arg9[%add3A_61, %dma_start3A_67] : memref<10112x128xf32, #tpu.memory_space<vmem_shared>> -> memref<128x128xf32, #tpu.memory_space<vmem_shared>>
    %dma_start3A_69 = arith.constant 0 : i32
    %dma_start3A_70 = tpu.memref_slice %arg9[%add3A_61, %dma_start3A_69] : memref<10112x128xf32, #tpu.memory_space<vmem_shared>> -> memref<128x128xf32, #tpu.memory_space<vmem_shared>>
    %dma_start3A_71 = arith.constant 0 : i32
    %dma_start3A_72 = arith.constant 0 : i32
    %dma_start3A_73 = tpu.memref_slice %arg8[%dma_start3A_62, %dma_start3A_71, %dma_start3A_72] : memref<3x128x128xf32, #tpu.memory_space<vmem>> -> memref<1x128x128xf32, #tpu.memory_space<vmem>>
    %dma_start3A_74 = tpu.memref_squeeze %dma_start3A_73 : memref<1x128x128xf32, #tpu.memory_space<vmem>> -> memref<128x128xf32, #tpu.memory_space<vmem>>
    tpu.enqueue_dma source(%dma_start3A_74 : memref<128x128xf32, #tpu.memory_space<vmem>>) target(%dma_start3A_70 : memref<128x128xf32, #tpu.memory_space<vmem_shared>>) target_semaphore(%arg10 : memref<!tpu.dma_semaphore, #tpu.memory_space<semaphore_mem>>)
    %mul3A_75 = arith.constant 632 : i32
    %mul3A_76 = arith.muli %arg1, %mul3A_75 : i32
    %add3A_77 = arith.constant 256 : i32
    %add3A_78 = arith.addi %mul3A_76, %add3A_77 : i32
    %dma_start3A_79 = arith.constant 2 : i32
    %dma_start3A_80 = arith.constant 0 : i32
    %dma_start3A_81 = arith.constant 0 : i32
    %dma_start3A_82 = tpu.memref_slice %arg8[%dma_start3A_79, %dma_start3A_80, %dma_start3A_81] : memref<3x128x128xf32, #tpu.memory_space<vmem>> -> memref<1x128x128xf32, #tpu.memory_space<vmem>>
    %dma_start3A_83 = tpu.memref_squeeze %dma_start3A_82 : memref<1x128x128xf32, #tpu.memory_space<vmem>> -> memref<128x128xf32, #tpu.memory_space<vmem>>
    %dma_start3A_84 = arith.constant 0 : i32
    %dma_start3A_85 = tpu.memref_slice %arg9[%add3A_78, %dma_start3A_84] : memref<10112x128xf32, #tpu.memory_space<vmem_shared>> -> memref<128x128xf32, #tpu.memory_space<vmem_shared>>
    %dma_start3A_86 = arith.constant 0 : i32
    %dma_start3A_87 = tpu.memref_slice %arg9[%add3A_78, %dma_start3A_86] : memref<10112x128xf32, #tpu.memory_space<vmem_shared>> -> memref<128x128xf32, #tpu.memory_space<vmem_shared>>
    %dma_start3A_88 = arith.constant 0 : i32
    %dma_start3A_89 = arith.constant 0 : i32
    %dma_start3A_90 = tpu.memref_slice %arg8[%dma_start3A_79, %dma_start3A_88, %dma_start3A_89] : memref<3x128x128xf32, #tpu.memory_space<vmem>> -> memref<1x128x128xf32, #tpu.memory_space<vmem>>
    %dma_start3A_91 = tpu.memref_squeeze %dma_start3A_90 : memref<1x128x128xf32, #tpu.memory_space<vmem>> -> memref<128x128xf32, #tpu.memory_space<vmem>>
    tpu.enqueue_dma source(%dma_start3A_91 : memref<128x128xf32, #tpu.memory_space<vmem>>) target(%dma_start3A_87 : memref<128x128xf32, #tpu.memory_space<vmem_shared>>) target_semaphore(%arg10 : memref<!tpu.dma_semaphore, #tpu.memory_space<semaphore_mem>>)
    %mul3A_92 = arith.constant 632 : i32
    %mul3A_93 = arith.muli %arg1, %mul3A_92 : i32
    %add3A_94 = arith.constant 384 : i32
    %add3A_95 = arith.addi %mul3A_93, %add3A_94 : i32
    %dma_start3A_96 = arith.constant 0 : i32
    %dma_start3A_97 = arith.constant 0 : i32
    %dma_start3A_98 = arith.constant 0 : i32
    %dma_start3A_99 = tpu.memref_slice %arg8[%dma_start3A_96, %dma_start3A_97, %dma_start3A_98] : memref<3x128x128xf32, #tpu.memory_space<vmem>> -> memref<1x128x128xf32, #tpu.memory_space<vmem>>
    %dma_start3A_100 = tpu.memref_squeeze %dma_start3A_99 : memref<1x128x128xf32, #tpu.memory_space<vmem>> -> memref<128x128xf32, #tpu.memory_space<vmem>>
    %dma_start3A_101 = arith.constant 0 : i32
    %dma_start3A_102 = tpu.memref_slice %arg9[%add3A_95, %dma_start3A_101] : memref<10112x128xf32, #tpu.memory_space<vmem_shared>> -> memref<128x128xf32, #tpu.memory_space<vmem_shared>>
    %dma_start3A_103 = arith.constant 0 : i32
    %dma_start3A_104 = tpu.memref_slice %arg9[%add3A_95, %dma_start3A_103] : memref<10112x128xf32, #tpu.memory_space<vmem_shared>> -> memref<128x128xf32, #tpu.memory_space<vmem_shared>>
    %dma_start3A_105 = arith.constant 0 : i32
    %dma_start3A_106 = arith.constant 0 : i32
    %dma_start3A_107 = tpu.memref_slice %arg8[%dma_start3A_96, %dma_start3A_105, %dma_start3A_106] : memref<3x128x128xf32, #tpu.memory_space<vmem>> -> memref<1x128x128xf32, #tpu.memory_space<vmem>>
    %dma_start3A_108 = tpu.memref_squeeze %dma_start3A_107 : memref<1x128x128xf32, #tpu.memory_space<vmem>> -> memref<128x128xf32, #tpu.memory_space<vmem>>
    tpu.enqueue_dma source(%dma_start3A_108 : memref<128x128xf32, #tpu.memory_space<vmem>>) target(%dma_start3A_104 : memref<128x128xf32, #tpu.memory_space<vmem_shared>>) target_semaphore(%arg10 : memref<!tpu.dma_semaphore, #tpu.memory_space<semaphore_mem>>)
    %mul3A_109 = arith.constant 632 : i32
    %mul3A_110 = arith.muli %arg1, %mul3A_109 : i32
    %add3A_111 = arith.constant 512 : i32
    %add3A_112 = arith.addi %mul3A_110, %add3A_111 : i32
    %dma_start3A_113 = arith.constant 1 : i32
    %dma_start3A_114 = arith.constant 0 : i32
    %dma_start3A_115 = arith.constant 0 : i32
    %dma_start3A_116 = tpu.memref_slice %arg8[%dma_start3A_113, %dma_start3A_114, %dma_start3A_115] : memref<3x128x128xf32, #tpu.memory_space<vmem>> -> memref<1x128x128xf32, #tpu.memory_space<vmem>>
    %dma_start3A_117 = tpu.memref_squeeze %dma_start3A_116 : memref<1x128x128xf32, #tpu.memory_space<vmem>> -> memref<128x128xf32, #tpu.memory_space<vmem>>
    %dma_start3A_118 = arith.constant 0 : i32
    %dma_start3A_119 = arith.constant 0 : i32
    %dma_start3A_120 = tpu.memref_slice %dma_start3A_117[%dma_start3A_118, %dma_start3A_119] : memref<128x128xf32, #tpu.memory_space<vmem>> -> memref<120x128xf32, #tpu.memory_space<vmem>>
    %dma_start3A_121 = arith.constant 0 : i32
    %dma_start3A_122 = tpu.memref_slice %arg9[%add3A_112, %dma_start3A_121] : memref<10112x128xf32, #tpu.memory_space<vmem_shared>> -> memref<120x128xf32, #tpu.memory_space<vmem_shared>>
    %dma_start3A_123 = arith.constant 0 : i32
    %dma_start3A_124 = tpu.memref_slice %arg9[%add3A_112, %dma_start3A_123] : memref<10112x128xf32, #tpu.memory_space<vmem_shared>> -> memref<120x128xf32, #tpu.memory_space<vmem_shared>>
    %dma_start3A_125 = arith.constant 0 : i32
    %dma_start3A_126 = arith.constant 0 : i32
    %dma_start3A_127 = tpu.memref_slice %arg8[%dma_start3A_113, %dma_start3A_125, %dma_start3A_126] : memref<3x128x128xf32, #tpu.memory_space<vmem>> -> memref<1x128x128xf32, #tpu.memory_space<vmem>>
    %dma_start3A_128 = tpu.memref_squeeze %dma_start3A_127 : memref<1x128x128xf32, #tpu.memory_space<vmem>> -> memref<128x128xf32, #tpu.memory_space<vmem>>
    %dma_start3A_129 = arith.constant 0 : i32
    %dma_start3A_130 = arith.constant 0 : i32
    %dma_start3A_131 = tpu.memref_slice %dma_start3A_128[%dma_start3A_129, %dma_start3A_130] : memref<128x128xf32, #tpu.memory_space<vmem>> -> memref<120x128xf32, #tpu.memory_space<vmem>>
    tpu.enqueue_dma source(%dma_start3A_131 : memref<120x128xf32, #tpu.memory_space<vmem>>) target(%dma_start3A_124 : memref<120x128xf32, #tpu.memory_space<vmem_shared>>) target_semaphore(%arg10 : memref<!tpu.dma_semaphore, #tpu.memory_space<semaphore_mem>>)
    %dma_wait3A = arith.constant 0 : i32
    %dma_wait3A_132 = arith.constant 0 : i32
    %dma_wait3A_133 = arith.constant 0 : i32
    %dma_wait3A_134 = tpu.memref_slice %arg8[%dma_wait3A, %dma_wait3A_132, %dma_wait3A_133] : memref<3x128x128xf32, #tpu.memory_space<vmem>> -> memref<1x128x128xf32, #tpu.memory_space<vmem>>
    %dma_wait3A_135 = tpu.memref_squeeze %dma_wait3A_134 : memref<1x128x128xf32, #tpu.memory_space<vmem>> -> memref<128x128xf32, #tpu.memory_space<vmem>>
    %dma_wait3A_136 = arith.constant 0 : i32
    %dma_wait3A_137 = tpu.memref_slice %arg9[%add3A_45, %dma_wait3A_136] : memref<10112x128xf32, #tpu.memory_space<vmem_shared>> -> memref<128x128xf32, #tpu.memory_space<vmem_shared>>
    %dma_wait3A_138 = arith.constant 0 : i32
    %dma_wait3A_139 = tpu.memref_slice %arg9[%add3A_45, %dma_wait3A_138] : memref<10112x128xf32, #tpu.memory_space<vmem_shared>> -> memref<128x128xf32, #tpu.memory_space<vmem_shared>>
    %dma_wait3A_140 = arith.constant 0 : i32
    %dma_wait3A_141 = arith.constant 0 : i32
    %dma_wait3A_142 = tpu.memref_slice %arg8[%dma_wait3A, %dma_wait3A_140, %dma_wait3A_141] : memref<3x128x128xf32, #tpu.memory_space<vmem>> -> memref<1x128x128xf32, #tpu.memory_space<vmem>>
    %dma_wait3A_143 = tpu.memref_squeeze %dma_wait3A_142 : memref<1x128x128xf32, #tpu.memory_space<vmem>> -> memref<128x128xf32, #tpu.memory_space<vmem>>
    tpu.wait_dma2 semaphore(%arg10 : memref<!tpu.dma_semaphore, #tpu.memory_space<semaphore_mem>>) src(%dma_wait3A_143 : memref<128x128xf32, #tpu.memory_space<vmem>>) dst(%dma_wait3A_139 : memref<128x128xf32, #tpu.memory_space<vmem_shared>>)
    %dma_wait3A_144 = arith.constant 1 : i32
    %dma_wait3A_145 = arith.constant 0 : i32
    %dma_wait3A_146 = arith.constant 0 : i32
    %dma_wait3A_147 = tpu.memref_slice %arg8[%dma_wait3A_144, %dma_wait3A_145, %dma_wait3A_146] : memref<3x128x128xf32, #tpu.memory_space<vmem>> -> memref<1x128x128xf32, #tpu.memory_space<vmem>>
    %dma_wait3A_148 = tpu.memref_squeeze %dma_wait3A_147 : memref<1x128x128xf32, #tpu.memory_space<vmem>> -> memref<128x128xf32, #tpu.memory_space<vmem>>
    %dma_wait3A_149 = arith.constant 0 : i32
    %dma_wait3A_150 = tpu.memref_slice %arg9[%add3A_61, %dma_wait3A_149] : memref<10112x128xf32, #tpu.memory_space<vmem_shared>> -> memref<128x128xf32, #tpu.memory_space<vmem_shared>>
    %dma_wait3A_151 = arith.constant 0 : i32
    %dma_wait3A_152 = tpu.memref_slice %arg9[%add3A_61, %dma_wait3A_151] : memref<10112x128xf32, #tpu.memory_space<vmem_shared>> -> memref<128x128xf32, #tpu.memory_space<vmem_shared>>
    %dma_wait3A_153 = arith.constant 0 : i32
    %dma_wait3A_154 = arith.constant 0 : i32
    %dma_wait3A_155 = tpu.memref_slice %arg8[%dma_wait3A_144, %dma_wait3A_153, %dma_wait3A_154] : memref<3x128x128xf32, #tpu.memory_space<vmem>> -> memref<1x128x128xf32, #tpu.memory_space<vmem>>
    %dma_wait3A_156 = tpu.memref_squeeze %dma_wait3A_155 : memref<1x128x128xf32, #tpu.memory_space<vmem>> -> memref<128x128xf32, #tpu.memory_space<vmem>>
    tpu.wait_dma2 semaphore(%arg10 : memref<!tpu.dma_semaphore, #tpu.memory_space<semaphore_mem>>) src(%dma_wait3A_156 : memref<128x128xf32, #tpu.memory_space<vmem>>) dst(%dma_wait3A_152 : memref<128x128xf32, #tpu.memory_space<vmem_shared>>)
    %dma_wait3A_157 = arith.constant 2 : i32
    %dma_wait3A_158 = arith.constant 0 : i32
    %dma_wait3A_159 = arith.constant 0 : i32
    %dma_wait3A_160 = tpu.memref_slice %arg8[%dma_wait3A_157, %dma_wait3A_158, %dma_wait3A_159] : memref<3x128x128xf32, #tpu.memory_space<vmem>> -> memref<1x128x128xf32, #tpu.memory_space<vmem>>
    %dma_wait3A_161 = tpu.memref_squeeze %dma_wait3A_160 : memref<1x128x128xf32, #tpu.memory_space<vmem>> -> memref<128x128xf32, #tpu.memory_space<vmem>>
    %dma_wait3A_162 = arith.constant 0 : i32
    %dma_wait3A_163 = tpu.memref_slice %arg9[%add3A_78, %dma_wait3A_162] : memref<10112x128xf32, #tpu.memory_space<vmem_shared>> -> memref<128x128xf32, #tpu.memory_space<vmem_shared>>
    %dma_wait3A_164 = arith.constant 0 : i32
    %dma_wait3A_165 = tpu.memref_slice %arg9[%add3A_78, %dma_wait3A_164] : memref<10112x128xf32, #tpu.memory_space<vmem_shared>> -> memref<128x128xf32, #tpu.memory_space<vmem_shared>>
    %dma_wait3A_166 = arith.constant 0 : i32
    %dma_wait3A_167 = arith.constant 0 : i32
    %dma_wait3A_168 = tpu.memref_slice %arg8[%dma_wait3A_157, %dma_wait3A_166, %dma_wait3A_167] : memref<3x128x128xf32, #tpu.memory_space<vmem>> -> memref<1x128x128xf32, #tpu.memory_space<vmem>>
    %dma_wait3A_169 = tpu.memref_squeeze %dma_wait3A_168 : memref<1x128x128xf32, #tpu.memory_space<vmem>> -> memref<128x128xf32, #tpu.memory_space<vmem>>
    tpu.wait_dma2 semaphore(%arg10 : memref<!tpu.dma_semaphore, #tpu.memory_space<semaphore_mem>>) src(%dma_wait3A_169 : memref<128x128xf32, #tpu.memory_space<vmem>>) dst(%dma_wait3A_165 : memref<128x128xf32, #tpu.memory_space<vmem_shared>>)
    %dma_wait3A_170 = arith.constant 0 : i32
    %dma_wait3A_171 = arith.constant 0 : i32
    %dma_wait3A_172 = arith.constant 0 : i32
    %dma_wait3A_173 = tpu.memref_slice %arg8[%dma_wait3A_170, %dma_wait3A_171, %dma_wait3A_172] : memref<3x128x128xf32, #tpu.memory_space<vmem>> -> memref<1x128x128xf32, #tpu.memory_space<vmem>>
    %dma_wait3A_174 = tpu.memref_squeeze %dma_wait3A_173 : memref<1x128x128xf32, #tpu.memory_space<vmem>> -> memref<128x128xf32, #tpu.memory_space<vmem>>
    %dma_wait3A_175 = arith.constant 0 : i32
    %dma_wait3A_176 = tpu.memref_slice %arg9[%add3A_95, %dma_wait3A_175] : memref<10112x128xf32, #tpu.memory_space<vmem_shared>> -> memref<128x128xf32, #tpu.memory_space<vmem_shared>>
    %dma_wait3A_177 = arith.constant 0 : i32
    %dma_wait3A_178 = tpu.memref_slice %arg9[%add3A_95, %dma_wait3A_177] : memref<10112x128xf32, #tpu.memory_space<vmem_shared>> -> memref<128x128xf32, #tpu.memory_space<vmem_shared>>
    %dma_wait3A_179 = arith.constant 0 : i32
    %dma_wait3A_180 = arith.constant 0 : i32
    %dma_wait3A_181 = tpu.memref_slice %arg8[%dma_wait3A_170, %dma_wait3A_179, %dma_wait3A_180] : memref<3x128x128xf32, #tpu.memory_space<vmem>> -> memref<1x128x128xf32, #tpu.memory_space<vmem>>
    %dma_wait3A_182 = tpu.memref_squeeze %dma_wait3A_181 : memref<1x128x128xf32, #tpu.memory_space<vmem>> -> memref<128x128xf32, #tpu.memory_space<vmem>>
    tpu.wait_dma2 semaphore(%arg10 : memref<!tpu.dma_semaphore, #tpu.memory_space<semaphore_mem>>) src(%dma_wait3A_182 : memref<128x128xf32, #tpu.memory_space<vmem>>) dst(%dma_wait3A_178 : memref<128x128xf32, #tpu.memory_space<vmem_shared>>)
    %dma_wait3A_183 = arith.constant 1 : i32
    %dma_wait3A_184 = arith.constant 0 : i32
    %dma_wait3A_185 = arith.constant 0 : i32
    %dma_wait3A_186 = tpu.memref_slice %arg8[%dma_wait3A_183, %dma_wait3A_184, %dma_wait3A_185] : memref<3x128x128xf32, #tpu.memory_space<vmem>> -> memref<1x128x128xf32, #tpu.memory_space<vmem>>
    %dma_wait3A_187 = tpu.memref_squeeze %dma_wait3A_186 : memref<1x128x128xf32, #tpu.memory_space<vmem>> -> memref<128x128xf32, #tpu.memory_space<vmem>>
    %dma_wait3A_188 = arith.constant 0 : i32
    %dma_wait3A_189 = arith.constant 0 : i32
    %dma_wait3A_190 = tpu.memref_slice %dma_wait3A_187[%dma_wait3A_188, %dma_wait3A_189] : memref<128x128xf32, #tpu.memory_space<vmem>> -> memref<120x128xf32, #tpu.memory_space<vmem>>
    %dma_wait3A_191 = arith.constant 0 : i32
    %dma_wait3A_192 = tpu.memref_slice %arg9[%add3A_112, %dma_wait3A_191] : memref<10112x128xf32, #tpu.memory_space<vmem_shared>> -> memref<120x128xf32, #tpu.memory_space<vmem_shared>>
    %dma_wait3A_193 = arith.constant 0 : i32
    %dma_wait3A_194 = tpu.memref_slice %arg9[%add3A_112, %dma_wait3A_193] : memref<10112x128xf32, #tpu.memory_space<vmem_shared>> -> memref<120x128xf32, #tpu.memory_space<vmem_shared>>
    %dma_wait3A_195 = arith.constant 0 : i32
    %dma_wait3A_196 = arith.constant 0 : i32
    %dma_wait3A_197 = tpu.memref_slice %arg8[%dma_wait3A_183, %dma_wait3A_195, %dma_wait3A_196] : memref<3x128x128xf32, #tpu.memory_space<vmem>> -> memref<1x128x128xf32, #tpu.memory_space<vmem>>
    %dma_wait3A_198 = tpu.memref_squeeze %dma_wait3A_197 : memref<1x128x128xf32, #tpu.memory_space<vmem>> -> memref<128x128xf32, #tpu.memory_space<vmem>>
    %dma_wait3A_199 = arith.constant 0 : i32
    %dma_wait3A_200 = arith.constant 0 : i32
    %dma_wait3A_201 = tpu.memref_slice %dma_wait3A_198[%dma_wait3A_199, %dma_wait3A_200] : memref<128x128xf32, #tpu.memory_space<vmem>> -> memref<120x128xf32, #tpu.memory_space<vmem>>
    tpu.wait_dma2 semaphore(%arg10 : memref<!tpu.dma_semaphore, #tpu.memory_space<semaphore_mem>>) src(%dma_wait3A_201 : memref<120x128xf32, #tpu.memory_space<vmem>>) dst(%dma_wait3A_194 : memref<120x128xf32, #tpu.memory_space<vmem_shared>>)
    %dma_wait3A_202 = arith.constant 0 : i32
    %dma_wait3A_203 = arith.constant 0 : i32
    %dma_wait3A_204 = arith.constant 0 : i32
    %dma_wait3A_205 = arith.constant 0 : i32
    %dma_wait3A_206 = tpu.memref_slice %arg7[%dma_wait3A_202, %dma_wait3A_203, %dma_wait3A_204, %dma_wait3A_205] : memref<3x1x2x128xi32, #tpu.memory_space<vmem>> -> memref<1x1x1x128xi32, #tpu.memory_space<vmem>>
    %dma_wait3A_207 = tpu.memref_squeeze %dma_wait3A_206 : memref<1x1x1x128xi32, #tpu.memory_space<vmem>> -> memref<128xi32, #tpu.memory_space<vmem>>
    %dma_wait3A_208 = arith.constant 0 : i32
    %dma_wait3A_209 = tpu.memref_slice %arg4[%dma_wait3A_208] : memref<12160xi32, #tpu.memory_space<hbm>> -> memref<128xi32, #tpu.memory_space<hbm>>
    %dma_wait3A_210 = arith.constant 0 : i32
    %dma_wait3A_211 = tpu.memref_slice %arg7[%dma_wait3A_202, %dma_wait3A_203, %dma_wait3A_204, %dma_wait3A_210] : memref<3x1x2x128xi32, #tpu.memory_space<vmem>> -> memref<1x1x1x128xi32, #tpu.memory_space<vmem>>
    %dma_wait3A_212 = tpu.memref_squeeze %dma_wait3A_211 : memref<1x1x1x128xi32, #tpu.memory_space<vmem>> -> memref<128xi32, #tpu.memory_space<vmem>>
    %dma_wait3A_213 = arith.constant 0 : i32
    %dma_wait3A_214 = tpu.memref_slice %arg4[%dma_wait3A_213] : memref<12160xi32, #tpu.memory_space<hbm>> -> memref<128xi32, #tpu.memory_space<hbm>>
    tpu.wait_dma2 semaphore(%arg11 : memref<!tpu.dma_semaphore, #tpu.memory_space<semaphore_mem>>) src(%dma_wait3A_214 : memref<128xi32, #tpu.memory_space<hbm>>) dst(%dma_wait3A_212 : memref<128xi32, #tpu.memory_space<vmem>>)
    %dma_wait3A_215 = arith.constant 0 : i32
    %dma_wait3A_216 = arith.constant 0 : i32
    %dma_wait3A_217 = arith.constant 1 : i32
    %dma_wait3A_218 = arith.constant 0 : i32
    %dma_wait3A_219 = tpu.memref_slice %arg7[%dma_wait3A_215, %dma_wait3A_216, %dma_wait3A_217, %dma_wait3A_218] : memref<3x1x2x128xi32, #tpu.memory_space<vmem>> -> memref<1x1x1x128xi32, #tpu.memory_space<vmem>>
    %dma_wait3A_220 = tpu.memref_squeeze %dma_wait3A_219 : memref<1x1x1x128xi32, #tpu.memory_space<vmem>> -> memref<128xi32, #tpu.memory_space<vmem>>
    %dma_wait3A_221 = arith.constant 0 : i32
    %dma_wait3A_222 = tpu.memref_slice %arg5[%dma_wait3A_221] : memref<12160xi32, #tpu.memory_space<hbm>> -> memref<128xi32, #tpu.memory_space<hbm>>
    %dma_wait3A_223 = arith.constant 0 : i32
    %dma_wait3A_224 = tpu.memref_slice %arg7[%dma_wait3A_215, %dma_wait3A_216, %dma_wait3A_217, %dma_wait3A_223] : memref<3x1x2x128xi32, #tpu.memory_space<vmem>> -> memref<1x1x1x128xi32, #tpu.memory_space<vmem>>
    %dma_wait3A_225 = tpu.memref_squeeze %dma_wait3A_224 : memref<1x1x1x128xi32, #tpu.memory_space<vmem>> -> memref<128xi32, #tpu.memory_space<vmem>>
    %dma_wait3A_226 = arith.constant 0 : i32
    %dma_wait3A_227 = tpu.memref_slice %arg5[%dma_wait3A_226] : memref<12160xi32, #tpu.memory_space<hbm>> -> memref<128xi32, #tpu.memory_space<hbm>>
    tpu.wait_dma2 semaphore(%arg11 : memref<!tpu.dma_semaphore, #tpu.memory_space<semaphore_mem>>) src(%dma_wait3A_227 : memref<128xi32, #tpu.memory_space<hbm>>) dst(%dma_wait3A_225 : memref<128xi32, #tpu.memory_space<vmem>>)
    %dma_start3A_228 = arith.constant 0 : i32
    %dma_start3A_229 = arith.constant 0 : i32
    %dma_start3A_230 = arith.constant 0 : i32
    %dma_start3A_231 = arith.constant 0 : i32
    %dma_start3A_232 = arith.constant 0 : i32
    %dma_start3A_233 = arith.constant 0 : i32
    %dma_start3A_234 = tpu.memref_slice %arg8[%dma_start3A_231, %dma_start3A_232, %dma_start3A_233] : memref<3x128x128xf32, #tpu.memory_space<vmem>> -> memref<1x128x128xf32, #tpu.memory_space<vmem>>
    %dma_start3A_235 = tpu.memref_squeeze %dma_start3A_234 : memref<1x128x128xf32, #tpu.memory_space<vmem>> -> memref<128x128xf32, #tpu.memory_space<vmem>>
    %dma_start3A_236 = arith.constant 0 : i32
    %dma_start3A_237 = tpu.memref_slice %arg7[%dma_start3A_228, %dma_start3A_229, %dma_start3A_230, %dma_start3A_236] : memref<3x1x2x128xi32, #tpu.memory_space<vmem>> -> memref<1x1x1x128xi32, #tpu.memory_space<vmem>>
    %dma_start3A_238 = tpu.memref_squeeze %dma_start3A_237 : memref<1x1x1x128xi32, #tpu.memory_space<vmem>> -> memref<128xi32, #tpu.memory_space<vmem>>
    %dma_start3A_239 = arith.constant 0 : i32
    %dma_start3A_240 = arith.constant 0 : i32
    %dma_start3A_241 = tpu.memref_slice %arg2[%dma_start3A_239, %dma_start3A_240] : memref<10000x128xf32, #tpu.memory_space<hbm>> -> memref<10000x128xf32, #tpu.memory_space<hbm>>
    tpu.enqueue_indirect_dma source(%dma_start3A_241 : memref<10000x128xf32, #tpu.memory_space<hbm>>) target(%dma_start3A_235 : memref<128x128xf32, #tpu.memory_space<vmem>>) offsets(%dma_start3A_238 : memref<128xi32, #tpu.memory_space<vmem>>) semaphore(%arg10 : memref<!tpu.dma_semaphore, #tpu.memory_space<semaphore_mem>>)
    %dma_wait3A_242 = arith.constant 1 : i32
    %dma_wait3A_243 = arith.constant 0 : i32
    %dma_wait3A_244 = arith.constant 0 : i32
    %dma_wait3A_245 = arith.constant 0 : i32
    %dma_wait3A_246 = tpu.memref_slice %arg7[%dma_wait3A_242, %dma_wait3A_243, %dma_wait3A_244, %dma_wait3A_245] : memref<3x1x2x128xi32, #tpu.memory_space<vmem>> -> memref<1x1x1x128xi32, #tpu.memory_space<vmem>>
    %dma_wait3A_247 = tpu.memref_squeeze %dma_wait3A_246 : memref<1x1x1x128xi32, #tpu.memory_space<vmem>> -> memref<128xi32, #tpu.memory_space<vmem>>
    %dma_wait3A_248 = arith.constant 0 : i32
    %dma_wait3A_249 = tpu.memref_slice %arg4[%dma_wait3A_248] : memref<12160xi32, #tpu.memory_space<hbm>> -> memref<128xi32, #tpu.memory_space<hbm>>
    %dma_wait3A_250 = arith.constant 0 : i32
    %dma_wait3A_251 = tpu.memref_slice %arg7[%dma_wait3A_242, %dma_wait3A_243, %dma_wait3A_244, %dma_wait3A_250] : memref<3x1x2x128xi32, #tpu.memory_space<vmem>> -> memref<1x1x1x128xi32, #tpu.memory_space<vmem>>
    %dma_wait3A_252 = tpu.memref_squeeze %dma_wait3A_251 : memref<1x1x1x128xi32, #tpu.memory_space<vmem>> -> memref<128xi32, #tpu.memory_space<vmem>>
    %dma_wait3A_253 = arith.constant 0 : i32
    %dma_wait3A_254 = tpu.memref_slice %arg4[%dma_wait3A_253] : memref<12160xi32, #tpu.memory_space<hbm>> -> memref<128xi32, #tpu.memory_space<hbm>>
    tpu.wait_dma2 semaphore(%arg11 : memref<!tpu.dma_semaphore, #tpu.memory_space<semaphore_mem>>) src(%dma_wait3A_254 : memref<128xi32, #tpu.memory_space<hbm>>) dst(%dma_wait3A_252 : memref<128xi32, #tpu.memory_space<vmem>>)
    %dma_wait3A_255 = arith.constant 1 : i32
    %dma_wait3A_256 = arith.constant 0 : i32
    %dma_wait3A_257 = arith.constant 1 : i32
    %dma_wait3A_258 = arith.constant 0 : i32
    %dma_wait3A_259 = tpu.memref_slice %arg7[%dma_wait3A_255, %dma_wait3A_256, %dma_wait3A_257, %dma_wait3A_258] : memref<3x1x2x128xi32, #tpu.memory_space<vmem>> -> memref<1x1x1x128xi32, #tpu.memory_space<vmem>>
    %dma_wait3A_260 = tpu.memref_squeeze %dma_wait3A_259 : memref<1x1x1x128xi32, #tpu.memory_space<vmem>> -> memref<128xi32, #tpu.memory_space<vmem>>
    %dma_wait3A_261 = arith.constant 0 : i32
    %dma_wait3A_262 = tpu.memref_slice %arg5[%dma_wait3A_261] : memref<12160xi32, #tpu.memory_space<hbm>> -> memref<128xi32, #tpu.memory_space<hbm>>
    %dma_wait3A_263 = arith.constant 0 : i32
    %dma_wait3A_264 = tpu.memref_slice %arg7[%dma_wait3A_255, %dma_wait3A_256, %dma_wait3A_257, %dma_wait3A_263] : memref<3x1x2x128xi32, #tpu.memory_space<vmem>> -> memref<1x1x1x128xi32, #tpu.memory_space<vmem>>
    %dma_wait3A_265 = tpu.memref_squeeze %dma_wait3A_264 : memref<1x1x1x128xi32, #tpu.memory_space<vmem>> -> memref<128xi32, #tpu.memory_space<vmem>>
    %dma_wait3A_266 = arith.constant 0 : i32
    %dma_wait3A_267 = tpu.memref_slice %arg5[%dma_wait3A_266] : memref<12160xi32, #tpu.memory_space<hbm>> -> memref<128xi32, #tpu.memory_space<hbm>>
    tpu.wait_dma2 semaphore(%arg11 : memref<!tpu.dma_semaphore, #tpu.memory_space<semaphore_mem>>) src(%dma_wait3A_267 : memref<128xi32, #tpu.memory_space<hbm>>) dst(%dma_wait3A_265 : memref<128xi32, #tpu.memory_space<vmem>>)
    %dma_start3A_268 = arith.constant 1 : i32
    %dma_start3A_269 = arith.constant 0 : i32
    %dma_start3A_270 = arith.constant 0 : i32
    %dma_start3A_271 = arith.constant 1 : i32
    %dma_start3A_272 = arith.constant 0 : i32
    %dma_start3A_273 = arith.constant 0 : i32
    %dma_start3A_274 = tpu.memref_slice %arg8[%dma_start3A_271, %dma_start3A_272, %dma_start3A_273] : memref<3x128x128xf32, #tpu.memory_space<vmem>> -> memref<1x128x128xf32, #tpu.memory_space<vmem>>
    %dma_start3A_275 = tpu.memref_squeeze %dma_start3A_274 : memref<1x128x128xf32, #tpu.memory_space<vmem>> -> memref<128x128xf32, #tpu.memory_space<vmem>>
    %dma_start3A_276 = arith.constant 0 : i32
    %dma_start3A_277 = tpu.memref_slice %arg7[%dma_start3A_268, %dma_start3A_269, %dma_start3A_270, %dma_start3A_276] : memref<3x1x2x128xi32, #tpu.memory_space<vmem>> -> memref<1x1x1x128xi32, #tpu.memory_space<vmem>>
    %dma_start3A_278 = tpu.memref_squeeze %dma_start3A_277 : memref<1x1x1x128xi32, #tpu.memory_space<vmem>> -> memref<128xi32, #tpu.memory_space<vmem>>
    %dma_start3A_279 = arith.constant 0 : i32
    %dma_start3A_280 = arith.constant 0 : i32
    %dma_start3A_281 = tpu.memref_slice %arg2[%dma_start3A_279, %dma_start3A_280] : memref<10000x128xf32, #tpu.memory_space<hbm>> -> memref<10000x128xf32, #tpu.memory_space<hbm>>
    tpu.enqueue_indirect_dma source(%dma_start3A_281 : memref<10000x128xf32, #tpu.memory_space<hbm>>) target(%dma_start3A_275 : memref<128x128xf32, #tpu.memory_space<vmem>>) offsets(%dma_start3A_278 : memref<128xi32, #tpu.memory_space<vmem>>) semaphore(%arg10 : memref<!tpu.dma_semaphore, #tpu.memory_space<semaphore_mem>>)
    %barrier3A = arith.constant 0 : index
    tpu.barrier barrier_id(%barrier3A)
    %scan3A_282 = arith.constant 0 : i32
    %scan3A_283 = arith.constant 0 : i32
    %scan3A_284 = arith.constant 27 : i32
    %scan3A_285 = arith.addi %scan3A_283, %scan3A_284 : i32
    %scan3A_286 = arith.constant 1 : i32
    scf.for %scan3A_350 = %scan3A_283 to %scan3A_285 step %scan3A_286  : i32 {
      %mul3A_351 = arith.constant 3 : i32
      %mul3A_352 = arith.muli %scan3A_350, %mul3A_351 : i32
      %add3A_353 = arith.constant 0 : i32
      %add3A_354 = arith.addi %mul3A_352, %add3A_353 : i32
      %add3A_355 = arith.constant 2 : i32
      %add3A_356 = arith.addi %add3A_354, %add3A_355 : i32
      %jit3A = arith.constant 3 : i32
      %eq3A = arith.constant 0 : i32
      %eq3A_357 = arith.cmpi eq, %jit3A, %eq3A : i32
      %jit3A_358 = arith.constant 1 : i32
      %select_n3A = arith.select %eq3A_357, %jit3A_358, %jit3A : i32
      %rem3A = arith.remsi %add3A_356, %select_n3A : i32
      %ne3A = arith.constant 0 : i32
      %ne3A_359 = arith.cmpi ne, %rem3A, %ne3A : i32
      %lt3A_360 = arith.constant 0 : i32
      %lt3A_361 = arith.cmpi slt, %rem3A, %lt3A_360 : i32
      %lt3A_362 = arith.constant 0 : i32
      %lt3A_363 = arith.cmpi slt, %select_n3A, %lt3A_362 : i32
      %ne3A_364 = arith.xori %lt3A_361, %lt3A_363 : i1
      %and3A = arith.andi %ne3A_364, %ne3A_359 : i1
      %add3A_365 = arith.addi %rem3A, %select_n3A : i32
      %select_n3A_366 = arith.select %and3A, %add3A_365, %rem3A : i32
      %dma_wait3A_367 = arith.constant 0 : i32
      %dma_wait3A_368 = arith.constant 0 : i32
      %dma_wait3A_369 = arith.constant 0 : i32
      %dma_wait3A_370 = tpu.memref_slice %arg7[%select_n3A_366, %dma_wait3A_367, %dma_wait3A_368, %dma_wait3A_369] : memref<3x1x2x128xi32, #tpu.memory_space<vmem>> -> memref<1x1x1x128xi32, #tpu.memory_space<vmem>>
      %dma_wait3A_371 = tpu.memref_squeeze %dma_wait3A_370 : memref<1x1x1x128xi32, #tpu.memory_space<vmem>> -> memref<128xi32, #tpu.memory_space<vmem>>
      %dma_wait3A_372 = arith.constant 0 : i32
      %dma_wait3A_373 = tpu.memref_slice %arg4[%dma_wait3A_372] : memref<12160xi32, #tpu.memory_space<hbm>> -> memref<128xi32, #tpu.memory_space<hbm>>
      %dma_wait3A_374 = arith.constant 0 : i32
      %dma_wait3A_375 = tpu.memref_slice %arg7[%select_n3A_366, %dma_wait3A_367, %dma_wait3A_368, %dma_wait3A_374] : memref<3x1x2x128xi32, #tpu.memory_space<vmem>> -> memref<1x1x1x128xi32, #tpu.memory_space<vmem>>
      %dma_wait3A_376 = tpu.memref_squeeze %dma_wait3A_375 : memref<1x1x1x128xi32, #tpu.memory_space<vmem>> -> memref<128xi32, #tpu.memory_space<vmem>>
      %dma_wait3A_377 = arith.constant 0 : i32
      %dma_wait3A_378 = tpu.memref_slice %arg4[%dma_wait3A_377] : memref<12160xi32, #tpu.memory_space<hbm>> -> memref<128xi32, #tpu.memory_space<hbm>>
      tpu.wait_dma2 semaphore(%arg11 : memref<!tpu.dma_semaphore, #tpu.memory_space<semaphore_mem>>) src(%dma_wait3A_378 : memref<128xi32, #tpu.memory_space<hbm>>) dst(%dma_wait3A_376 : memref<128xi32, #tpu.memory_space<vmem>>)
      %dma_wait3A_379 = arith.constant 0 : i32
      %dma_wait3A_380 = arith.constant 1 : i32
      %dma_wait3A_381 = arith.constant 0 : i32
      %dma_wait3A_382 = tpu.memref_slice %arg7[%select_n3A_366, %dma_wait3A_379, %dma_wait3A_380, %dma_wait3A_381] : memref<3x1x2x128xi32, #tpu.memory_space<vmem>> -> memref<1x1x1x128xi32, #tpu.memory_space<vmem>>
      %dma_wait3A_383 = tpu.memref_squeeze %dma_wait3A_382 : memref<1x1x1x128xi32, #tpu.memory_space<vmem>> -> memref<128xi32, #tpu.memory_space<vmem>>
      %dma_wait3A_384 = arith.constant 0 : i32
      %dma_wait3A_385 = tpu.memref_slice %arg5[%dma_wait3A_384] : memref<12160xi32, #tpu.memory_space<hbm>> -> memref<128xi32, #tpu.memory_space<hbm>>
      %dma_wait3A_386 = arith.constant 0 : i32
      %dma_wait3A_387 = tpu.memref_slice %arg7[%select_n3A_366, %dma_wait3A_379, %dma_wait3A_380, %dma_wait3A_386] : memref<3x1x2x128xi32, #tpu.memory_space<vmem>> -> memref<1x1x1x128xi32, #tpu.memory_space<vmem>>
      %dma_wait3A_388 = tpu.memref_squeeze %dma_wait3A_387 : memref<1x1x1x128xi32, #tpu.memory_space<vmem>> -> memref<128xi32, #tpu.memory_space<vmem>>
      %dma_wait3A_389 = arith.constant 0 : i32
      %dma_wait3A_390 = tpu.memref_slice %arg5[%dma_wait3A_389] : memref<12160xi32, #tpu.memory_space<hbm>> -> memref<128xi32, #tpu.memory_space<hbm>>
      tpu.wait_dma2 semaphore(%arg11 : memref<!tpu.dma_semaphore, #tpu.memory_space<semaphore_mem>>) src(%dma_wait3A_390 : memref<128xi32, #tpu.memory_space<hbm>>) dst(%dma_wait3A_388 : memref<128xi32, #tpu.memory_space<vmem>>)
      %add3A_391 = arith.constant 2 : i32
      %add3A_392 = arith.addi %add3A_354, %add3A_391 : i32
      %jit3A_393 = arith.constant 3 : i32
      %eq3A_394 = arith.constant 0 : i32
      %eq3A_395 = arith.cmpi eq, %jit3A_393, %eq3A_394 : i32
      %jit3A_396 = arith.constant 1 : i32
      %select_n3A_397 = arith.select %eq3A_395, %jit3A_396, %jit3A_393 : i32
      %rem3A_398 = arith.remsi %add3A_392, %select_n3A_397 : i32
      %ne3A_399 = arith.constant 0 : i32
      %ne3A_400 = arith.cmpi ne, %rem3A_398, %ne3A_399 : i32
      %lt3A_401 = arith.constant 0 : i32
      %lt3A_402 = arith.cmpi slt, %rem3A_398, %lt3A_401 : i32
      %lt3A_403 = arith.constant 0 : i32
      %lt3A_404 = arith.cmpi slt, %select_n3A_397, %lt3A_403 : i32
      %ne3A_405 = arith.xori %lt3A_402, %lt3A_404 : i1
      %and3A_406 = arith.andi %ne3A_405, %ne3A_400 : i1
      %add3A_407 = arith.addi %rem3A_398, %select_n3A_397 : i32
      %select_n3A_408 = arith.select %and3A_406, %add3A_407, %rem3A_398 : i32
      %dma_start3A_409 = arith.constant 0 : i32
      %dma_start3A_410 = arith.constant 0 : i32
      %dma_start3A_411 = arith.constant 0 : i32
      %dma_start3A_412 = arith.constant 0 : i32
      %dma_start3A_413 = tpu.memref_slice %arg8[%select_n3A_408, %dma_start3A_411, %dma_start3A_412] : memref<3x128x128xf32, #tpu.memory_space<vmem>> -> memref<1x128x128xf32, #tpu.memory_space<vmem>>
      %dma_start3A_414 = tpu.memref_squeeze %dma_start3A_413 : memref<1x128x128xf32, #tpu.memory_space<vmem>> -> memref<128x128xf32, #tpu.memory_space<vmem>>
      %dma_start3A_415 = arith.constant 0 : i32
      %dma_start3A_416 = tpu.memref_slice %arg7[%select_n3A_408, %dma_start3A_409, %dma_start3A_410, %dma_start3A_415] : memref<3x1x2x128xi32, #tpu.memory_space<vmem>> -> memref<1x1x1x128xi32, #tpu.memory_space<vmem>>
      %dma_start3A_417 = tpu.memref_squeeze %dma_start3A_416 : memref<1x1x1x128xi32, #tpu.memory_space<vmem>> -> memref<128xi32, #tpu.memory_space<vmem>>
      %dma_start3A_418 = arith.constant 0 : i32
      %dma_start3A_419 = arith.constant 0 : i32
      %dma_start3A_420 = tpu.memref_slice %arg2[%dma_start3A_418, %dma_start3A_419] : memref<10000x128xf32, #tpu.memory_space<hbm>> -> memref<10000x128xf32, #tpu.memory_space<hbm>>
      tpu.enqueue_indirect_dma source(%dma_start3A_420 : memref<10000x128xf32, #tpu.memory_space<hbm>>) target(%dma_start3A_414 : memref<128x128xf32, #tpu.memory_space<vmem>>) offsets(%dma_start3A_417 : memref<128xi32, #tpu.memory_space<vmem>>) semaphore(%arg10 : memref<!tpu.dma_semaphore, #tpu.memory_space<semaphore_mem>>)
      %jit3A_421 = arith.constant 3 : i32
      %eq3A_422 = arith.constant 0 : i32
      %eq3A_423 = arith.cmpi eq, %jit3A_421, %eq3A_422 : i32
      %jit3A_424 = arith.constant 1 : i32
      %select_n3A_425 = arith.select %eq3A_423, %jit3A_424, %jit3A_421 : i32
      %rem3A_426 = arith.remsi %add3A_354, %select_n3A_425 : i32
      %ne3A_427 = arith.constant 0 : i32
      %ne3A_428 = arith.cmpi ne, %rem3A_426, %ne3A_427 : i32
      %lt3A_429 = arith.constant 0 : i32
      %lt3A_430 = arith.cmpi slt, %rem3A_426, %lt3A_429 : i32
      %lt3A_431 = arith.constant 0 : i32
      %lt3A_432 = arith.cmpi slt, %select_n3A_425, %lt3A_431 : i32
      %ne3A_433 = arith.xori %lt3A_430, %lt3A_432 : i1
      %and3A_434 = arith.andi %ne3A_433, %ne3A_428 : i1
      %add3A_435 = arith.addi %rem3A_426, %select_n3A_425 : i32
      %select_n3A_436 = arith.select %and3A_434, %add3A_435, %rem3A_426 : i32
      %dma_wait3A_437 = arith.constant 0 : i32
      %dma_wait3A_438 = arith.constant 0 : i32
      %dma_wait3A_439 = arith.constant 0 : i32
      %dma_wait3A_440 = arith.constant 0 : i32
      %dma_wait3A_441 = tpu.memref_slice %arg8[%select_n3A_436, %dma_wait3A_439, %dma_wait3A_440] : memref<3x128x128xf32, #tpu.memory_space<vmem>> -> memref<1x128x128xf32, #tpu.memory_space<vmem>>
      %dma_wait3A_442 = tpu.memref_squeeze %dma_wait3A_441 : memref<1x128x128xf32, #tpu.memory_space<vmem>> -> memref<128x128xf32, #tpu.memory_space<vmem>>
      %dma_wait3A_443 = arith.constant 0 : i32
      %dma_wait3A_444 = tpu.memref_slice %arg7[%select_n3A_436, %dma_wait3A_437, %dma_wait3A_438, %dma_wait3A_443] : memref<3x1x2x128xi32, #tpu.memory_space<vmem>> -> memref<1x1x1x128xi32, #tpu.memory_space<vmem>>
      %dma_wait3A_445 = tpu.memref_squeeze %dma_wait3A_444 : memref<1x1x1x128xi32, #tpu.memory_space<vmem>> -> memref<128xi32, #tpu.memory_space<vmem>>
      %dma_wait3A_446 = arith.constant 0 : i32
      %dma_wait3A_447 = arith.constant 0 : i32
      %dma_wait3A_448 = tpu.memref_slice %arg2[%dma_wait3A_446, %dma_wait3A_447] : memref<10000x128xf32, #tpu.memory_space<hbm>> -> memref<10000x128xf32, #tpu.memory_space<hbm>>
      tpu.wait_indirect_dma semaphore(%arg10 : memref<!tpu.dma_semaphore, #tpu.memory_space<semaphore_mem>>) src(%dma_wait3A_448 : memref<10000x128xf32, #tpu.memory_space<hbm>>) dst(%dma_wait3A_442 : memref<128x128xf32, #tpu.memory_space<vmem>>)
      %jit3A_449 = arith.constant 3 : i32
      %eq3A_450 = arith.constant 0 : i32
      %eq3A_451 = arith.cmpi eq, %jit3A_449, %eq3A_450 : i32
      %jit3A_452 = arith.constant 1 : i32
      %select_n3A_453 = arith.select %eq3A_451, %jit3A_452, %jit3A_449 : i32
      %rem3A_454 = arith.remsi %add3A_354, %select_n3A_453 : i32
      %ne3A_455 = arith.constant 0 : i32
      %ne3A_456 = arith.cmpi ne, %rem3A_454, %ne3A_455 : i32
      %lt3A_457 = arith.constant 0 : i32
      %lt3A_458 = arith.cmpi slt, %rem3A_454, %lt3A_457 : i32
      %lt3A_459 = arith.constant 0 : i32
      %lt3A_460 = arith.cmpi slt, %select_n3A_453, %lt3A_459 : i32
      %ne3A_461 = arith.xori %lt3A_458, %lt3A_460 : i1
      %and3A_462 = arith.andi %ne3A_461, %ne3A_456 : i1
      %add3A_463 = arith.addi %rem3A_454, %select_n3A_453 : i32
      %select_n3A_464 = arith.select %and3A_462, %add3A_463, %rem3A_454 : i32
      %jit3A_465 = arith.constant 3 : i32
      %eq3A_466 = arith.constant 0 : i32
      %eq3A_467 = arith.cmpi eq, %jit3A_465, %eq3A_466 : i32
      %jit3A_468 = arith.constant 1 : i32
      %select_n3A_469 = arith.select %eq3A_467, %jit3A_468, %jit3A_465 : i32
      %rem3A_470 = arith.remsi %add3A_354, %select_n3A_469 : i32
      %ne3A_471 = arith.constant 0 : i32
      %ne3A_472 = arith.cmpi ne, %rem3A_470, %ne3A_471 : i32
      %lt3A_473 = arith.constant 0 : i32
      %lt3A_474 = arith.cmpi slt, %rem3A_470, %lt3A_473 : i32
      %lt3A_475 = arith.constant 0 : i32
      %lt3A_476 = arith.cmpi slt, %select_n3A_469, %lt3A_475 : i32
      %ne3A_477 = arith.xori %lt3A_474, %lt3A_476 : i1
      %and3A_478 = arith.andi %ne3A_477, %ne3A_472 : i1
      %add3A_479 = arith.addi %rem3A_470, %select_n3A_469 : i32
      %select_n3A_480 = arith.select %and3A_478, %add3A_479, %rem3A_470 : i32
      %run_scoped3A = arith.constant 0 : i32
      %run_scoped3A_481 = arith.constant 1 : i32
      "tpu.region"() ({
        %run_scoped3A_851 = tpu.sem_alloc : memref<!tpu.dma_semaphore, #tpu.memory_space<semaphore_mem>>
        %dma_start3A_852 = arith.constant 0 : i32
        %dma_start3A_853 = arith.constant 0 : i32
        %dma_start3A_854 = tpu.memref_slice %arg8[%select_n3A_464, %dma_start3A_852, %dma_start3A_853] : memref<3x128x128xf32, #tpu.memory_space<vmem>> -> memref<1x128x128xf32, #tpu.memory_space<vmem>>
        %dma_start3A_855 = tpu.memref_squeeze %dma_start3A_854 : memref<1x128x128xf32, #tpu.memory_space<vmem>> -> memref<128x128xf32, #tpu.memory_space<vmem>>
        %dma_start3A_856 = arith.constant 0 : i32
        %dma_start3A_857 = tpu.memref_slice %arg7[%select_n3A_480, %run_scoped3A, %run_scoped3A_481, %dma_start3A_856] : memref<3x1x2x128xi32, #tpu.memory_space<vmem>> -> memref<1x1x1x128xi32, #tpu.memory_space<vmem>>
        %dma_start3A_858 = tpu.memref_squeeze %dma_start3A_857 : memref<1x1x1x128xi32, #tpu.memory_space<vmem>> -> memref<128xi32, #tpu.memory_space<vmem>>
        %dma_start3A_859 = arith.constant 0 : i32
        %dma_start3A_860 = arith.constant 0 : i32
        %dma_start3A_861 = tpu.memref_slice %arg9[%dma_start3A_859, %dma_start3A_860] : memref<10112x128xf32, #tpu.memory_space<vmem_shared>> -> memref<10112x128xf32, #tpu.memory_space<vmem_shared>>
        tpu.enqueue_indirect_dma source(%dma_start3A_855 : memref<128x128xf32, #tpu.memory_space<vmem>>) target(%dma_start3A_861 : memref<10112x128xf32, #tpu.memory_space<vmem_shared>>) offsets(%dma_start3A_858 : memref<128xi32, #tpu.memory_space<vmem>>) semaphore(%run_scoped3A_851 : memref<!tpu.dma_semaphore, #tpu.memory_space<semaphore_mem>>) {add = true}
        %dma_wait3A_862 = arith.constant 0 : i32
        %dma_wait3A_863 = arith.constant 0 : i32
        %dma_wait3A_864 = tpu.memref_slice %arg8[%select_n3A_464, %dma_wait3A_862, %dma_wait3A_863] : memref<3x128x128xf32, #tpu.memory_space<vmem>> -> memref<1x128x128xf32, #tpu.memory_space<vmem>>
        %dma_wait3A_865 = tpu.memref_squeeze %dma_wait3A_864 : memref<1x128x128xf32, #tpu.memory_space<vmem>> -> memref<128x128xf32, #tpu.memory_space<vmem>>
        %dma_wait3A_866 = arith.constant 0 : i32
        %dma_wait3A_867 = tpu.memref_slice %arg7[%select_n3A_480, %run_scoped3A, %run_scoped3A_481, %dma_wait3A_866] : memref<3x1x2x128xi32, #tpu.memory_space<vmem>> -> memref<1x1x1x128xi32, #tpu.memory_space<vmem>>
        %dma_wait3A_868 = tpu.memref_squeeze %dma_wait3A_867 : memref<1x1x1x128xi32, #tpu.memory_space<vmem>> -> memref<128xi32, #tpu.memory_space<vmem>>
        %dma_wait3A_869 = arith.constant 0 : i32
        %dma_wait3A_870 = arith.constant 0 : i32
        %dma_wait3A_871 = tpu.memref_slice %arg9[%dma_wait3A_869, %dma_wait3A_870] : memref<10112x128xf32, #tpu.memory_space<vmem_shared>> -> memref<10112x128xf32, #tpu.memory_space<vmem_shared>>
        tpu.wait_indirect_dma semaphore(%run_scoped3A_851 : memref<!tpu.dma_semaphore, #tpu.memory_space<semaphore_mem>>) src(%dma_wait3A_865 : memref<128x128xf32, #tpu.memory_space<vmem>>) dst(%dma_wait3A_871 : memref<10112x128xf32, #tpu.memory_space<vmem_shared>>)
        tpu.yield
      }) : () -> ()
      %add3A_482 = arith.constant 3 : i32
      %add3A_483 = arith.addi %add3A_354, %add3A_482 : i32
      %jit3A_484 = arith.constant 3 : i32
      %eq3A_485 = arith.constant 0 : i32
      %eq3A_486 = arith.cmpi eq, %jit3A_484, %eq3A_485 : i32
      %jit3A_487 = arith.constant 1 : i32
      %select_n3A_488 = arith.select %eq3A_486, %jit3A_487, %jit3A_484 : i32
      %rem3A_489 = arith.remsi %add3A_354, %select_n3A_488 : i32
      %ne3A_490 = arith.constant 0 : i32
      %ne3A_491 = arith.cmpi ne, %rem3A_489, %ne3A_490 : i32
      %lt3A_492 = arith.constant 0 : i32
      %lt3A_493 = arith.cmpi slt, %rem3A_489, %lt3A_492 : i32
      %lt3A_494 = arith.constant 0 : i32
      %lt3A_495 = arith.cmpi slt, %select_n3A_488, %lt3A_494 : i32
      %ne3A_496 = arith.xori %lt3A_493, %lt3A_495 : i1
      %and3A_497 = arith.andi %ne3A_496, %ne3A_491 : i1
      %add3A_498 = arith.addi %rem3A_489, %select_n3A_488 : i32
      %select_n3A_499 = arith.select %and3A_497, %add3A_498, %rem3A_489 : i32
      %mul3A_500 = arith.constant 128 : i32
      %mul3A_501 = arith.muli %add3A_483, %mul3A_500 : i32
      %add3A_502 = arith.addi %mul3A_4, %mul3A_501 : i32
      %lt3A_503 = arith.constant 320000 : i32
      %lt3A_504 = arith.cmpi slt, %add3A_502, %lt3A_503 : i32
      %convert_element_type3A_505 = arith.extui %lt3A_504 : i1 to i32
      %cond3A_506 = arith.constant 0 : i32
      %cond3A_507 = arith.cmpi ne, %convert_element_type3A_505, %cond3A_506 : i32
      scf.if %cond3A_507 {
        %dma_start3A_851 = arith.constant 0 : i32
        %dma_start3A_852 = arith.constant 0 : i32
        %dma_start3A_853 = arith.constant 0 : i32
        %dma_start3A_854 = arith.constant 0 : i32
        %dma_start3A_855 = tpu.memref_slice %arg7[%select_n3A_499, %dma_start3A_852, %dma_start3A_853, %dma_start3A_854] : memref<3x1x2x128xi32, #tpu.memory_space<vmem>> -> memref<1x1x1x128xi32, #tpu.memory_space<vmem>>
        %dma_start3A_856 = tpu.memref_squeeze %dma_start3A_855 : memref<1x1x1x128xi32, #tpu.memory_space<vmem>> -> memref<128xi32, #tpu.memory_space<vmem>>
        %dma_start3A_857 = tpu.memref_slice %arg3[%dma_start3A_851, %add3A_502] : memref<2x320000xi32, #tpu.memory_space<hbm>> -> memref<1x128xi32, #tpu.memory_space<hbm>>
        %dma_start3A_858 = tpu.memref_squeeze %dma_start3A_857 : memref<1x128xi32, #tpu.memory_space<hbm>> -> memref<128xi32, #tpu.memory_space<hbm>>
        %dma_start3A_859 = arith.constant 0 : i32
        %dma_start3A_860 = tpu.memref_slice %arg7[%select_n3A_499, %dma_start3A_852, %dma_start3A_853, %dma_start3A_859] : memref<3x1x2x128xi32, #tpu.memory_space<vmem>> -> memref<1x1x1x128xi32, #tpu.memory_space<vmem>>
        %dma_start3A_861 = tpu.memref_squeeze %dma_start3A_860 : memref<1x1x1x128xi32, #tpu.memory_space<vmem>> -> memref<128xi32, #tpu.memory_space<vmem>>
        %dma_start3A_862 = tpu.memref_slice %arg3[%dma_start3A_851, %add3A_502] : memref<2x320000xi32, #tpu.memory_space<hbm>> -> memref<1x128xi32, #tpu.memory_space<hbm>>
        %dma_start3A_863 = tpu.memref_squeeze %dma_start3A_862 : memref<1x128xi32, #tpu.memory_space<hbm>> -> memref<128xi32, #tpu.memory_space<hbm>>
        tpu.enqueue_dma source(%dma_start3A_863 : memref<128xi32, #tpu.memory_space<hbm>>) target(%dma_start3A_861 : memref<128xi32, #tpu.memory_space<vmem>>) target_semaphore(%arg11 : memref<!tpu.dma_semaphore, #tpu.memory_space<semaphore_mem>>)
        %dma_start3A_864 = arith.constant 1 : i32
        %dma_start3A_865 = arith.constant 0 : i32
        %dma_start3A_866 = arith.constant 1 : i32
        %dma_start3A_867 = arith.constant 0 : i32
        %dma_start3A_868 = tpu.memref_slice %arg7[%select_n3A_499, %dma_start3A_865, %dma_start3A_866, %dma_start3A_867] : memref<3x1x2x128xi32, #tpu.memory_space<vmem>> -> memref<1x1x1x128xi32, #tpu.memory_space<vmem>>
        %dma_start3A_869 = tpu.memref_squeeze %dma_start3A_868 : memref<1x1x1x128xi32, #tpu.memory_space<vmem>> -> memref<128xi32, #tpu.memory_space<vmem>>
        %dma_start3A_870 = tpu.memref_slice %arg3[%dma_start3A_864, %add3A_502] : memref<2x320000xi32, #tpu.memory_space<hbm>> -> memref<1x128xi32, #tpu.memory_space<hbm>>
        %dma_start3A_871 = tpu.memref_squeeze %dma_start3A_870 : memref<1x128xi32, #tpu.memory_space<hbm>> -> memref<128xi32, #tpu.memory_space<hbm>>
        %dma_start3A_872 = arith.constant 0 : i32
        %dma_start3A_873 = tpu.memref_slice %arg7[%select_n3A_499, %dma_start3A_865, %dma_start3A_866, %dma_start3A_872] : memref<3x1x2x128xi32, #tpu.memory_space<vmem>> -> memref<1x1x1x128xi32, #tpu.memory_space<vmem>>
        %dma_start3A_874 = tpu.memref_squeeze %dma_start3A_873 : memref<1x1x1x128xi32, #tpu.memory_space<vmem>> -> memref<128xi32, #tpu.memory_space<vmem>>
        %dma_start3A_875 = tpu.memref_slice %arg3[%dma_start3A_864, %add3A_502] : memref<2x320000xi32, #tpu.memory_space<hbm>> -> memref<1x128xi32, #tpu.memory_space<hbm>>
        %dma_start3A_876 = tpu.memref_squeeze %dma_start3A_875 : memref<1x128xi32, #tpu.memory_space<hbm>> -> memref<128xi32, #tpu.memory_space<hbm>>
        tpu.enqueue_dma source(%dma_start3A_876 : memref<128xi32, #tpu.memory_space<hbm>>) target(%dma_start3A_874 : memref<128xi32, #tpu.memory_space<vmem>>) target_semaphore(%arg11 : memref<!tpu.dma_semaphore, #tpu.memory_space<semaphore_mem>>)
      } else {
      }
      %ge3A_508 = arith.constant 320000 : i32
      %ge3A_509 = arith.cmpi sge, %add3A_502, %ge3A_508 : i32
      %convert_element_type3A_510 = arith.extui %ge3A_509 : i1 to i32
      %cond3A_511 = arith.constant 0 : i32
      %cond3A_512 = arith.cmpi ne, %convert_element_type3A_510, %cond3A_511 : i32
      scf.if %cond3A_512 {
        %sub3A = arith.constant 320000 : i32
        %sub3A_851 = arith.subi %add3A_502, %sub3A : i32
        %dma_start3A_852 = arith.constant 0 : i32
        %dma_start3A_853 = arith.constant 0 : i32
        %dma_start3A_854 = arith.constant 0 : i32
        %dma_start3A_855 = tpu.memref_slice %arg7[%select_n3A_499, %dma_start3A_852, %dma_start3A_853, %dma_start3A_854] : memref<3x1x2x128xi32, #tpu.memory_space<vmem>> -> memref<1x1x1x128xi32, #tpu.memory_space<vmem>>
        %dma_start3A_856 = tpu.memref_squeeze %dma_start3A_855 : memref<1x1x1x128xi32, #tpu.memory_space<vmem>> -> memref<128xi32, #tpu.memory_space<vmem>>
        %dma_start3A_857 = tpu.memref_slice %arg4[%sub3A_851] : memref<12160xi32, #tpu.memory_space<hbm>> -> memref<128xi32, #tpu.memory_space<hbm>>
        %dma_start3A_858 = arith.constant 0 : i32
        %dma_start3A_859 = tpu.memref_slice %arg7[%select_n3A_499, %dma_start3A_852, %dma_start3A_853, %dma_start3A_858] : memref<3x1x2x128xi32, #tpu.memory_space<vmem>> -> memref<1x1x1x128xi32, #tpu.memory_space<vmem>>
        %dma_start3A_860 = tpu.memref_squeeze %dma_start3A_859 : memref<1x1x1x128xi32, #tpu.memory_space<vmem>> -> memref<128xi32, #tpu.memory_space<vmem>>
        %dma_start3A_861 = tpu.memref_slice %arg4[%sub3A_851] : memref<12160xi32, #tpu.memory_space<hbm>> -> memref<128xi32, #tpu.memory_space<hbm>>
        tpu.enqueue_dma source(%dma_start3A_861 : memref<128xi32, #tpu.memory_space<hbm>>) target(%dma_start3A_860 : memref<128xi32, #tpu.memory_space<vmem>>) target_semaphore(%arg11 : memref<!tpu.dma_semaphore, #tpu.memory_space<semaphore_mem>>)
        %sub3A_862 = arith.constant 320000 : i32
        %sub3A_863 = arith.subi %add3A_502, %sub3A_862 : i32
        %dma_start3A_864 = arith.constant 0 : i32
        %dma_start3A_865 = arith.constant 1 : i32
        %dma_start3A_866 = arith.constant 0 : i32
        %dma_start3A_867 = tpu.memref_slice %arg7[%select_n3A_499, %dma_start3A_864, %dma_start3A_865, %dma_start3A_866] : memref<3x1x2x128xi32, #tpu.memory_space<vmem>> -> memref<1x1x1x128xi32, #tpu.memory_space<vmem>>
        %dma_start3A_868 = tpu.memref_squeeze %dma_start3A_867 : memref<1x1x1x128xi32, #tpu.memory_space<vmem>> -> memref<128xi32, #tpu.memory_space<vmem>>
        %dma_start3A_869 = tpu.memref_slice %arg5[%sub3A_863] : memref<12160xi32, #tpu.memory_space<hbm>> -> memref<128xi32, #tpu.memory_space<hbm>>
        %dma_start3A_870 = arith.constant 0 : i32
        %dma_start3A_871 = tpu.memref_slice %arg7[%select_n3A_499, %dma_start3A_864, %dma_start3A_865, %dma_start3A_870] : memref<3x1x2x128xi32, #tpu.memory_space<vmem>> -> memref<1x1x1x128xi32, #tpu.memory_space<vmem>>
        %dma_start3A_872 = tpu.memref_squeeze %dma_start3A_871 : memref<1x1x1x128xi32, #tpu.memory_space<vmem>> -> memref<128xi32, #tpu.memory_space<vmem>>
        %dma_start3A_873 = tpu.memref_slice %arg5[%sub3A_863] : memref<12160xi32, #tpu.memory_space<hbm>> -> memref<128xi32, #tpu.memory_space<hbm>>
        tpu.enqueue_dma source(%dma_start3A_873 : memref<128xi32, #tpu.memory_space<hbm>>) target(%dma_start3A_872 : memref<128xi32, #tpu.memory_space<vmem>>) target_semaphore(%arg11 : memref<!tpu.dma_semaphore, #tpu.memory_space<semaphore_mem>>)
      } else {
      }
      %mul3A_513 = arith.constant 3 : i32
      %mul3A_514 = arith.muli %scan3A_350, %mul3A_513 : i32
      %add3A_515 = arith.constant 1 : i32
      %add3A_516 = arith.addi %mul3A_514, %add3A_515 : i32
      %add3A_517 = arith.constant 2 : i32
      %add3A_518 = arith.addi %add3A_516, %add3A_517 : i32
      %jit3A_519 = arith.constant 3 : i32
      %eq3A_520 = arith.constant 0 : i32
      %eq3A_521 = arith.cmpi eq, %jit3A_519, %eq3A_520 : i32
      %jit3A_522 = arith.constant 1 : i32
      %select_n3A_523 = arith.select %eq3A_521, %jit3A_522, %jit3A_519 : i32
      %rem3A_524 = arith.remsi %add3A_518, %select_n3A_523 : i32
      %ne3A_525 = arith.constant 0 : i32
      %ne3A_526 = arith.cmpi ne, %rem3A_524, %ne3A_525 : i32
      %lt3A_527 = arith.constant 0 : i32
      %lt3A_528 = arith.cmpi slt, %rem3A_524, %lt3A_527 : i32
      %lt3A_529 = arith.constant 0 : i32
      %lt3A_530 = arith.cmpi slt, %select_n3A_523, %lt3A_529 : i32
      %ne3A_531 = arith.xori %lt3A_528, %lt3A_530 : i1
      %and3A_532 = arith.andi %ne3A_531, %ne3A_526 : i1
      %add3A_533 = arith.addi %rem3A_524, %select_n3A_523 : i32
      %select_n3A_534 = arith.select %and3A_532, %add3A_533, %rem3A_524 : i32
      %dma_wait3A_535 = arith.constant 0 : i32
      %dma_wait3A_536 = arith.constant 0 : i32
      %dma_wait3A_537 = arith.constant 0 : i32
      %dma_wait3A_538 = tpu.memref_slice %arg7[%select_n3A_534, %dma_wait3A_535, %dma_wait3A_536, %dma_wait3A_537] : memref<3x1x2x128xi32, #tpu.memory_space<vmem>> -> memref<1x1x1x128xi32, #tpu.memory_space<vmem>>
      %dma_wait3A_539 = tpu.memref_squeeze %dma_wait3A_538 : memref<1x1x1x128xi32, #tpu.memory_space<vmem>> -> memref<128xi32, #tpu.memory_space<vmem>>
      %dma_wait3A_540 = arith.constant 0 : i32
      %dma_wait3A_541 = tpu.memref_slice %arg4[%dma_wait3A_540] : memref<12160xi32, #tpu.memory_space<hbm>> -> memref<128xi32, #tpu.memory_space<hbm>>
      %dma_wait3A_542 = arith.constant 0 : i32
      %dma_wait3A_543 = tpu.memref_slice %arg7[%select_n3A_534, %dma_wait3A_535, %dma_wait3A_536, %dma_wait3A_542] : memref<3x1x2x128xi32, #tpu.memory_space<vmem>> -> memref<1x1x1x128xi32, #tpu.memory_space<vmem>>
      %dma_wait3A_544 = tpu.memref_squeeze %dma_wait3A_543 : memref<1x1x1x128xi32, #tpu.memory_space<vmem>> -> memref<128xi32, #tpu.memory_space<vmem>>
      %dma_wait3A_545 = arith.constant 0 : i32
      %dma_wait3A_546 = tpu.memref_slice %arg4[%dma_wait3A_545] : memref<12160xi32, #tpu.memory_space<hbm>> -> memref<128xi32, #tpu.memory_space<hbm>>
      tpu.wait_dma2 semaphore(%arg11 : memref<!tpu.dma_semaphore, #tpu.memory_space<semaphore_mem>>) src(%dma_wait3A_546 : memref<128xi32, #tpu.memory_space<hbm>>) dst(%dma_wait3A_544 : memref<128xi32, #tpu.memory_space<vmem>>)
      %dma_wait3A_547 = arith.constant 0 : i32
      %dma_wait3A_548 = arith.constant 1 : i32
      %dma_wait3A_549 = arith.constant 0 : i32
      %dma_wait3A_550 = tpu.memref_slice %arg7[%select_n3A_534, %dma_wait3A_547, %dma_wait3A_548, %dma_wait3A_549] : memref<3x1x2x128xi32, #tpu.memory_space<vmem>> -> memref<1x1x1x128xi32, #tpu.memory_space<vmem>>
      %dma_wait3A_551 = tpu.memref_squeeze %dma_wait3A_550 : memref<1x1x1x128xi32, #tpu.memory_space<vmem>> -> memref<128xi32, #tpu.memory_space<vmem>>
      %dma_wait3A_552 = arith.constant 0 : i32
      %dma_wait3A_553 = tpu.memref_slice %arg5[%dma_wait3A_552] : memref<12160xi32, #tpu.memory_space<hbm>> -> memref<128xi32, #tpu.memory_space<hbm>>
      %dma_wait3A_554 = arith.constant 0 : i32
      %dma_wait3A_555 = tpu.memref_slice %arg7[%select_n3A_534, %dma_wait3A_547, %dma_wait3A_548, %dma_wait3A_554] : memref<3x1x2x128xi32, #tpu.memory_space<vmem>> -> memref<1x1x1x128xi32, #tpu.memory_space<vmem>>
      %dma_wait3A_556 = tpu.memref_squeeze %dma_wait3A_555 : memref<1x1x1x128xi32, #tpu.memory_space<vmem>> -> memref<128xi32, #tpu.memory_space<vmem>>
      %dma_wait3A_557 = arith.constant 0 : i32
      %dma_wait3A_558 = tpu.memref_slice %arg5[%dma_wait3A_557] : memref<12160xi32, #tpu.memory_space<hbm>> -> memref<128xi32, #tpu.memory_space<hbm>>
      tpu.wait_dma2 semaphore(%arg11 : memref<!tpu.dma_semaphore, #tpu.memory_space<semaphore_mem>>) src(%dma_wait3A_558 : memref<128xi32, #tpu.memory_space<hbm>>) dst(%dma_wait3A_556 : memref<128xi32, #tpu.memory_space<vmem>>)
      %add3A_559 = arith.constant 2 : i32
      %add3A_560 = arith.addi %add3A_516, %add3A_559 : i32
      %jit3A_561 = arith.constant 3 : i32
      %eq3A_562 = arith.constant 0 : i32
      %eq3A_563 = arith.cmpi eq, %jit3A_561, %eq3A_562 : i32
      %jit3A_564 = arith.constant 1 : i32
      %select_n3A_565 = arith.select %eq3A_563, %jit3A_564, %jit3A_561 : i32
      %rem3A_566 = arith.remsi %add3A_560, %select_n3A_565 : i32
      %ne3A_567 = arith.constant 0 : i32
      %ne3A_568 = arith.cmpi ne, %rem3A_566, %ne3A_567 : i32
      %lt3A_569 = arith.constant 0 : i32
      %lt3A_570 = arith.cmpi slt, %rem3A_566, %lt3A_569 : i32
      %lt3A_571 = arith.constant 0 : i32
      %lt3A_572 = arith.cmpi slt, %select_n3A_565, %lt3A_571 : i32
      %ne3A_573 = arith.xori %lt3A_570, %lt3A_572 : i1
      %and3A_574 = arith.andi %ne3A_573, %ne3A_568 : i1
      %add3A_575 = arith.addi %rem3A_566, %select_n3A_565 : i32
      %select_n3A_576 = arith.select %and3A_574, %add3A_575, %rem3A_566 : i32
      %dma_start3A_577 = arith.constant 0 : i32
      %dma_start3A_578 = arith.constant 0 : i32
      %dma_start3A_579 = arith.constant 0 : i32
      %dma_start3A_580 = arith.constant 0 : i32
      %dma_start3A_581 = tpu.memref_slice %arg8[%select_n3A_576, %dma_start3A_579, %dma_start3A_580] : memref<3x128x128xf32, #tpu.memory_space<vmem>> -> memref<1x128x128xf32, #tpu.memory_space<vmem>>
      %dma_start3A_582 = tpu.memref_squeeze %dma_start3A_581 : memref<1x128x128xf32, #tpu.memory_space<vmem>> -> memref<128x128xf32, #tpu.memory_space<vmem>>
      %dma_start3A_583 = arith.constant 0 : i32
      %dma_start3A_584 = tpu.memref_slice %arg7[%select_n3A_576, %dma_start3A_577, %dma_start3A_578, %dma_start3A_583] : memref<3x1x2x128xi32, #tpu.memory_space<vmem>> -> memref<1x1x1x128xi32, #tpu.memory_space<vmem>>
      %dma_start3A_585 = tpu.memref_squeeze %dma_start3A_584 : memref<1x1x1x128xi32, #tpu.memory_space<vmem>> -> memref<128xi32, #tpu.memory_space<vmem>>
      %dma_start3A_586 = arith.constant 0 : i32
      %dma_start3A_587 = arith.constant 0 : i32
      %dma_start3A_588 = tpu.memref_slice %arg2[%dma_start3A_586, %dma_start3A_587] : memref<10000x128xf32, #tpu.memory_space<hbm>> -> memref<10000x128xf32, #tpu.memory_space<hbm>>
      tpu.enqueue_indirect_dma source(%dma_start3A_588 : memref<10000x128xf32, #tpu.memory_space<hbm>>) target(%dma_start3A_582 : memref<128x128xf32, #tpu.memory_space<vmem>>) offsets(%dma_start3A_585 : memref<128xi32, #tpu.memory_space<vmem>>) semaphore(%arg10 : memref<!tpu.dma_semaphore, #tpu.memory_space<semaphore_mem>>)
      %jit3A_589 = arith.constant 3 : i32
      %eq3A_590 = arith.constant 0 : i32
      %eq3A_591 = arith.cmpi eq, %jit3A_589, %eq3A_590 : i32
      %jit3A_592 = arith.constant 1 : i32
      %select_n3A_593 = arith.select %eq3A_591, %jit3A_592, %jit3A_589 : i32
      %rem3A_594 = arith.remsi %add3A_516, %select_n3A_593 : i32
      %ne3A_595 = arith.constant 0 : i32
      %ne3A_596 = arith.cmpi ne, %rem3A_594, %ne3A_595 : i32
      %lt3A_597 = arith.constant 0 : i32
      %lt3A_598 = arith.cmpi slt, %rem3A_594, %lt3A_597 : i32
      %lt3A_599 = arith.constant 0 : i32
      %lt3A_600 = arith.cmpi slt, %select_n3A_593, %lt3A_599 : i32
      %ne3A_601 = arith.xori %lt3A_598, %lt3A_600 : i1
      %and3A_602 = arith.andi %ne3A_601, %ne3A_596 : i1
      %add3A_603 = arith.addi %rem3A_594, %select_n3A_593 : i32
      %select_n3A_604 = arith.select %and3A_602, %add3A_603, %rem3A_594 : i32
      %dma_wait3A_605 = arith.constant 0 : i32
      %dma_wait3A_606 = arith.constant 0 : i32
      %dma_wait3A_607 = arith.constant 0 : i32
      %dma_wait3A_608 = arith.constant 0 : i32
      %dma_wait3A_609 = tpu.memref_slice %arg8[%select_n3A_604, %dma_wait3A_607, %dma_wait3A_608] : memref<3x128x128xf32, #tpu.memory_space<vmem>> -> memref<1x128x128xf32, #tpu.memory_space<vmem>>
      %dma_wait3A_610 = tpu.memref_squeeze %dma_wait3A_609 : memref<1x128x128xf32, #tpu.memory_space<vmem>> -> memref<128x128xf32, #tpu.memory_space<vmem>>
      %dma_wait3A_611 = arith.constant 0 : i32
      %dma_wait3A_612 = tpu.memref_slice %arg7[%select_n3A_604, %dma_wait3A_605, %dma_wait3A_606, %dma_wait3A_611] : memref<3x1x2x128xi32, #tpu.memory_space<vmem>> -> memref<1x1x1x128xi32, #tpu.memory_space<vmem>>
      %dma_wait3A_613 = tpu.memref_squeeze %dma_wait3A_612 : memref<1x1x1x128xi32, #tpu.memory_space<vmem>> -> memref<128xi32, #tpu.memory_space<vmem>>
      %dma_wait3A_614 = arith.constant 0 : i32
      %dma_wait3A_615 = arith.constant 0 : i32
      %dma_wait3A_616 = tpu.memref_slice %arg2[%dma_wait3A_614, %dma_wait3A_615] : memref<10000x128xf32, #tpu.memory_space<hbm>> -> memref<10000x128xf32, #tpu.memory_space<hbm>>
      tpu.wait_indirect_dma semaphore(%arg10 : memref<!tpu.dma_semaphore, #tpu.memory_space<semaphore_mem>>) src(%dma_wait3A_616 : memref<10000x128xf32, #tpu.memory_space<hbm>>) dst(%dma_wait3A_610 : memref<128x128xf32, #tpu.memory_space<vmem>>)
      %jit3A_617 = arith.constant 3 : i32
      %eq3A_618 = arith.constant 0 : i32
      %eq3A_619 = arith.cmpi eq, %jit3A_617, %eq3A_618 : i32
      %jit3A_620 = arith.constant 1 : i32
      %select_n3A_621 = arith.select %eq3A_619, %jit3A_620, %jit3A_617 : i32
      %rem3A_622 = arith.remsi %add3A_516, %select_n3A_621 : i32
      %ne3A_623 = arith.constant 0 : i32
      %ne3A_624 = arith.cmpi ne, %rem3A_622, %ne3A_623 : i32
      %lt3A_625 = arith.constant 0 : i32
      %lt3A_626 = arith.cmpi slt, %rem3A_622, %lt3A_625 : i32
      %lt3A_627 = arith.constant 0 : i32
      %lt3A_628 = arith.cmpi slt, %select_n3A_621, %lt3A_627 : i32
      %ne3A_629 = arith.xori %lt3A_626, %lt3A_628 : i1
      %and3A_630 = arith.andi %ne3A_629, %ne3A_624 : i1
      %add3A_631 = arith.addi %rem3A_622, %select_n3A_621 : i32
      %select_n3A_632 = arith.select %and3A_630, %add3A_631, %rem3A_622 : i32
      %jit3A_633 = arith.constant 3 : i32
      %eq3A_634 = arith.constant 0 : i32
      %eq3A_635 = arith.cmpi eq, %jit3A_633, %eq3A_634 : i32
      %jit3A_636 = arith.constant 1 : i32
      %select_n3A_637 = arith.select %eq3A_635, %jit3A_636, %jit3A_633 : i32
      %rem3A_638 = arith.remsi %add3A_516, %select_n3A_637 : i32
      %ne3A_639 = arith.constant 0 : i32
      %ne3A_640 = arith.cmpi ne, %rem3A_638, %ne3A_639 : i32
      %lt3A_641 = arith.constant 0 : i32
      %lt3A_642 = arith.cmpi slt, %rem3A_638, %lt3A_641 : i32
      %lt3A_643 = arith.constant 0 : i32
      %lt3A_644 = arith.cmpi slt, %select_n3A_637, %lt3A_643 : i32
      %ne3A_645 = arith.xori %lt3A_642, %lt3A_644 : i1
      %and3A_646 = arith.andi %ne3A_645, %ne3A_640 : i1
      %add3A_647 = arith.addi %rem3A_638, %select_n3A_637 : i32
      %select_n3A_648 = arith.select %and3A_646, %add3A_647, %rem3A_638 : i32
      %run_scoped3A_649 = arith.constant 0 : i32
      %run_scoped3A_650 = arith.constant 1 : i32
      "tpu.region"() ({
        %run_scoped3A_851 = tpu.sem_alloc : memref<!tpu.dma_semaphore, #tpu.memory_space<semaphore_mem>>
        %dma_start3A_852 = arith.constant 0 : i32
        %dma_start3A_853 = arith.constant 0 : i32
        %dma_start3A_854 = tpu.memref_slice %arg8[%select_n3A_632, %dma_start3A_852, %dma_start3A_853] : memref<3x128x128xf32, #tpu.memory_space<vmem>> -> memref<1x128x128xf32, #tpu.memory_space<vmem>>
        %dma_start3A_855 = tpu.memref_squeeze %dma_start3A_854 : memref<1x128x128xf32, #tpu.memory_space<vmem>> -> memref<128x128xf32, #tpu.memory_space<vmem>>
        %dma_start3A_856 = arith.constant 0 : i32
        %dma_start3A_857 = tpu.memref_slice %arg7[%select_n3A_648, %run_scoped3A_649, %run_scoped3A_650, %dma_start3A_856] : memref<3x1x2x128xi32, #tpu.memory_space<vmem>> -> memref<1x1x1x128xi32, #tpu.memory_space<vmem>>
        %dma_start3A_858 = tpu.memref_squeeze %dma_start3A_857 : memref<1x1x1x128xi32, #tpu.memory_space<vmem>> -> memref<128xi32, #tpu.memory_space<vmem>>
        %dma_start3A_859 = arith.constant 0 : i32
        %dma_start3A_860 = arith.constant 0 : i32
        %dma_start3A_861 = tpu.memref_slice %arg9[%dma_start3A_859, %dma_start3A_860] : memref<10112x128xf32, #tpu.memory_space<vmem_shared>> -> memref<10112x128xf32, #tpu.memory_space<vmem_shared>>
        tpu.enqueue_indirect_dma source(%dma_start3A_855 : memref<128x128xf32, #tpu.memory_space<vmem>>) target(%dma_start3A_861 : memref<10112x128xf32, #tpu.memory_space<vmem_shared>>) offsets(%dma_start3A_858 : memref<128xi32, #tpu.memory_space<vmem>>) semaphore(%run_scoped3A_851 : memref<!tpu.dma_semaphore, #tpu.memory_space<semaphore_mem>>) {add = true}
        %dma_wait3A_862 = arith.constant 0 : i32
        %dma_wait3A_863 = arith.constant 0 : i32
        %dma_wait3A_864 = tpu.memref_slice %arg8[%select_n3A_632, %dma_wait3A_862, %dma_wait3A_863] : memref<3x128x128xf32, #tpu.memory_space<vmem>> -> memref<1x128x128xf32, #tpu.memory_space<vmem>>
        %dma_wait3A_865 = tpu.memref_squeeze %dma_wait3A_864 : memref<1x128x128xf32, #tpu.memory_space<vmem>> -> memref<128x128xf32, #tpu.memory_space<vmem>>
        %dma_wait3A_866 = arith.constant 0 : i32
        %dma_wait3A_867 = tpu.memref_slice %arg7[%select_n3A_648, %run_scoped3A_649, %run_scoped3A_650, %dma_wait3A_866] : memref<3x1x2x128xi32, #tpu.memory_space<vmem>> -> memref<1x1x1x128xi32, #tpu.memory_space<vmem>>
        %dma_wait3A_868 = tpu.memref_squeeze %dma_wait3A_867 : memref<1x1x1x128xi32, #tpu.memory_space<vmem>> -> memref<128xi32, #tpu.memory_space<vmem>>
        %dma_wait3A_869 = arith.constant 0 : i32
        %dma_wait3A_870 = arith.constant 0 : i32
        %dma_wait3A_871 = tpu.memref_slice %arg9[%dma_wait3A_869, %dma_wait3A_870] : memref<10112x128xf32, #tpu.memory_space<vmem_shared>> -> memref<10112x128xf32, #tpu.memory_space<vmem_shared>>
        tpu.wait_indirect_dma semaphore(%run_scoped3A_851 : memref<!tpu.dma_semaphore, #tpu.memory_space<semaphore_mem>>) src(%dma_wait3A_865 : memref<128x128xf32, #tpu.memory_space<vmem>>) dst(%dma_wait3A_871 : memref<10112x128xf32, #tpu.memory_space<vmem_shared>>)
        tpu.yield
      }) : () -> ()
      %add3A_651 = arith.constant 3 : i32
      %add3A_652 = arith.addi %add3A_516, %add3A_651 : i32
      %jit3A_653 = arith.constant 3 : i32
      %eq3A_654 = arith.constant 0 : i32
      %eq3A_655 = arith.cmpi eq, %jit3A_653, %eq3A_654 : i32
      %jit3A_656 = arith.constant 1 : i32
      %select_n3A_657 = arith.select %eq3A_655, %jit3A_656, %jit3A_653 : i32
      %rem3A_658 = arith.remsi %add3A_516, %select_n3A_657 : i32
      %ne3A_659 = arith.constant 0 : i32
      %ne3A_660 = arith.cmpi ne, %rem3A_658, %ne3A_659 : i32
      %lt3A_661 = arith.constant 0 : i32
      %lt3A_662 = arith.cmpi slt, %rem3A_658, %lt3A_661 : i32
      %lt3A_663 = arith.constant 0 : i32
      %lt3A_664 = arith.cmpi slt, %select_n3A_657, %lt3A_663 : i32
      %ne3A_665 = arith.xori %lt3A_662, %lt3A_664 : i1
      %and3A_666 = arith.andi %ne3A_665, %ne3A_660 : i1
      %add3A_667 = arith.addi %rem3A_658, %select_n3A_657 : i32
      %select_n3A_668 = arith.select %and3A_666, %add3A_667, %rem3A_658 : i32
      %mul3A_669 = arith.constant 128 : i32
      %mul3A_670 = arith.muli %add3A_652, %mul3A_669 : i32
      %add3A_671 = arith.addi %mul3A_4, %mul3A_670 : i32
      %lt3A_672 = arith.constant 320000 : i32
      %lt3A_673 = arith.cmpi slt, %add3A_671, %lt3A_672 : i32
      %convert_element_type3A_674 = arith.extui %lt3A_673 : i1 to i32
      %cond3A_675 = arith.constant 0 : i32
      %cond3A_676 = arith.cmpi ne, %convert_element_type3A_674, %cond3A_675 : i32
      scf.if %cond3A_676 {
        %dma_start3A_851 = arith.constant 0 : i32
        %dma_start3A_852 = arith.constant 0 : i32
        %dma_start3A_853 = arith.constant 0 : i32
        %dma_start3A_854 = arith.constant 0 : i32
        %dma_start3A_855 = tpu.memref_slice %arg7[%select_n3A_668, %dma_start3A_852, %dma_start3A_853, %dma_start3A_854] : memref<3x1x2x128xi32, #tpu.memory_space<vmem>> -> memref<1x1x1x128xi32, #tpu.memory_space<vmem>>
        %dma_start3A_856 = tpu.memref_squeeze %dma_start3A_855 : memref<1x1x1x128xi32, #tpu.memory_space<vmem>> -> memref<128xi32, #tpu.memory_space<vmem>>
        %dma_start3A_857 = tpu.memref_slice %arg3[%dma_start3A_851, %add3A_671] : memref<2x320000xi32, #tpu.memory_space<hbm>> -> memref<1x128xi32, #tpu.memory_space<hbm>>
        %dma_start3A_858 = tpu.memref_squeeze %dma_start3A_857 : memref<1x128xi32, #tpu.memory_space<hbm>> -> memref<128xi32, #tpu.memory_space<hbm>>
        %dma_start3A_859 = arith.constant 0 : i32
        %dma_start3A_860 = tpu.memref_slice %arg7[%select_n3A_668, %dma_start3A_852, %dma_start3A_853, %dma_start3A_859] : memref<3x1x2x128xi32, #tpu.memory_space<vmem>> -> memref<1x1x1x128xi32, #tpu.memory_space<vmem>>
        %dma_start3A_861 = tpu.memref_squeeze %dma_start3A_860 : memref<1x1x1x128xi32, #tpu.memory_space<vmem>> -> memref<128xi32, #tpu.memory_space<vmem>>
        %dma_start3A_862 = tpu.memref_slice %arg3[%dma_start3A_851, %add3A_671] : memref<2x320000xi32, #tpu.memory_space<hbm>> -> memref<1x128xi32, #tpu.memory_space<hbm>>
        %dma_start3A_863 = tpu.memref_squeeze %dma_start3A_862 : memref<1x128xi32, #tpu.memory_space<hbm>> -> memref<128xi32, #tpu.memory_space<hbm>>
        tpu.enqueue_dma source(%dma_start3A_863 : memref<128xi32, #tpu.memory_space<hbm>>) target(%dma_start3A_861 : memref<128xi32, #tpu.memory_space<vmem>>) target_semaphore(%arg11 : memref<!tpu.dma_semaphore, #tpu.memory_space<semaphore_mem>>)
        %dma_start3A_864 = arith.constant 1 : i32
        %dma_start3A_865 = arith.constant 0 : i32
        %dma_start3A_866 = arith.constant 1 : i32
        %dma_start3A_867 = arith.constant 0 : i32
        %dma_start3A_868 = tpu.memref_slice %arg7[%select_n3A_668, %dma_start3A_865, %dma_start3A_866, %dma_start3A_867] : memref<3x1x2x128xi32, #tpu.memory_space<vmem>> -> memref<1x1x1x128xi32, #tpu.memory_space<vmem>>
        %dma_start3A_869 = tpu.memref_squeeze %dma_start3A_868 : memref<1x1x1x128xi32, #tpu.memory_space<vmem>> -> memref<128xi32, #tpu.memory_space<vmem>>
        %dma_start3A_870 = tpu.memref_slice %arg3[%dma_start3A_864, %add3A_671] : memref<2x320000xi32, #tpu.memory_space<hbm>> -> memref<1x128xi32, #tpu.memory_space<hbm>>
        %dma_start3A_871 = tpu.memref_squeeze %dma_start3A_870 : memref<1x128xi32, #tpu.memory_space<hbm>> -> memref<128xi32, #tpu.memory_space<hbm>>
        %dma_start3A_872 = arith.constant 0 : i32
        %dma_start3A_873 = tpu.memref_slice %arg7[%select_n3A_668, %dma_start3A_865, %dma_start3A_866, %dma_start3A_872] : memref<3x1x2x128xi32, #tpu.memory_space<vmem>> -> memref<1x1x1x128xi32, #tpu.memory_space<vmem>>
        %dma_start3A_874 = tpu.memref_squeeze %dma_start3A_873 : memref<1x1x1x128xi32, #tpu.memory_space<vmem>> -> memref<128xi32, #tpu.memory_space<vmem>>
        %dma_start3A_875 = tpu.memref_slice %arg3[%dma_start3A_864, %add3A_671] : memref<2x320000xi32, #tpu.memory_space<hbm>> -> memref<1x128xi32, #tpu.memory_space<hbm>>
        %dma_start3A_876 = tpu.memref_squeeze %dma_start3A_875 : memref<1x128xi32, #tpu.memory_space<hbm>> -> memref<128xi32, #tpu.memory_space<hbm>>
        tpu.enqueue_dma source(%dma_start3A_876 : memref<128xi32, #tpu.memory_space<hbm>>) target(%dma_start3A_874 : memref<128xi32, #tpu.memory_space<vmem>>) target_semaphore(%arg11 : memref<!tpu.dma_semaphore, #tpu.memory_space<semaphore_mem>>)
      } else {
      }
      %ge3A_677 = arith.constant 320000 : i32
      %ge3A_678 = arith.cmpi sge, %add3A_671, %ge3A_677 : i32
      %convert_element_type3A_679 = arith.extui %ge3A_678 : i1 to i32
      %cond3A_680 = arith.constant 0 : i32
      %cond3A_681 = arith.cmpi ne, %convert_element_type3A_679, %cond3A_680 : i32
      scf.if %cond3A_681 {
        %sub3A = arith.constant 320000 : i32
        %sub3A_851 = arith.subi %add3A_671, %sub3A : i32
        %dma_start3A_852 = arith.constant 0 : i32
        %dma_start3A_853 = arith.constant 0 : i32
        %dma_start3A_854 = arith.constant 0 : i32
        %dma_start3A_855 = tpu.memref_slice %arg7[%select_n3A_668, %dma_start3A_852, %dma_start3A_853, %dma_start3A_854] : memref<3x1x2x128xi32, #tpu.memory_space<vmem>> -> memref<1x1x1x128xi32, #tpu.memory_space<vmem>>
        %dma_start3A_856 = tpu.memref_squeeze %dma_start3A_855 : memref<1x1x1x128xi32, #tpu.memory_space<vmem>> -> memref<128xi32, #tpu.memory_space<vmem>>
        %dma_start3A_857 = tpu.memref_slice %arg4[%sub3A_851] : memref<12160xi32, #tpu.memory_space<hbm>> -> memref<128xi32, #tpu.memory_space<hbm>>
        %dma_start3A_858 = arith.constant 0 : i32
        %dma_start3A_859 = tpu.memref_slice %arg7[%select_n3A_668, %dma_start3A_852, %dma_start3A_853, %dma_start3A_858] : memref<3x1x2x128xi32, #tpu.memory_space<vmem>> -> memref<1x1x1x128xi32, #tpu.memory_space<vmem>>
        %dma_start3A_860 = tpu.memref_squeeze %dma_start3A_859 : memref<1x1x1x128xi32, #tpu.memory_space<vmem>> -> memref<128xi32, #tpu.memory_space<vmem>>
        %dma_start3A_861 = tpu.memref_slice %arg4[%sub3A_851] : memref<12160xi32, #tpu.memory_space<hbm>> -> memref<128xi32, #tpu.memory_space<hbm>>
        tpu.enqueue_dma source(%dma_start3A_861 : memref<128xi32, #tpu.memory_space<hbm>>) target(%dma_start3A_860 : memref<128xi32, #tpu.memory_space<vmem>>) target_semaphore(%arg11 : memref<!tpu.dma_semaphore, #tpu.memory_space<semaphore_mem>>)
        %sub3A_862 = arith.constant 320000 : i32
        %sub3A_863 = arith.subi %add3A_671, %sub3A_862 : i32
        %dma_start3A_864 = arith.constant 0 : i32
        %dma_start3A_865 = arith.constant 1 : i32
        %dma_start3A_866 = arith.constant 0 : i32
        %dma_start3A_867 = tpu.memref_slice %arg7[%select_n3A_668, %dma_start3A_864, %dma_start3A_865, %dma_start3A_866] : memref<3x1x2x128xi32, #tpu.memory_space<vmem>> -> memref<1x1x1x128xi32, #tpu.memory_space<vmem>>
        %dma_start3A_868 = tpu.memref_squeeze %dma_start3A_867 : memref<1x1x1x128xi32, #tpu.memory_space<vmem>> -> memref<128xi32, #tpu.memory_space<vmem>>
        %dma_start3A_869 = tpu.memref_slice %arg5[%sub3A_863] : memref<12160xi32, #tpu.memory_space<hbm>> -> memref<128xi32, #tpu.memory_space<hbm>>
        %dma_start3A_870 = arith.constant 0 : i32
        %dma_start3A_871 = tpu.memref_slice %arg7[%select_n3A_668, %dma_start3A_864, %dma_start3A_865, %dma_start3A_870] : memref<3x1x2x128xi32, #tpu.memory_space<vmem>> -> memref<1x1x1x128xi32, #tpu.memory_space<vmem>>
        %dma_start3A_872 = tpu.memref_squeeze %dma_start3A_871 : memref<1x1x1x128xi32, #tpu.memory_space<vmem>> -> memref<128xi32, #tpu.memory_space<vmem>>
        %dma_start3A_873 = tpu.memref_slice %arg5[%sub3A_863] : memref<12160xi32, #tpu.memory_space<hbm>> -> memref<128xi32, #tpu.memory_space<hbm>>
        tpu.enqueue_dma source(%dma_start3A_873 : memref<128xi32, #tpu.memory_space<hbm>>) target(%dma_start3A_872 : memref<128xi32, #tpu.memory_space<vmem>>) target_semaphore(%arg11 : memref<!tpu.dma_semaphore, #tpu.memory_space<semaphore_mem>>)
      } else {
      }
      %mul3A_682 = arith.constant 3 : i32
      %mul3A_683 = arith.muli %scan3A_350, %mul3A_682 : i32
      %add3A_684 = arith.constant 2 : i32
      %add3A_685 = arith.addi %mul3A_683, %add3A_684 : i32
      %add3A_686 = arith.constant 2 : i32
      %add3A_687 = arith.addi %add3A_685, %add3A_686 : i32
      %jit3A_688 = arith.constant 3 : i32
      %eq3A_689 = arith.constant 0 : i32
      %eq3A_690 = arith.cmpi eq, %jit3A_688, %eq3A_689 : i32
      %jit3A_691 = arith.constant 1 : i32
      %select_n3A_692 = arith.select %eq3A_690, %jit3A_691, %jit3A_688 : i32
      %rem3A_693 = arith.remsi %add3A_687, %select_n3A_692 : i32
      %ne3A_694 = arith.constant 0 : i32
      %ne3A_695 = arith.cmpi ne, %rem3A_693, %ne3A_694 : i32
      %lt3A_696 = arith.constant 0 : i32
      %lt3A_697 = arith.cmpi slt, %rem3A_693, %lt3A_696 : i32
      %lt3A_698 = arith.constant 0 : i32
      %lt3A_699 = arith.cmpi slt, %select_n3A_692, %lt3A_698 : i32
      %ne3A_700 = arith.xori %lt3A_697, %lt3A_699 : i1
      %and3A_701 = arith.andi %ne3A_700, %ne3A_695 : i1
      %add3A_702 = arith.addi %rem3A_693, %select_n3A_692 : i32
      %select_n3A_703 = arith.select %and3A_701, %add3A_702, %rem3A_693 : i32
      %dma_wait3A_704 = arith.constant 0 : i32
      %dma_wait3A_705 = arith.constant 0 : i32
      %dma_wait3A_706 = arith.constant 0 : i32
      %dma_wait3A_707 = tpu.memref_slice %arg7[%select_n3A_703, %dma_wait3A_704, %dma_wait3A_705, %dma_wait3A_706] : memref<3x1x2x128xi32, #tpu.memory_space<vmem>> -> memref<1x1x1x128xi32, #tpu.memory_space<vmem>>
      %dma_wait3A_708 = tpu.memref_squeeze %dma_wait3A_707 : memref<1x1x1x128xi32, #tpu.memory_space<vmem>> -> memref<128xi32, #tpu.memory_space<vmem>>
      %dma_wait3A_709 = arith.constant 0 : i32
      %dma_wait3A_710 = tpu.memref_slice %arg4[%dma_wait3A_709] : memref<12160xi32, #tpu.memory_space<hbm>> -> memref<128xi32, #tpu.memory_space<hbm>>
      %dma_wait3A_711 = arith.constant 0 : i32
      %dma_wait3A_712 = tpu.memref_slice %arg7[%select_n3A_703, %dma_wait3A_704, %dma_wait3A_705, %dma_wait3A_711] : memref<3x1x2x128xi32, #tpu.memory_space<vmem>> -> memref<1x1x1x128xi32, #tpu.memory_space<vmem>>
      %dma_wait3A_713 = tpu.memref_squeeze %dma_wait3A_712 : memref<1x1x1x128xi32, #tpu.memory_space<vmem>> -> memref<128xi32, #tpu.memory_space<vmem>>
      %dma_wait3A_714 = arith.constant 0 : i32
      %dma_wait3A_715 = tpu.memref_slice %arg4[%dma_wait3A_714] : memref<12160xi32, #tpu.memory_space<hbm>> -> memref<128xi32, #tpu.memory_space<hbm>>
      tpu.wait_dma2 semaphore(%arg11 : memref<!tpu.dma_semaphore, #tpu.memory_space<semaphore_mem>>) src(%dma_wait3A_715 : memref<128xi32, #tpu.memory_space<hbm>>) dst(%dma_wait3A_713 : memref<128xi32, #tpu.memory_space<vmem>>)
      %dma_wait3A_716 = arith.constant 0 : i32
      %dma_wait3A_717 = arith.constant 1 : i32
      %dma_wait3A_718 = arith.constant 0 : i32
      %dma_wait3A_719 = tpu.memref_slice %arg7[%select_n3A_703, %dma_wait3A_716, %dma_wait3A_717, %dma_wait3A_718] : memref<3x1x2x128xi32, #tpu.memory_space<vmem>> -> memref<1x1x1x128xi32, #tpu.memory_space<vmem>>
      %dma_wait3A_720 = tpu.memref_squeeze %dma_wait3A_719 : memref<1x1x1x128xi32, #tpu.memory_space<vmem>> -> memref<128xi32, #tpu.memory_space<vmem>>
      %dma_wait3A_721 = arith.constant 0 : i32
      %dma_wait3A_722 = tpu.memref_slice %arg5[%dma_wait3A_721] : memref<12160xi32, #tpu.memory_space<hbm>> -> memref<128xi32, #tpu.memory_space<hbm>>
      %dma_wait3A_723 = arith.constant 0 : i32
      %dma_wait3A_724 = tpu.memref_slice %arg7[%select_n3A_703, %dma_wait3A_716, %dma_wait3A_717, %dma_wait3A_723] : memref<3x1x2x128xi32, #tpu.memory_space<vmem>> -> memref<1x1x1x128xi32, #tpu.memory_space<vmem>>
      %dma_wait3A_725 = tpu.memref_squeeze %dma_wait3A_724 : memref<1x1x1x128xi32, #tpu.memory_space<vmem>> -> memref<128xi32, #tpu.memory_space<vmem>>
      %dma_wait3A_726 = arith.constant 0 : i32
      %dma_wait3A_727 = tpu.memref_slice %arg5[%dma_wait3A_726] : memref<12160xi32, #tpu.memory_space<hbm>> -> memref<128xi32, #tpu.memory_space<hbm>>
      tpu.wait_dma2 semaphore(%arg11 : memref<!tpu.dma_semaphore, #tpu.memory_space<semaphore_mem>>) src(%dma_wait3A_727 : memref<128xi32, #tpu.memory_space<hbm>>) dst(%dma_wait3A_725 : memref<128xi32, #tpu.memory_space<vmem>>)
      %add3A_728 = arith.constant 2 : i32
      %add3A_729 = arith.addi %add3A_685, %add3A_728 : i32
      %jit3A_730 = arith.constant 3 : i32
      %eq3A_731 = arith.constant 0 : i32
      %eq3A_732 = arith.cmpi eq, %jit3A_730, %eq3A_731 : i32
      %jit3A_733 = arith.constant 1 : i32
      %select_n3A_734 = arith.select %eq3A_732, %jit3A_733, %jit3A_730 : i32
      %rem3A_735 = arith.remsi %add3A_729, %select_n3A_734 : i32
      %ne3A_736 = arith.constant 0 : i32
      %ne3A_737 = arith.cmpi ne, %rem3A_735, %ne3A_736 : i32
      %lt3A_738 = arith.constant 0 : i32
      %lt3A_739 = arith.cmpi slt, %rem3A_735, %lt3A_738 : i32
      %lt3A_740 = arith.constant 0 : i32
      %lt3A_741 = arith.cmpi slt, %select_n3A_734, %lt3A_740 : i32
      %ne3A_742 = arith.xori %lt3A_739, %lt3A_741 : i1
      %and3A_743 = arith.andi %ne3A_742, %ne3A_737 : i1
      %add3A_744 = arith.addi %rem3A_735, %select_n3A_734 : i32
      %select_n3A_745 = arith.select %and3A_743, %add3A_744, %rem3A_735 : i32
      %dma_start3A_746 = arith.constant 0 : i32
      %dma_start3A_747 = arith.constant 0 : i32
      %dma_start3A_748 = arith.constant 0 : i32
      %dma_start3A_749 = arith.constant 0 : i32
      %dma_start3A_750 = tpu.memref_slice %arg8[%select_n3A_745, %dma_start3A_748, %dma_start3A_749] : memref<3x128x128xf32, #tpu.memory_space<vmem>> -> memref<1x128x128xf32, #tpu.memory_space<vmem>>
      %dma_start3A_751 = tpu.memref_squeeze %dma_start3A_750 : memref<1x128x128xf32, #tpu.memory_space<vmem>> -> memref<128x128xf32, #tpu.memory_space<vmem>>
      %dma_start3A_752 = arith.constant 0 : i32
      %dma_start3A_753 = tpu.memref_slice %arg7[%select_n3A_745, %dma_start3A_746, %dma_start3A_747, %dma_start3A_752] : memref<3x1x2x128xi32, #tpu.memory_space<vmem>> -> memref<1x1x1x128xi32, #tpu.memory_space<vmem>>
      %dma_start3A_754 = tpu.memref_squeeze %dma_start3A_753 : memref<1x1x1x128xi32, #tpu.memory_space<vmem>> -> memref<128xi32, #tpu.memory_space<vmem>>
      %dma_start3A_755 = arith.constant 0 : i32
      %dma_start3A_756 = arith.constant 0 : i32
      %dma_start3A_757 = tpu.memref_slice %arg2[%dma_start3A_755, %dma_start3A_756] : memref<10000x128xf32, #tpu.memory_space<hbm>> -> memref<10000x128xf32, #tpu.memory_space<hbm>>
      tpu.enqueue_indirect_dma source(%dma_start3A_757 : memref<10000x128xf32, #tpu.memory_space<hbm>>) target(%dma_start3A_751 : memref<128x128xf32, #tpu.memory_space<vmem>>) offsets(%dma_start3A_754 : memref<128xi32, #tpu.memory_space<vmem>>) semaphore(%arg10 : memref<!tpu.dma_semaphore, #tpu.memory_space<semaphore_mem>>)
      %jit3A_758 = arith.constant 3 : i32
      %eq3A_759 = arith.constant 0 : i32
      %eq3A_760 = arith.cmpi eq, %jit3A_758, %eq3A_759 : i32
      %jit3A_761 = arith.constant 1 : i32
      %select_n3A_762 = arith.select %eq3A_760, %jit3A_761, %jit3A_758 : i32
      %rem3A_763 = arith.remsi %add3A_685, %select_n3A_762 : i32
      %ne3A_764 = arith.constant 0 : i32
      %ne3A_765 = arith.cmpi ne, %rem3A_763, %ne3A_764 : i32
      %lt3A_766 = arith.constant 0 : i32
      %lt3A_767 = arith.cmpi slt, %rem3A_763, %lt3A_766 : i32
      %lt3A_768 = arith.constant 0 : i32
      %lt3A_769 = arith.cmpi slt, %select_n3A_762, %lt3A_768 : i32
      %ne3A_770 = arith.xori %lt3A_767, %lt3A_769 : i1
      %and3A_771 = arith.andi %ne3A_770, %ne3A_765 : i1
      %add3A_772 = arith.addi %rem3A_763, %select_n3A_762 : i32
      %select_n3A_773 = arith.select %and3A_771, %add3A_772, %rem3A_763 : i32
      %dma_wait3A_774 = arith.constant 0 : i32
      %dma_wait3A_775 = arith.constant 0 : i32
      %dma_wait3A_776 = arith.constant 0 : i32
      %dma_wait3A_777 = arith.constant 0 : i32
      %dma_wait3A_778 = tpu.memref_slice %arg8[%select_n3A_773, %dma_wait3A_776, %dma_wait3A_777] : memref<3x128x128xf32, #tpu.memory_space<vmem>> -> memref<1x128x128xf32, #tpu.memory_space<vmem>>
      %dma_wait3A_779 = tpu.memref_squeeze %dma_wait3A_778 : memref<1x128x128xf32, #tpu.memory_space<vmem>> -> memref<128x128xf32, #tpu.memory_space<vmem>>
      %dma_wait3A_780 = arith.constant 0 : i32
      %dma_wait3A_781 = tpu.memref_slice %arg7[%select_n3A_773, %dma_wait3A_774, %dma_wait3A_775, %dma_wait3A_780] : memref<3x1x2x128xi32, #tpu.memory_space<vmem>> -> memref<1x1x1x128xi32, #tpu.memory_space<vmem>>
      %dma_wait3A_782 = tpu.memref_squeeze %dma_wait3A_781 : memref<1x1x1x128xi32, #tpu.memory_space<vmem>> -> memref<128xi32, #tpu.memory_space<vmem>>
      %dma_wait3A_783 = arith.constant 0 : i32
      %dma_wait3A_784 = arith.constant 0 : i32
      %dma_wait3A_785 = tpu.memref_slice %arg2[%dma_wait3A_783, %dma_wait3A_784] : memref<10000x128xf32, #tpu.memory_space<hbm>> -> memref<10000x128xf32, #tpu.memory_space<hbm>>
      tpu.wait_indirect_dma semaphore(%arg10 : memref<!tpu.dma_semaphore, #tpu.memory_space<semaphore_mem>>) src(%dma_wait3A_785 : memref<10000x128xf32, #tpu.memory_space<hbm>>) dst(%dma_wait3A_779 : memref<128x128xf32, #tpu.memory_space<vmem>>)
      %jit3A_786 = arith.constant 3 : i32
      %eq3A_787 = arith.constant 0 : i32
      %eq3A_788 = arith.cmpi eq, %jit3A_786, %eq3A_787 : i32
      %jit3A_789 = arith.constant 1 : i32
      %select_n3A_790 = arith.select %eq3A_788, %jit3A_789, %jit3A_786 : i32
      %rem3A_791 = arith.remsi %add3A_685, %select_n3A_790 : i32
      %ne3A_792 = arith.constant 0 : i32
      %ne3A_793 = arith.cmpi ne, %rem3A_791, %ne3A_792 : i32
      %lt3A_794 = arith.constant 0 : i32
      %lt3A_795 = arith.cmpi slt, %rem3A_791, %lt3A_794 : i32
      %lt3A_796 = arith.constant 0 : i32
      %lt3A_797 = arith.cmpi slt, %select_n3A_790, %lt3A_796 : i32
      %ne3A_798 = arith.xori %lt3A_795, %lt3A_797 : i1
      %and3A_799 = arith.andi %ne3A_798, %ne3A_793 : i1
      %add3A_800 = arith.addi %rem3A_791, %select_n3A_790 : i32
      %select_n3A_801 = arith.select %and3A_799, %add3A_800, %rem3A_791 : i32
      %jit3A_802 = arith.constant 3 : i32
      %eq3A_803 = arith.constant 0 : i32
      %eq3A_804 = arith.cmpi eq, %jit3A_802, %eq3A_803 : i32
      %jit3A_805 = arith.constant 1 : i32
      %select_n3A_806 = arith.select %eq3A_804, %jit3A_805, %jit3A_802 : i32
      %rem3A_807 = arith.remsi %add3A_685, %select_n3A_806 : i32
      %ne3A_808 = arith.constant 0 : i32
      %ne3A_809 = arith.cmpi ne, %rem3A_807, %ne3A_808 : i32
      %lt3A_810 = arith.constant 0 : i32
      %lt3A_811 = arith.cmpi slt, %rem3A_807, %lt3A_810 : i32
      %lt3A_812 = arith.constant 0 : i32
      %lt3A_813 = arith.cmpi slt, %select_n3A_806, %lt3A_812 : i32
      %ne3A_814 = arith.xori %lt3A_811, %lt3A_813 : i1
      %and3A_815 = arith.andi %ne3A_814, %ne3A_809 : i1
      %add3A_816 = arith.addi %rem3A_807, %select_n3A_806 : i32
      %select_n3A_817 = arith.select %and3A_815, %add3A_816, %rem3A_807 : i32
      %run_scoped3A_818 = arith.constant 0 : i32
      %run_scoped3A_819 = arith.constant 1 : i32
      "tpu.region"() ({
        %run_scoped3A_851 = tpu.sem_alloc : memref<!tpu.dma_semaphore, #tpu.memory_space<semaphore_mem>>
        %dma_start3A_852 = arith.constant 0 : i32
        %dma_start3A_853 = arith.constant 0 : i32
        %dma_start3A_854 = tpu.memref_slice %arg8[%select_n3A_801, %dma_start3A_852, %dma_start3A_853] : memref<3x128x128xf32, #tpu.memory_space<vmem>> -> memref<1x128x128xf32, #tpu.memory_space<vmem>>
        %dma_start3A_855 = tpu.memref_squeeze %dma_start3A_854 : memref<1x128x128xf32, #tpu.memory_space<vmem>> -> memref<128x128xf32, #tpu.memory_space<vmem>>
        %dma_start3A_856 = arith.constant 0 : i32
        %dma_start3A_857 = tpu.memref_slice %arg7[%select_n3A_817, %run_scoped3A_818, %run_scoped3A_819, %dma_start3A_856] : memref<3x1x2x128xi32, #tpu.memory_space<vmem>> -> memref<1x1x1x128xi32, #tpu.memory_space<vmem>>
        %dma_start3A_858 = tpu.memref_squeeze %dma_start3A_857 : memref<1x1x1x128xi32, #tpu.memory_space<vmem>> -> memref<128xi32, #tpu.memory_space<vmem>>
        %dma_start3A_859 = arith.constant 0 : i32
        %dma_start3A_860 = arith.constant 0 : i32
        %dma_start3A_861 = tpu.memref_slice %arg9[%dma_start3A_859, %dma_start3A_860] : memref<10112x128xf32, #tpu.memory_space<vmem_shared>> -> memref<10112x128xf32, #tpu.memory_space<vmem_shared>>
        tpu.enqueue_indirect_dma source(%dma_start3A_855 : memref<128x128xf32, #tpu.memory_space<vmem>>) target(%dma_start3A_861 : memref<10112x128xf32, #tpu.memory_space<vmem_shared>>) offsets(%dma_start3A_858 : memref<128xi32, #tpu.memory_space<vmem>>) semaphore(%run_scoped3A_851 : memref<!tpu.dma_semaphore, #tpu.memory_space<semaphore_mem>>) {add = true}
        %dma_wait3A_862 = arith.constant 0 : i32
        %dma_wait3A_863 = arith.constant 0 : i32
        %dma_wait3A_864 = tpu.memref_slice %arg8[%select_n3A_801, %dma_wait3A_862, %dma_wait3A_863] : memref<3x128x128xf32, #tpu.memory_space<vmem>> -> memref<1x128x128xf32, #tpu.memory_space<vmem>>
        %dma_wait3A_865 = tpu.memref_squeeze %dma_wait3A_864 : memref<1x128x128xf32, #tpu.memory_space<vmem>> -> memref<128x128xf32, #tpu.memory_space<vmem>>
        %dma_wait3A_866 = arith.constant 0 : i32
        %dma_wait3A_867 = tpu.memref_slice %arg7[%select_n3A_817, %run_scoped3A_818, %run_scoped3A_819, %dma_wait3A_866] : memref<3x1x2x128xi32, #tpu.memory_space<vmem>> -> memref<1x1x1x128xi32, #tpu.memory_space<vmem>>
        %dma_wait3A_868 = tpu.memref_squeeze %dma_wait3A_867 : memref<1x1x1x128xi32, #tpu.memory_space<vmem>> -> memref<128xi32, #tpu.memory_space<vmem>>
        %dma_wait3A_869 = arith.constant 0 : i32
        %dma_wait3A_870 = arith.constant 0 : i32
        %dma_wait3A_871 = tpu.memref_slice %arg9[%dma_wait3A_869, %dma_wait3A_870] : memref<10112x128xf32, #tpu.memory_space<vmem_shared>> -> memref<10112x128xf32, #tpu.memory_space<vmem_shared>>
        tpu.wait_indirect_dma semaphore(%run_scoped3A_851 : memref<!tpu.dma_semaphore, #tpu.memory_space<semaphore_mem>>) src(%dma_wait3A_865 : memref<128x128xf32, #tpu.memory_space<vmem>>) dst(%dma_wait3A_871 : memref<10112x128xf32, #tpu.memory_space<vmem_shared>>)
        tpu.yield
      }) : () -> ()
      %add3A_820 = arith.constant 3 : i32
      %add3A_821 = arith.addi %add3A_685, %add3A_820 : i32
      %jit3A_822 = arith.constant 3 : i32
      %eq3A_823 = arith.constant 0 : i32
      %eq3A_824 = arith.cmpi eq, %jit3A_822, %eq3A_823 : i32
      %jit3A_825 = arith.constant 1 : i32
      %select_n3A_826 = arith.select %eq3A_824, %jit3A_825, %jit3A_822 : i32
      %rem3A_827 = arith.remsi %add3A_685, %select_n3A_826 : i32
      %ne3A_828 = arith.constant 0 : i32
      %ne3A_829 = arith.cmpi ne, %rem3A_827, %ne3A_828 : i32
      %lt3A_830 = arith.constant 0 : i32
      %lt3A_831 = arith.cmpi slt, %rem3A_827, %lt3A_830 : i32
      %lt3A_832 = arith.constant 0 : i32
      %lt3A_833 = arith.cmpi slt, %select_n3A_826, %lt3A_832 : i32
      %ne3A_834 = arith.xori %lt3A_831, %lt3A_833 : i1
      %and3A_835 = arith.andi %ne3A_834, %ne3A_829 : i1
      %add3A_836 = arith.addi %rem3A_827, %select_n3A_826 : i32
      %select_n3A_837 = arith.select %and3A_835, %add3A_836, %rem3A_827 : i32
      %mul3A_838 = arith.constant 128 : i32
      %mul3A_839 = arith.muli %add3A_821, %mul3A_838 : i32
      %add3A_840 = arith.addi %mul3A_4, %mul3A_839 : i32
      %lt3A_841 = arith.constant 320000 : i32
      %lt3A_842 = arith.cmpi slt, %add3A_840, %lt3A_841 : i32
      %convert_element_type3A_843 = arith.extui %lt3A_842 : i1 to i32
      %cond3A_844 = arith.constant 0 : i32
      %cond3A_845 = arith.cmpi ne, %convert_element_type3A_843, %cond3A_844 : i32
      scf.if %cond3A_845 {
        %dma_start3A_851 = arith.constant 0 : i32
        %dma_start3A_852 = arith.constant 0 : i32
        %dma_start3A_853 = arith.constant 0 : i32
        %dma_start3A_854 = arith.constant 0 : i32
        %dma_start3A_855 = tpu.memref_slice %arg7[%select_n3A_837, %dma_start3A_852, %dma_start3A_853, %dma_start3A_854] : memref<3x1x2x128xi32, #tpu.memory_space<vmem>> -> memref<1x1x1x128xi32, #tpu.memory_space<vmem>>
        %dma_start3A_856 = tpu.memref_squeeze %dma_start3A_855 : memref<1x1x1x128xi32, #tpu.memory_space<vmem>> -> memref<128xi32, #tpu.memory_space<vmem>>
        %dma_start3A_857 = tpu.memref_slice %arg3[%dma_start3A_851, %add3A_840] : memref<2x320000xi32, #tpu.memory_space<hbm>> -> memref<1x128xi32, #tpu.memory_space<hbm>>
        %dma_start3A_858 = tpu.memref_squeeze %dma_start3A_857 : memref<1x128xi32, #tpu.memory_space<hbm>> -> memref<128xi32, #tpu.memory_space<hbm>>
        %dma_start3A_859 = arith.constant 0 : i32
        %dma_start3A_860 = tpu.memref_slice %arg7[%select_n3A_837, %dma_start3A_852, %dma_start3A_853, %dma_start3A_859] : memref<3x1x2x128xi32, #tpu.memory_space<vmem>> -> memref<1x1x1x128xi32, #tpu.memory_space<vmem>>
        %dma_start3A_861 = tpu.memref_squeeze %dma_start3A_860 : memref<1x1x1x128xi32, #tpu.memory_space<vmem>> -> memref<128xi32, #tpu.memory_space<vmem>>
        %dma_start3A_862 = tpu.memref_slice %arg3[%dma_start3A_851, %add3A_840] : memref<2x320000xi32, #tpu.memory_space<hbm>> -> memref<1x128xi32, #tpu.memory_space<hbm>>
        %dma_start3A_863 = tpu.memref_squeeze %dma_start3A_862 : memref<1x128xi32, #tpu.memory_space<hbm>> -> memref<128xi32, #tpu.memory_space<hbm>>
        tpu.enqueue_dma source(%dma_start3A_863 : memref<128xi32, #tpu.memory_space<hbm>>) target(%dma_start3A_861 : memref<128xi32, #tpu.memory_space<vmem>>) target_semaphore(%arg11 : memref<!tpu.dma_semaphore, #tpu.memory_space<semaphore_mem>>)
        %dma_start3A_864 = arith.constant 1 : i32
        %dma_start3A_865 = arith.constant 0 : i32
        %dma_start3A_866 = arith.constant 1 : i32
        %dma_start3A_867 = arith.constant 0 : i32
        %dma_start3A_868 = tpu.memref_slice %arg7[%select_n3A_837, %dma_start3A_865, %dma_start3A_866, %dma_start3A_867] : memref<3x1x2x128xi32, #tpu.memory_space<vmem>> -> memref<1x1x1x128xi32, #tpu.memory_space<vmem>>
        %dma_start3A_869 = tpu.memref_squeeze %dma_start3A_868 : memref<1x1x1x128xi32, #tpu.memory_space<vmem>> -> memref<128xi32, #tpu.memory_space<vmem>>
        %dma_start3A_870 = tpu.memref_slice %arg3[%dma_start3A_864, %add3A_840] : memref<2x320000xi32, #tpu.memory_space<hbm>> -> memref<1x128xi32, #tpu.memory_space<hbm>>
        %dma_start3A_871 = tpu.memref_squeeze %dma_start3A_870 : memref<1x128xi32, #tpu.memory_space<hbm>> -> memref<128xi32, #tpu.memory_space<hbm>>
        %dma_start3A_872 = arith.constant 0 : i32
        %dma_start3A_873 = tpu.memref_slice %arg7[%select_n3A_837, %dma_start3A_865, %dma_start3A_866, %dma_start3A_872] : memref<3x1x2x128xi32, #tpu.memory_space<vmem>> -> memref<1x1x1x128xi32, #tpu.memory_space<vmem>>
        %dma_start3A_874 = tpu.memref_squeeze %dma_start3A_873 : memref<1x1x1x128xi32, #tpu.memory_space<vmem>> -> memref<128xi32, #tpu.memory_space<vmem>>
        %dma_start3A_875 = tpu.memref_slice %arg3[%dma_start3A_864, %add3A_840] : memref<2x320000xi32, #tpu.memory_space<hbm>> -> memref<1x128xi32, #tpu.memory_space<hbm>>
        %dma_start3A_876 = tpu.memref_squeeze %dma_start3A_875 : memref<1x128xi32, #tpu.memory_space<hbm>> -> memref<128xi32, #tpu.memory_space<hbm>>
        tpu.enqueue_dma source(%dma_start3A_876 : memref<128xi32, #tpu.memory_space<hbm>>) target(%dma_start3A_874 : memref<128xi32, #tpu.memory_space<vmem>>) target_semaphore(%arg11 : memref<!tpu.dma_semaphore, #tpu.memory_space<semaphore_mem>>)
      } else {
      }
      %ge3A_846 = arith.constant 320000 : i32
      %ge3A_847 = arith.cmpi sge, %add3A_840, %ge3A_846 : i32
      %convert_element_type3A_848 = arith.extui %ge3A_847 : i1 to i32
      %cond3A_849 = arith.constant 0 : i32
      %cond3A_850 = arith.cmpi ne, %convert_element_type3A_848, %cond3A_849 : i32
      scf.if %cond3A_850 {
        %sub3A = arith.constant 320000 : i32
        %sub3A_851 = arith.subi %add3A_840, %sub3A : i32
        %dma_start3A_852 = arith.constant 0 : i32
        %dma_start3A_853 = arith.constant 0 : i32
        %dma_start3A_854 = arith.constant 0 : i32
        %dma_start3A_855 = tpu.memref_slice %arg7[%select_n3A_837, %dma_start3A_852, %dma_start3A_853, %dma_start3A_854] : memref<3x1x2x128xi32, #tpu.memory_space<vmem>> -> memref<1x1x1x128xi32, #tpu.memory_space<vmem>>
        %dma_start3A_856 = tpu.memref_squeeze %dma_start3A_855 : memref<1x1x1x128xi32, #tpu.memory_space<vmem>> -> memref<128xi32, #tpu.memory_space<vmem>>
        %dma_start3A_857 = tpu.memref_slice %arg4[%sub3A_851] : memref<12160xi32, #tpu.memory_space<hbm>> -> memref<128xi32, #tpu.memory_space<hbm>>
        %dma_start3A_858 = arith.constant 0 : i32
        %dma_start3A_859 = tpu.memref_slice %arg7[%select_n3A_837, %dma_start3A_852, %dma_start3A_853, %dma_start3A_858] : memref<3x1x2x128xi32, #tpu.memory_space<vmem>> -> memref<1x1x1x128xi32, #tpu.memory_space<vmem>>
        %dma_start3A_860 = tpu.memref_squeeze %dma_start3A_859 : memref<1x1x1x128xi32, #tpu.memory_space<vmem>> -> memref<128xi32, #tpu.memory_space<vmem>>
        %dma_start3A_861 = tpu.memref_slice %arg4[%sub3A_851] : memref<12160xi32, #tpu.memory_space<hbm>> -> memref<128xi32, #tpu.memory_space<hbm>>
        tpu.enqueue_dma source(%dma_start3A_861 : memref<128xi32, #tpu.memory_space<hbm>>) target(%dma_start3A_860 : memref<128xi32, #tpu.memory_space<vmem>>) target_semaphore(%arg11 : memref<!tpu.dma_semaphore, #tpu.memory_space<semaphore_mem>>)
        %sub3A_862 = arith.constant 320000 : i32
        %sub3A_863 = arith.subi %add3A_840, %sub3A_862 : i32
        %dma_start3A_864 = arith.constant 0 : i32
        %dma_start3A_865 = arith.constant 1 : i32
        %dma_start3A_866 = arith.constant 0 : i32
        %dma_start3A_867 = tpu.memref_slice %arg7[%select_n3A_837, %dma_start3A_864, %dma_start3A_865, %dma_start3A_866] : memref<3x1x2x128xi32, #tpu.memory_space<vmem>> -> memref<1x1x1x128xi32, #tpu.memory_space<vmem>>
        %dma_start3A_868 = tpu.memref_squeeze %dma_start3A_867 : memref<1x1x1x128xi32, #tpu.memory_space<vmem>> -> memref<128xi32, #tpu.memory_space<vmem>>
        %dma_start3A_869 = tpu.memref_slice %arg5[%sub3A_863] : memref<12160xi32, #tpu.memory_space<hbm>> -> memref<128xi32, #tpu.memory_space<hbm>>
        %dma_start3A_870 = arith.constant 0 : i32
        %dma_start3A_871 = tpu.memref_slice %arg7[%select_n3A_837, %dma_start3A_864, %dma_start3A_865, %dma_start3A_870] : memref<3x1x2x128xi32, #tpu.memory_space<vmem>> -> memref<1x1x1x128xi32, #tpu.memory_space<vmem>>
        %dma_start3A_872 = tpu.memref_squeeze %dma_start3A_871 : memref<1x1x1x128xi32, #tpu.memory_space<vmem>> -> memref<128xi32, #tpu.memory_space<vmem>>
        %dma_start3A_873 = tpu.memref_slice %arg5[%sub3A_863] : memref<12160xi32, #tpu.memory_space<hbm>> -> memref<128xi32, #tpu.memory_space<hbm>>
        tpu.enqueue_dma source(%dma_start3A_873 : memref<128xi32, #tpu.memory_space<hbm>>) target(%dma_start3A_872 : memref<128xi32, #tpu.memory_space<vmem>>) target_semaphore(%arg11 : memref<!tpu.dma_semaphore, #tpu.memory_space<semaphore_mem>>)
      } else {
      }
    }
    %scan3A_287 = arith.constant 27 : i32
    %dma_wait3A_288 = arith.constant 0 : i32
    %dma_wait3A_289 = arith.constant 0 : i32
    %dma_wait3A_290 = arith.constant 0 : i32
    %dma_wait3A_291 = arith.constant 0 : i32
    %dma_wait3A_292 = arith.constant 0 : i32
    %dma_wait3A_293 = arith.constant 0 : i32
    %dma_wait3A_294 = tpu.memref_slice %arg8[%dma_wait3A_291, %dma_wait3A_292, %dma_wait3A_293] : memref<3x128x128xf32, #tpu.memory_space<vmem>> -> memref<1x128x128xf32, #tpu.memory_space<vmem>>
    %dma_wait3A_295 = tpu.memref_squeeze %dma_wait3A_294 : memref<1x128x128xf32, #tpu.memory_space<vmem>> -> memref<128x128xf32, #tpu.memory_space<vmem>>
    %dma_wait3A_296 = arith.constant 0 : i32
    %dma_wait3A_297 = tpu.memref_slice %arg7[%dma_wait3A_288, %dma_wait3A_289, %dma_wait3A_290, %dma_wait3A_296] : memref<3x1x2x128xi32, #tpu.memory_space<vmem>> -> memref<1x1x1x128xi32, #tpu.memory_space<vmem>>
    %dma_wait3A_298 = tpu.memref_squeeze %dma_wait3A_297 : memref<1x1x1x128xi32, #tpu.memory_space<vmem>> -> memref<128xi32, #tpu.memory_space<vmem>>
    %dma_wait3A_299 = arith.constant 0 : i32
    %dma_wait3A_300 = arith.constant 0 : i32
    %dma_wait3A_301 = tpu.memref_slice %arg2[%dma_wait3A_299, %dma_wait3A_300] : memref<10000x128xf32, #tpu.memory_space<hbm>> -> memref<10000x128xf32, #tpu.memory_space<hbm>>
    tpu.wait_indirect_dma semaphore(%arg10 : memref<!tpu.dma_semaphore, #tpu.memory_space<semaphore_mem>>) src(%dma_wait3A_301 : memref<10000x128xf32, #tpu.memory_space<hbm>>) dst(%dma_wait3A_295 : memref<128x128xf32, #tpu.memory_space<vmem>>)
    %dma_wait3A_302 = arith.constant 1 : i32
    %dma_wait3A_303 = arith.constant 0 : i32
    %dma_wait3A_304 = arith.constant 0 : i32
    %dma_wait3A_305 = arith.constant 1 : i32
    %dma_wait3A_306 = arith.constant 0 : i32
    %dma_wait3A_307 = arith.constant 0 : i32
    %dma_wait3A_308 = tpu.memref_slice %arg8[%dma_wait3A_305, %dma_wait3A_306, %dma_wait3A_307] : memref<3x128x128xf32, #tpu.memory_space<vmem>> -> memref<1x128x128xf32, #tpu.memory_space<vmem>>
    %dma_wait3A_309 = tpu.memref_squeeze %dma_wait3A_308 : memref<1x128x128xf32, #tpu.memory_space<vmem>> -> memref<128x128xf32, #tpu.memory_space<vmem>>
    %dma_wait3A_310 = arith.constant 0 : i32
    %dma_wait3A_311 = tpu.memref_slice %arg7[%dma_wait3A_302, %dma_wait3A_303, %dma_wait3A_304, %dma_wait3A_310] : memref<3x1x2x128xi32, #tpu.memory_space<vmem>> -> memref<1x1x1x128xi32, #tpu.memory_space<vmem>>
    %dma_wait3A_312 = tpu.memref_squeeze %dma_wait3A_311 : memref<1x1x1x128xi32, #tpu.memory_space<vmem>> -> memref<128xi32, #tpu.memory_space<vmem>>
    %dma_wait3A_313 = arith.constant 0 : i32
    %dma_wait3A_314 = arith.constant 0 : i32
    %dma_wait3A_315 = tpu.memref_slice %arg2[%dma_wait3A_313, %dma_wait3A_314] : memref<10000x128xf32, #tpu.memory_space<hbm>> -> memref<10000x128xf32, #tpu.memory_space<hbm>>
    tpu.wait_indirect_dma semaphore(%arg10 : memref<!tpu.dma_semaphore, #tpu.memory_space<semaphore_mem>>) src(%dma_wait3A_315 : memref<10000x128xf32, #tpu.memory_space<hbm>>) dst(%dma_wait3A_309 : memref<128x128xf32, #tpu.memory_space<vmem>>)
    %dma_wait3A_316 = arith.constant 2 : i32
    %dma_wait3A_317 = arith.constant 0 : i32
    %dma_wait3A_318 = arith.constant 0 : i32
    %dma_wait3A_319 = arith.constant 0 : i32
    %dma_wait3A_320 = tpu.memref_slice %arg7[%dma_wait3A_316, %dma_wait3A_317, %dma_wait3A_318, %dma_wait3A_319] : memref<3x1x2x128xi32, #tpu.memory_space<vmem>> -> memref<1x1x1x128xi32, #tpu.memory_space<vmem>>
    %dma_wait3A_321 = tpu.memref_squeeze %dma_wait3A_320 : memref<1x1x1x128xi32, #tpu.memory_space<vmem>> -> memref<128xi32, #tpu.memory_space<vmem>>
    %dma_wait3A_322 = arith.constant 0 : i32
    %dma_wait3A_323 = tpu.memref_slice %arg4[%dma_wait3A_322] : memref<12160xi32, #tpu.memory_space<hbm>> -> memref<128xi32, #tpu.memory_space<hbm>>
    %dma_wait3A_324 = arith.constant 0 : i32
    %dma_wait3A_325 = tpu.memref_slice %arg7[%dma_wait3A_316, %dma_wait3A_317, %dma_wait3A_318, %dma_wait3A_324] : memref<3x1x2x128xi32, #tpu.memory_space<vmem>> -> memref<1x1x1x128xi32, #tpu.memory_space<vmem>>
    %dma_wait3A_326 = tpu.memref_squeeze %dma_wait3A_325 : memref<1x1x1x128xi32, #tpu.memory_space<vmem>> -> memref<128xi32, #tpu.memory_space<vmem>>
    %dma_wait3A_327 = arith.constant 0 : i32
    %dma_wait3A_328 = tpu.memref_slice %arg4[%dma_wait3A_327] : memref<12160xi32, #tpu.memory_space<hbm>> -> memref<128xi32, #tpu.memory_space<hbm>>
    tpu.wait_dma2 semaphore(%arg11 : memref<!tpu.dma_semaphore, #tpu.memory_space<semaphore_mem>>) src(%dma_wait3A_328 : memref<128xi32, #tpu.memory_space<hbm>>) dst(%dma_wait3A_326 : memref<128xi32, #tpu.memory_space<vmem>>)
    %dma_wait3A_329 = arith.constant 2 : i32
    %dma_wait3A_330 = arith.constant 0 : i32
    %dma_wait3A_331 = arith.constant 1 : i32
    %dma_wait3A_332 = arith.constant 0 : i32
    %dma_wait3A_333 = tpu.memref_slice %arg7[%dma_wait3A_329, %dma_wait3A_330, %dma_wait3A_331, %dma_wait3A_332] : memref<3x1x2x128xi32, #tpu.memory_space<vmem>> -> memref<1x1x1x128xi32, #tpu.memory_space<vmem>>
    %dma_wait3A_334 = tpu.memref_squeeze %dma_wait3A_333 : memref<1x1x1x128xi32, #tpu.memory_space<vmem>> -> memref<128xi32, #tpu.memory_space<vmem>>
    %dma_wait3A_335 = arith.constant 0 : i32
    %dma_wait3A_336 = tpu.memref_slice %arg5[%dma_wait3A_335] : memref<12160xi32, #tpu.memory_space<hbm>> -> memref<128xi32, #tpu.memory_space<hbm>>
    %dma_wait3A_337 = arith.constant 0 : i32
    %dma_wait3A_338 = tpu.memref_slice %arg7[%dma_wait3A_329, %dma_wait3A_330, %dma_wait3A_331, %dma_wait3A_337] : memref<3x1x2x128xi32, #tpu.memory_space<vmem>> -> memref<1x1x1x128xi32, #tpu.memory_space<vmem>>
    %dma_wait3A_339 = tpu.memref_squeeze %dma_wait3A_338 : memref<1x1x1x128xi32, #tpu.memory_space<vmem>> -> memref<128xi32, #tpu.memory_space<vmem>>
    %dma_wait3A_340 = arith.constant 0 : i32
    %dma_wait3A_341 = tpu.memref_slice %arg5[%dma_wait3A_340] : memref<12160xi32, #tpu.memory_space<hbm>> -> memref<128xi32, #tpu.memory_space<hbm>>
    tpu.wait_dma2 semaphore(%arg11 : memref<!tpu.dma_semaphore, #tpu.memory_space<semaphore_mem>>) src(%dma_wait3A_341 : memref<128xi32, #tpu.memory_space<hbm>>) dst(%dma_wait3A_339 : memref<128xi32, #tpu.memory_space<vmem>>)
    %barrier3A_342 = arith.constant 0 : index
    tpu.barrier barrier_id(%barrier3A_342)
    %mul3A_343 = arith.constant 632 : i32
    %mul3A_344 = arith.muli %arg1, %mul3A_343 : i32
    %mul3A_345 = arith.constant 10112 : i32
    %mul3A_346 = arith.muli %arg0, %mul3A_345 : i32
    %mul3A_347 = arith.constant 632 : i32
    %mul3A_348 = arith.muli %arg1, %mul3A_347 : i32
    %add3A_349 = arith.addi %mul3A_346, %mul3A_348 : i32
    "tpu.region"() ({
      %run_scoped3A = tpu.sem_alloc : memref<!tpu.dma_semaphore, #tpu.memory_space<semaphore_mem>>
      %dma_start3A_350 = arith.constant 0 : i32
      %dma_start3A_351 = tpu.memref_slice %arg6[%add3A_349, %dma_start3A_350] : memref<20224x128xf32, #tpu.memory_space<hbm>> -> memref<632x128xf32, #tpu.memory_space<hbm>>
      %dma_start3A_352 = arith.constant 0 : i32
      %dma_start3A_353 = tpu.memref_slice %arg9[%mul3A_344, %dma_start3A_352] : memref<10112x128xf32, #tpu.memory_space<vmem_shared>> -> memref<632x128xf32, #tpu.memory_space<vmem_shared>>
      tpu.enqueue_dma source(%dma_start3A_353 : memref<632x128xf32, #tpu.memory_space<vmem_shared>>) target(%dma_start3A_351 : memref<632x128xf32, #tpu.memory_space<hbm>>) target_semaphore(%run_scoped3A : memref<!tpu.dma_semaphore, #tpu.memory_space<semaphore_mem>>)
      %dma_wait3A_354 = arith.constant 0 : i32
      %dma_wait3A_355 = tpu.memref_slice %arg6[%add3A_349, %dma_wait3A_354] : memref<20224x128xf32, #tpu.memory_space<hbm>> -> memref<632x128xf32, #tpu.memory_space<hbm>>
      %dma_wait3A_356 = arith.constant 0 : i32
      %dma_wait3A_357 = tpu.memref_slice %arg9[%mul3A_344, %dma_wait3A_356] : memref<10112x128xf32, #tpu.memory_space<vmem_shared>> -> memref<632x128xf32, #tpu.memory_space<vmem_shared>>
      tpu.wait_dma2 semaphore(%run_scoped3A : memref<!tpu.dma_semaphore, #tpu.memory_space<semaphore_mem>>) src(%dma_wait3A_357 : memref<632x128xf32, #tpu.memory_space<vmem_shared>>) dst(%dma_wait3A_355 : memref<632x128xf32, #tpu.memory_space<hbm>>)
      tpu.yield
    }) : () -> ()
    return
  }
}

module attributes {stable_mosaic.version = 14 : i64} {
  func.func @_mlp_body(%arg0: memref<10000x128xf32, #tpu.memory_space<vmem>>, %arg1: memref<20224x128xf32, #tpu.memory_space<vmem>>, %arg2: memref<128x32xf32, #tpu.memory_space<vmem>>, %arg3: memref<1x32xf32, #tpu.memory_space<vmem>>, %arg4: memref<1x32xf32, #tpu.memory_space<vmem>>, %arg5: memref<1x32xf32, #tpu.memory_space<vmem>>, %arg6: memref<32x64xf32, #tpu.memory_space<vmem>>, %arg7: memref<1x64xf32, #tpu.memory_space<vmem>>, %arg8: memref<1x64xf32, #tpu.memory_space<vmem>>, %arg9: memref<1x64xf32, #tpu.memory_space<vmem>>, %arg10: memref<10000x64xf32, #tpu.memory_space<vmem>>) attributes {dimension_semantics = [], scalar_prefetch = 0 : i64, scratch_operands = 0 : i64, tpu.core_type = #tpu.core_type<tc>} {
    %get3A = arith.constant 0 : index
    %get3A_0 = arith.constant 0 : index
    %get3A_1 = vector.load %arg0[%get3A, %get3A_0] : memref<10000x128xf32, #tpu.memory_space<vmem>>, vector<10000x128xf32>
    %get3A_2 = arith.constant 0 : index
    %get3A_3 = arith.constant 0 : index
    %get3A_4 = vector.load %arg1[%get3A_2, %get3A_3] : memref<20224x128xf32, #tpu.memory_space<vmem>>, vector<10000x128xf32>
    %add3A = arith.addf %get3A_1, %get3A_4 : vector<10000x128xf32>
    %get3A_5 = arith.constant 10112 : index
    %get3A_6 = arith.constant 0 : index
    %get3A_7 = vector.load %arg1[%get3A_5, %get3A_6] : memref<20224x128xf32, #tpu.memory_space<vmem>>, vector<10000x128xf32>
    %add3A_8 = arith.addf %add3A, %get3A_7 : vector<10000x128xf32>
    %get3A_9 = arith.constant 0 : index
    %get3A_10 = arith.constant 0 : index
    %get3A_11 = vector.load %arg2[%get3A_9, %get3A_10] : memref<128x32xf32, #tpu.memory_space<vmem>>, vector<128x32xf32>
    %dot_general3A = arith.constant dense<0.000000e+00> : vector<10000x32xf32>
    %dot_general3A_12 = tpu.matmul %add3A_8, %get3A_11, %dot_general3A {dimension_numbers = #tpu.dot_dimension_numbers<[1], [0], [0], [1], [0, 0, 1, 1], [], []>, transpose_lhs_hint = false} : vector<10000x128xf32>, vector<128x32xf32>, vector<10000x32xf32> -> vector<10000x32xf32>
    %get3A_13 = arith.constant 0 : index
    %get3A_14 = arith.constant 0 : index
    %get3A_15 = vector.load %arg3[%get3A_13, %get3A_14] : memref<1x32xf32, #tpu.memory_space<vmem>>, vector<1x32xf32>
    %add3A_16 = vector.broadcast %get3A_15 : vector<1x32xf32> to vector<10000x32xf32>
    %add3A_17 = arith.addf %dot_general3A_12, %add3A_16 : vector<10000x32xf32>
    %max3A = arith.constant 0.000000e+00 : f32
    %max3A_18 = vector.broadcast %max3A : f32 to vector<10000x32xf32>
    %max3A_19 = arith.maximumf %add3A_17, %max3A_18 : vector<10000x32xf32>
    %reduce_sum3A = arith.constant dense<0.000000e+00> : vector<32xf32>
    %reduce_sum3A_20 = vector.multi_reduction <add>, %max3A_19, %reduce_sum3A [0] : vector<10000x32xf32> to vector<32xf32>
    %broadcast_in_dim3A = vector.shape_cast %reduce_sum3A_20 : vector<32xf32> to vector<1x32xf32>
    %div3A = arith.constant 1.000000e+04 : f32
    %div3A_21 = vector.broadcast %div3A : f32 to vector<1x32xf32>
    %div3A_22 = arith.divf %broadcast_in_dim3A, %div3A_21 : vector<1x32xf32>
    %sub3A = vector.broadcast %div3A_22 : vector<1x32xf32> to vector<10000x32xf32>
    %sub3A_23 = arith.subf %max3A_19, %sub3A : vector<10000x32xf32>
    %sub3A_24 = vector.broadcast %div3A_22 : vector<1x32xf32> to vector<10000x32xf32>
    %sub3A_25 = arith.subf %max3A_19, %sub3A_24 : vector<10000x32xf32>
    %mul3A = arith.mulf %sub3A_23, %sub3A_25 : vector<10000x32xf32>
    %reduce_sum3A_26 = arith.constant dense<0.000000e+00> : vector<32xf32>
    %reduce_sum3A_27 = vector.multi_reduction <add>, %mul3A, %reduce_sum3A_26 [0] : vector<10000x32xf32> to vector<32xf32>
    %broadcast_in_dim3A_28 = vector.shape_cast %reduce_sum3A_27 : vector<32xf32> to vector<1x32xf32>
    %div3A_29 = arith.constant 1.000000e+04 : f32
    %div3A_30 = vector.broadcast %div3A_29 : f32 to vector<1x32xf32>
    %div3A_31 = arith.divf %broadcast_in_dim3A_28, %div3A_30 : vector<1x32xf32>
    %sub3A_32 = vector.broadcast %div3A_22 : vector<1x32xf32> to vector<10000x32xf32>
    %sub3A_33 = arith.subf %max3A_19, %sub3A_32 : vector<10000x32xf32>
    %add3A_34 = arith.constant 9.99999974E-6 : f32
    %add3A_35 = vector.broadcast %add3A_34 : f32 to vector<1x32xf32>
    %add3A_36 = arith.addf %div3A_31, %add3A_35 : vector<1x32xf32>
    %rsqrt3A = math.rsqrt %add3A_36 : vector<1x32xf32>
    %mul3A_37 = vector.broadcast %rsqrt3A : vector<1x32xf32> to vector<10000x32xf32>
    %mul3A_38 = arith.mulf %sub3A_33, %mul3A_37 : vector<10000x32xf32>
    %get3A_39 = arith.constant 0 : index
    %get3A_40 = arith.constant 0 : index
    %get3A_41 = vector.load %arg4[%get3A_39, %get3A_40] : memref<1x32xf32, #tpu.memory_space<vmem>>, vector<1x32xf32>
    %mul3A_42 = vector.broadcast %get3A_41 : vector<1x32xf32> to vector<10000x32xf32>
    %mul3A_43 = arith.mulf %mul3A_38, %mul3A_42 : vector<10000x32xf32>
    %get3A_44 = arith.constant 0 : index
    %get3A_45 = arith.constant 0 : index
    %get3A_46 = vector.load %arg5[%get3A_44, %get3A_45] : memref<1x32xf32, #tpu.memory_space<vmem>>, vector<1x32xf32>
    %add3A_47 = vector.broadcast %get3A_46 : vector<1x32xf32> to vector<10000x32xf32>
    %add3A_48 = arith.addf %mul3A_43, %add3A_47 : vector<10000x32xf32>
    %get3A_49 = arith.constant 0 : index
    %get3A_50 = arith.constant 0 : index
    %get3A_51 = vector.load %arg6[%get3A_49, %get3A_50] : memref<32x64xf32, #tpu.memory_space<vmem>>, vector<32x64xf32>
    %dot_general3A_52 = arith.constant dense<0.000000e+00> : vector<10000x64xf32>
    %dot_general3A_53 = tpu.matmul %add3A_48, %get3A_51, %dot_general3A_52 {dimension_numbers = #tpu.dot_dimension_numbers<[1], [0], [0], [1], [0, 0, 1, 1], [], []>, transpose_lhs_hint = false} : vector<10000x32xf32>, vector<32x64xf32>, vector<10000x64xf32> -> vector<10000x64xf32>
    %get3A_54 = arith.constant 0 : index
    %get3A_55 = arith.constant 0 : index
    %get3A_56 = vector.load %arg7[%get3A_54, %get3A_55] : memref<1x64xf32, #tpu.memory_space<vmem>>, vector<1x64xf32>
    %add3A_57 = vector.broadcast %get3A_56 : vector<1x64xf32> to vector<10000x64xf32>
    %add3A_58 = arith.addf %dot_general3A_53, %add3A_57 : vector<10000x64xf32>
    %reduce_sum3A_59 = arith.constant dense<0.000000e+00> : vector<64xf32>
    %reduce_sum3A_60 = vector.multi_reduction <add>, %add3A_58, %reduce_sum3A_59 [0] : vector<10000x64xf32> to vector<64xf32>
    %broadcast_in_dim3A_61 = vector.shape_cast %reduce_sum3A_60 : vector<64xf32> to vector<1x64xf32>
    %div3A_62 = arith.constant 1.000000e+04 : f32
    %div3A_63 = vector.broadcast %div3A_62 : f32 to vector<1x64xf32>
    %div3A_64 = arith.divf %broadcast_in_dim3A_61, %div3A_63 : vector<1x64xf32>
    %sub3A_65 = vector.broadcast %div3A_64 : vector<1x64xf32> to vector<10000x64xf32>
    %sub3A_66 = arith.subf %add3A_58, %sub3A_65 : vector<10000x64xf32>
    %sub3A_67 = vector.broadcast %div3A_64 : vector<1x64xf32> to vector<10000x64xf32>
    %sub3A_68 = arith.subf %add3A_58, %sub3A_67 : vector<10000x64xf32>
    %mul3A_69 = arith.mulf %sub3A_66, %sub3A_68 : vector<10000x64xf32>
    %reduce_sum3A_70 = arith.constant dense<0.000000e+00> : vector<64xf32>
    %reduce_sum3A_71 = vector.multi_reduction <add>, %mul3A_69, %reduce_sum3A_70 [0] : vector<10000x64xf32> to vector<64xf32>
    %broadcast_in_dim3A_72 = vector.shape_cast %reduce_sum3A_71 : vector<64xf32> to vector<1x64xf32>
    %div3A_73 = arith.constant 1.000000e+04 : f32
    %div3A_74 = vector.broadcast %div3A_73 : f32 to vector<1x64xf32>
    %div3A_75 = arith.divf %broadcast_in_dim3A_72, %div3A_74 : vector<1x64xf32>
    %sub3A_76 = vector.broadcast %div3A_64 : vector<1x64xf32> to vector<10000x64xf32>
    %sub3A_77 = arith.subf %add3A_58, %sub3A_76 : vector<10000x64xf32>
    %add3A_78 = arith.constant 9.99999974E-6 : f32
    %add3A_79 = vector.broadcast %add3A_78 : f32 to vector<1x64xf32>
    %add3A_80 = arith.addf %div3A_75, %add3A_79 : vector<1x64xf32>
    %rsqrt3A_81 = math.rsqrt %add3A_80 : vector<1x64xf32>
    %mul3A_82 = vector.broadcast %rsqrt3A_81 : vector<1x64xf32> to vector<10000x64xf32>
    %mul3A_83 = arith.mulf %sub3A_77, %mul3A_82 : vector<10000x64xf32>
    %get3A_84 = arith.constant 0 : index
    %get3A_85 = arith.constant 0 : index
    %get3A_86 = vector.load %arg8[%get3A_84, %get3A_85] : memref<1x64xf32, #tpu.memory_space<vmem>>, vector<1x64xf32>
    %mul3A_87 = vector.broadcast %get3A_86 : vector<1x64xf32> to vector<10000x64xf32>
    %mul3A_88 = arith.mulf %mul3A_83, %mul3A_87 : vector<10000x64xf32>
    %get3A_89 = arith.constant 0 : index
    %get3A_90 = arith.constant 0 : index
    %get3A_91 = vector.load %arg9[%get3A_89, %get3A_90] : memref<1x64xf32, #tpu.memory_space<vmem>>, vector<1x64xf32>
    %add3A_92 = vector.broadcast %get3A_91 : vector<1x64xf32> to vector<10000x64xf32>
    %add3A_93 = arith.addf %mul3A_88, %add3A_92 : vector<10000x64xf32>
    %ge3A = arith.constant 0.000000e+00 : f32
    %ge3A_94 = vector.broadcast %ge3A : f32 to vector<10000x64xf32>
    %ge3A_95 = arith.cmpf oge, %add3A_93, %ge3A_94 : vector<10000x64xf32>
    %mul3A_96 = arith.constant 0.00999999977 : f32
    %mul3A_97 = vector.broadcast %mul3A_96 : f32 to vector<10000x64xf32>
    %mul3A_98 = arith.mulf %mul3A_97, %add3A_93 : vector<10000x64xf32>
    %select_n3A = arith.select %ge3A_95, %add3A_93, %mul3A_98 : vector<10000x64xi1>, vector<10000x64xf32>
    %swap3A = arith.constant 0 : index
    %swap3A_99 = arith.constant 0 : index
    %swap3A_100 = vector.load %arg10[%swap3A, %swap3A_99] : memref<10000x64xf32, #tpu.memory_space<vmem>>, vector<10000x64xf32>
    tpu.vector_store %arg10[%swap3A, %swap3A_99], %select_n3A {strides = array<i32>} : memref<10000x64xf32, #tpu.memory_space<vmem>>, vector<10000x64xf32>,
    return
  }
}

</mosaic_0001>

<sc_bundles>
// kernel: kernel.4.cloned.1.call-start
scs
__scs_entry_jumppad:
0x0: {  	(pc) =	sbr.rel $0x88, $3  }
0x1: {  	(tag) =	ssettag $0x0;
	lr =	simm.s32 $0x1  }
0x2: {  	[smem:$0x3F97] =	sst lr;
	_ =	strace $0xD0000000  }
0x3: {  	_ = 	snop  }
0x4: {  	_ = 	snop  }
0x5: {  	_ = 	snop  }
0x6: {  	_ = 	snop  }
0x7: {  	_ = 	snop  }
__scs_overlays_trampoline_lowered:
0x8: {  	[smem:$0x3FA6] =	sst s0  }
0x9: {  	[smem:$0x3FA7] =	sst s1  }
0xa: {  	[smem:$0x3FA8] =	sst s2  }
0xb: {  	[smem:$0x3FA9] =	sst s3  }
0xc: {  	[smem:$0x3FAA] =	sst s4  }
0xd: {  	[smem:$0x3FAB] =	sst s5  }
0xe: {  	[smem:$0x3FAC] =	sst s6  }
0xf: {  	[smem:$0x3FAD] =	sst s7  }
0x10: {  	[smem:$0x3FAE] =	sst s8  }
0x11: {  	[smem:$0x3FAF] =	sst s9;
	s0 =	simm.s32 @!p0 $0x0  }
0x12: {  	s1 =	sld [smem:$0x3F95];
	s0 =	simm.s32 @p0 $0x1  }
0x13: {  	[smem:$0x3FB0] =	sst s0;
	s0 =	simm.s32 @!p1 $0x0  }
0x14: {  	s2 =	sld [smem:$0x3F94];
	s0 =	simm.s32 @p1 $0x1  }
0x15: {  	[smem:$0x3FB1] =	sst s0;
	s0 =	simm.s32 @!p2 $0x0  }
0x16: {  	s3 =	sld [smem:$0x3FDB];
	s0 =	simm.s32 @p2 $0x1  }
0x17: {  	s4 =	simm.s32 $0x1BF5;
	[smem:$0x3FB3] =	sst s0  }
0x18: {  	s0 =	sld [smem:$0x3F96];
	_ =	swait.ge [sflag:s4], $0x0  }
0x19: {  	s7 =	sld [smem:$0x3F97]  }
0x1a: {  	s8 =	sadd.s32 $0xFFFFE003, lr  }
0x1b: {  	s9 =	sadd.s32 $0xFFFFFEF7, lr;
	s5 =	simm.s32 $0xFFFFFFFF;
	p2 =	slt.u32 s8, $0xFFFFF086  }
0x1c: {  	p1 =	slt.u32 s9, $0xF7A;
	s5 =	simm.s32 @!p2 $0x0  }
0x1d: {  	s5 =	simm.s32 @p1 $0x1;
	p0 =	seq.s32 s7, s2  }
0x1e: {  	s7 =	smul.u32 @!p0 $0xF7A, s2;
	p2 =	seq.s32 @!p0 s5, $0x0  }
0x1f: {  	s9 =	smul.u32 $0xF7A, s1;
	s8 =	simm.s32 @!p0 $0x1BF5;
	p2 =	por !p2, p0  }
0x20: {  	[sflag:s8] =	ssyncset.s32 @!p0 $0xFFFFF086;
	s6 =	sadd.s32 @!p0 s3, s7;
	s7 =	simm.s32 @!p0 $0x108  }
0x21: {  	s3 =	sadd.s32 s3, s9;
	s6 =	sadd.s32 @!p0 $0x88, s6;
	s7 =	simm.s32 @p2 $0x1082  }
0x22: {  	[simem:s7], [sflag:s8] =	dma.local @!p0 [hbm:s6], $0xF7A  }
0x23: {  	s9 =	sor.u32 $0xD0000000, s2;
	s6 =	simm.s32 $0x108;
	_ =	swait.ge @!p0 [sflag:s8], $0x0  }
0x24: {  	s3 =	sadd.s32 $0x88, s3;
	s6 =	simm.s32 @!p1 $0x1082;
	[sflag:s4] =	ssyncset.s32 $0xFFFFF086  }
0x25: {  	[simem:s6], [sflag:s4] =	dma.local [hbm:s3], $0xF7A  }
0x26: {  	[smem:$0x3F97] =	sst s1;
	(tag) =	ssettag s2;
	_ =	strace s9  }
0x27: {  	s1 =	sld [smem:$0x3FA7]  }
0x28: {  	s2 =	sld [smem:$0x3FA8]  }
0x29: {  	s4 =	sld [smem:$0x3FAA]  }
0x2a: {  	p0 =	seq.s32 s5, $0x0;
	s5 =	sld [smem:$0x3FAB]  }
0x2b: {  	s6 =	sld [smem:$0x3FAC]  }
0x2c: {  	s7 =	sld [smem:$0x3FAD]  }
0x2d: {  	s3 =	simm.s32 $0x108;
	s8 =	sld [smem:$0x3FAE]  }
0x2e: {  	s3 =	simm.s32 @!p0 $0x1082;
	s9 =	sld [smem:$0x3FAF]  }
0x2f: {  	lr =	sadd.s32 s0, s3;
	s0 =	sld [smem:$0x3FA6]  }
0x30: {  	s3 =	sld [smem:$0x3FA9]  }
0x31: {  	[smem:$0x3FB2] =	sst s10  }
0x32: {  	s10 =	sld [smem:$0x3FB0];
	_ =	sdelay $0x3  }
0x33: {  	p0 =	seq.s32 s10, $0x1;
	s10 =	sld [smem:$0x3FB2];
	_ =	sdelay $0x3  }
0x34: {  	[smem:$0x3FB2] =	sst s10  }
0x35: {  	s10 =	sld [smem:$0x3FB1];
	_ =	sdelay $0x3  }
0x36: {  	p1 =	seq.s32 s10, $0x1;
	s10 =	sld [smem:$0x3FB2];
	_ =	sdelay $0x3  }
0x37: {  	[smem:$0x3FB2] =	sst s10  }
0x38: {  	s10 =	sld [smem:$0x3FB3]  }
0x39: {  	_ = 	snop;
	(pc) =	sbr.ind lr, $3  }
0x3a: {  	_ = 	snop  }
0x3b: {  	_ = 	snop  }
0x3c: {  	p2 =	seq.s32 s10, $0x1;
	s10 =	sld [smem:$0x3FB2]  }
0x3d: {  	_ =	shalt  }
0x3e: {  	_ =	shalt  }
0x3f: {  	_ =	shalt  }
0x40: {  	_ =	shalt  }
0x41: {  	_ =	shalt  }
0x42: {  	_ =	shalt  }
0x43: {  	_ =	shalt  }
0x44: {  	_ =	shalt  }
0x45: {  	_ =	shalt  }
0x46: {  	_ =	shalt  }
0x47: {  	_ =	shalt  }
0x48: {  	_ =	shalt  }
0x49: {  	_ =	shalt  }
0x4a: {  	_ =	shalt  }
0x4b: {  	_ =	shalt  }
0x4c: {  	_ =	shalt  }
0x4d: {  	_ =	shalt  }
0x4e: {  	_ =	shalt  }
0x4f: {  	_ =	shalt  }
0x50: {  	_ =	shalt  }
0x51: {  	_ =	shalt  }
0x52: {  	_ =	shalt  }
0x53: {  	_ =	shalt  }
0x54: {  	_ =	shalt  }
0x55: {  	_ =	shalt  }
0x56: {  	_ =	shalt  }
0x57: {  	_ =	shalt  }
0x58: {  	_ =	shalt  }
0x59: {  	_ =	shalt  }
0x5a: {  	_ =	shalt  }
0x5b: {  	_ =	shalt  }
0x5c: {  	_ =	shalt  }
0x5d: {  	_ =	shalt  }
0x5e: {  	_ =	shalt  }
0x5f: {  	_ =	shalt  }
0x60: {  	_ =	shalt  }
0x61: {  	_ =	shalt  }
0x62: {  	_ =	shalt  }
0x63: {  	_ =	shalt  }
0x64: {  	_ =	shalt  }
0x65: {  	_ =	shalt  }
0x66: {  	_ =	shalt  }
0x67: {  	_ =	shalt  }
0x68: {  	_ =	shalt  }
0x69: {  	_ =	shalt  }
0x6a: {  	_ =	shalt  }
0x6b: {  	_ =	shalt  }
0x6c: {  	_ =	shalt  }
0x6d: {  	_ =	shalt  }
0x6e: {  	_ =	shalt  }
0x6f: {  	_ =	shalt  }
0x70: {  	_ =	shalt  }
0x71: {  	_ =	shalt  }
0x72: {  	_ =	shalt  }
0x73: {  	_ =	shalt  }
0x74: {  	_ =	shalt  }
0x75: {  	_ =	shalt  }
0x76: {  	_ =	shalt  }
0x77: {  	_ =	shalt  }
0x78: {  	_ =	shalt  }
0x79: {  	_ =	shalt  }
0x7a: {  	_ =	shalt  }
0x7b: {  	_ =	shalt  }
0x7c: {  	_ =	shalt  }
0x7d: {  	_ =	shalt  }
0x7e: {  	_ =	shalt  }
0x7f: {  	_ =	shalt  }
0x80: {  	_ =	shalt  }
0x81: {  	_ =	shalt  }
0x82: {  	_ =	shalt  }
0x83: {  	_ =	shalt  }
0x84: {  	_ =	shalt  }
0x85: {  	_ =	shalt  }
0x86: {  	_ =	shalt  }
0x87: {  	_ =	shalt  }
.Lfunc_end0:
.L_simem_size_0:
called_computation_lowered:
.L_overlay_start_0:
0x88: {  	s2 =	sld [smem:$0x3FD9]  }
0x89: {  	s3 =	sld [smem:$0x3FFE];
	_ =	sdelay $0x1  }
0x8a: {  	s1 =	srdreg.scid  }
0x8b: {  	s0 =	sand.u32 $0x1, s1  }
0x8c: {  	s17 =	sshll.u32 s0, $0xA;
	s2 =	sadd.s32 s3, s2  }
0x8d: {  	s2 =	sadd.s32 s2, s17  }
0x8e: {  	[smem:$0x3FBE] =	sst s2  }
0x8f: {  	_ = 	snop  }
0x90: {  	s2 =	sld [smem:$0x3FC9]  }
0x91: {  	s18 =	sld [smem:$0x3FC8]  }
0x92: {  	s4 =	sld [smem:$0x3FD0];
	(tm) =	ssettm $0x1  }
0x93: {  	s5 =	sld [smem:$0x3FFB];
	_ =	sdelay $0x3  }
0x94: {  	_ =	strace s5  }
0x95: {  	s5 =	sld [smem:$0x3FFC];
	_ =	sdelay $0x3  }
0x96: {  	_ =	strace s5  }
0x97: {  	s5 =	sld [smem:$0x3FFD];
	_ =	sdelay $0x3  }
0x98: {  	_ =	strace s5  }
0x99: {  	_ =	strace $0x8FFFFFFF  }
0x9a: {  	s19 =	sld [smem:$0x3FDB];
	_ =	sdelay $0x1  }
0x9b: {  	s6 =	simm.s32 $_scs_section_size  }
0x9c: {  	s7 =	simm.s32 $_size__tile_overlayer_lowered;
	s8 =	simm.s32 $_tile_overlayer_lowered  }
0x9d: {  	s22 =	simm.s32 $0x1BFF;
	s21 =	sshll.u32 s8, $0x1;
	s5 =	sadd.s32 s6, s19  }
0x9e: {  	s9 =	simm.s32 $0x0;
	s20 =	sshll.u32 s7, $0x1;
	s7 =	sadd.s32 s21, s5  }
0x9f: {  	[timem:s9], [sflag:s22] =	dma.local [hbm:s7], s20  }
0xa0: {  	_ =	swait.ge [sflag:s22], s20  }
0xa1: {  	s6 =	ssub.s32 $0x0, s20;
	[sflag:s22] =	ssyncset.done $0x0  }
0xa2: {  	[sflag:s22] =	ssyncadd.s32 s6;
	_ =	sdelay $0x1  }
0xa3: {  	s23 =	simm.s32 $0x1B8B  }
0xa4: {  	_ =	swait.ge [sflag:s23], $0x1  }
0xa5: {  	[sflag:s23] =	ssyncset.done $0x0  }
0xa6: {  	s25 =	simm.s32 $0x1B8E;
	s24 =	sld [smem:$0x3FFE];
	[sflag:s23] =	ssyncadd.s32 $0xFFFFFFFF  }
0xa7: {  	s26 =	simm.s32 $execute0_lowered;
	[smem:$0x3FD2] =	sst s25  }
0xa8: {  	s7 =	sshll.u32 s26, $0x1;
	_ =	strace $0x80000046;
	[dreg:$0x1] =	wrdreg $0xFFFFFFFF  }
0xa9: {  	s28 =	simm.s32 $_size_execute0_lowered;
	s5 =	sadd.s32 s5, s7;
	[dreg:$0x0] =	wrdreg $0x0  }
0xaa: {  	s7 =	sshll.u32 s28, $0x1;
	[dreg:$0x2] =	wrdreg s5  }
0xab: {  	[dreg:$0x3] =	wrdreg s7  }
0xac: {  	[dreg:$0x4] =	wrdreg $0xC0  }
0xad: {  	_ =	task [dreg:s9], $0x5FFFF  }
0xae: {  	[dreg:$0x1] =	wrdreg $0xFFFFFFFF  }
0xaf: {  	[dreg:$0x0] =	wrdreg $0x60  }
0xb0: {  	[dreg:$0x2] =	wrdreg s2  }
0xb1: {  	[dreg:$0x3] =	wrdreg s18  }
0xb2: {  	[dreg:$0x4] =	wrdreg s4  }
0xb3: {  	[dreg:$0x5] =	wrdreg s24  }
0xb4: {  	[dreg:$0x6] =	wrdreg $0xC3000  }
0xb5: {  	[dreg:$0x7] =	wrdreg $0x9  }
0xb6: {  	_ =	task.clear_ibuf [dreg:s9], $0x8FFFF;
	_ =	strace $0x90000046  }
0xb7: {  	s29 =	simm.s32 $0x9;
	_ =	strace $0x80000048  }
0xb8: {  	_ =	swait.ge [sflag:s29], $0x1  }
0xb9: {  	[sflag:s29] =	ssyncadd.s32 $0xFFFFFFFF  }
0xba: {  	_ =	strace $0x90000048  }
0xbb: {  	_ =	sfence  }
0xbc: {  	s30 =	sld [smem:$0x0];
	_ =	sdelay $0x2  }
0xbd: {  	s31 =	sshll.u32 s1, $0xD;
	s1 =	sshrl.u32 s1, $0x2  }
0xbe: {  	s3 =	sand.u32 $0x4000, s31;
	s1 =	sadd.s32 s1, s30  }
0xbf: {  	s0 =	sor.u32 s3, s0;
	s1 =	sshll.u32 s1, $0x11  }
0xc0: {  	s0 =	sor.u32 s1, s0  }
0xc1: {  	s0 =	sadd.s32 $0x8F2B, s0  }
0xc2: {  	[sflag:s0] =	ssyncadd.remote.s32 $0x1  }
0xc3: {  	_ =	sfence.sel $0xFFFF  }
0xc4: {  	[dreg:$0x0] =	wrdreg $0xFFFFFFFF;
	(pc) =	sbr.abs _section_cstart, $3  }
0xc5: {  	[dreg:$0x1] =	wrdreg $0xFFFFFFFF  }
0xc6: {  	_ =	task.clear_ibuf [dreg:s9], $0x2FFFF;
	_ =	strace $0x9FFFFFFF  }
0xc7: {  	(tm) =	ssettm $0x7FFFFFFF  }
tec
execute0_lowered:
.L_overlay_start_1:
0x0: {  	(tag) =	ssettag $0x1  }
0x1: {  	s1 =	rddreg [dreg:$0x0]  }
0x2: {  	s2 =	rddreg [dreg:$0x1]  }
0x3: {  	s3 =	rddreg [dreg:$0x2]  }
0x4: {  	s0 =	rddreg [dreg:$0x3]  }
0x5: {  	s5 =	rddreg [dreg:$0x4];
	s4 =	srdreg.scid  }
0x6: {  	s15 =	stileid.u32;
	s6 =	simm.s32 $0x0;
	s31 =	simm.s32 $0x300  }
0x7: {  	s4 =	sand.u32 $0x1, s4;
	s8 =	smul.u32 $0x2780, s15;
	[smem:$0x7FF] =	sst s6  }
0x8: {  	s7 =	sadd.s32 $0x1800, s0;
	s17 =	smul.u32 $0x4F000, s15;
	s10 =	sshll.u32 s4, $0x4  }
0x9: {  	s9 =	smul.u32 $0x27800, s4;
	s14 =	ssub.s32 $0x2, s4;
	s10 =	sor.u32 s15, s10  }
0xa: {  	_ =	strace $0x80000047;
	s12 =	sshrl.u32 s14, $0x1;
	s11 =	smul.u32 $0x2880, s10  }
0xb: {  	s8 =	sadd.s32 s8, s9;
	s13 =	smul.u32 $0xA20, s10;
	s12 =	ssub.s32 s14, s12  }
0xc: {  	p0 =	seq.s32 s10, $0x1F;
	s9 =	sadd.s32 $0x10, s2;
	s14 =	sadd.s32 $0xC0, s3  }
0xd: {  	s8 =	sadd.s32 s8, s0;
	s16 =	sshrl.u32 s11, $0x2;
	s18 =	sadd.s32 s2, s13  }
0xe: {  	s19 =	sadd.s32 s13, s9;
	s13 =	sadd.s32 $0x18B0, s0;
	s8 =	sadd.s32 $0x1E00, s8  }
0xf: {  	s11 =	sadd.s32 $0x20, s16;
	s10 =	sadd.s32 $0x40, s16;
	s16 =	sadd.s32 $0x18C0, s0  }
0x10: {  	s19 =	smov.u32 @p0 s13;
	[dreg:$0x11] =	wrdreg s8;
	s20 =	sadd.s32 s2, s11  }
0x11: {  	s22 =	sadd.s32 s2, s10;
	s23 =	sadd.s32 s10, s9;
	s10 =	sadd.s32 $0xB0, s3  }
0x12: {  	s21 =	sadd.s32 s11, s9;
	[dreg:$0x7] =	wrdreg s19;
	s18 =	smov.u32 @p0 s10  }
0x13: {  	s11 =	sshrl.u32 s17, $0x2;
	s20 =	smov.u32 @p0 s14;
	[dreg:$0x6] =	wrdreg s18  }
0x14: {  	s17 =	sadd.s32 $0xD0, s3;
	s21 =	smov.u32 @p0 s16;
	[dreg:$0x8] =	wrdreg s20  }
0x15: {  	s0 =	sadd.s32 $0x18D0, s0;
	s22 =	smov.u32 @p0 s17;
	[dreg:$0x9] =	wrdreg s21  }
0x16: {  	s29 =	simm.s32 $0x1;
	s23 =	smov.u32 @p0 s0;
	[dreg:$0xa] =	wrdreg s22  }
0x17: {  	s30 =	simm.s32 $0x2;
	s11 =	sadd.s32 s11, s5;
	[dreg:$0xb] =	wrdreg s23  }
0x18: {  	s4 =	smul.u32 $0x28800, s4;
	s24 =	sadd.s32 $0x4000, s11;
	[dreg:$0xc] =	wrdreg s11  }
0x19: {  	s19 =	smul.u32 $0x2880, s15;
	s18 =	sadd.s32 $0x8000, s11;
	[dreg:$0xd] =	wrdreg s24  }
0x1a: {  	s28 =	simm.s32 $0x3;
	s21 =	sadd.s32 $0x10000, s11;
	[dreg:$0xe] =	wrdreg s18  }
0x1b: {  	s20 =	sadd.s32 $0xC000, s11;
	[dreg:$0x10] =	wrdreg s21;
	s21 =	sadd.s32 s19, s4  }
0x1c: {  	s15 =	simm.s32 $0x100;
	[dreg:$0xf] =	wrdreg s20;
	s4 =	sadd.s32 $0x280, s21  }
0x1d: {  	s24 =	smax.u32 s12, $0x1;
	s22 =	sadd.s32 $0x200, s21;
	s4 =	sshrl.u32 s4, $0x2  }
0x1e: {  	[dreg:$0x12] =	wrdreg s24;
	s8 =	sshrl.u32 s22, $0x2;
	s25 =	sadd.s32 s4, s9  }
0x1f: {  	s24 =	simm.s32 $0x4300;
	s26 =	sadd.s32 s8, s9;
	[dreg:$0x13] =	wrdreg s25  }
0x20: {  	v0 =	vimm.f32 $0.0e+00;
	s4 =	simm.s32 $0x0;
	[dreg:$0x14] =	wrdreg s26;
	s25 =	simm.s32 $0x80  }
.LBB2_1:
0x21: {  	[dreg:$0x15] =	wrdreg s4  }
0x22: {  	s0 =	rddreg [dreg:$0x6]  }
0x23: {  	s16 =	rddreg [dreg:$0x7]  }
0x24: {  	[tilespmem:s6], [sflag:$0x2] =	stream.linear.gather [hbm4b:s0+s6], $0x80, $0x38;
	[tilespmem:$0x1FF00] =	vst v63  }
0x25: {  	s17 =	rddreg [dreg:$0x8]  }
0x26: {  	[tilespmem:s25], [sflag:$0x2] =	stream.linear.gather [hbm4b:s16+s6], $0x80, $0x38;
	[tilespmem:$0x1FF00] =	vst v63  }
0x27: {  	s18 =	rddreg [dreg:$0x9]  }
0x28: {  	[tilespmem:s15], [sflag:$0x2] =	stream.linear.gather [hbm4b:s17+s6], $0x80, $0x38;
	[tilespmem:$0x1FF00] =	vst v63  }
0x29: {  	s19 =	simm.s32 $0x180;
	s20 =	rddreg [dreg:$0xa]  }
0x2a: {  	[tilespmem:s19], [sflag:$0x2] =	stream.linear.gather [hbm4b:s18+s6], $0x80, $0x38;
	[tilespmem:$0x1FF00] =	vst v63  }
0x2b: {  	s22 =	simm.s32 $0x200;
	s23 =	rddreg [dreg:$0xb]  }
0x2c: {  	[tilespmem:s22], [sflag:$0x2] =	stream.linear.gather [hbm4b:s20+s6], $0x80, $0x38;
	[tilespmem:$0x1FF00] =	vst v63  }
0x2d: {  	s26 =	simm.s32 $0x280;
	s8 =	simm.s32 $0x0;
	s10 =	simm.s32 $0x200  }
0x2e: {  	[tilespmem:s26], [sflag:$0x2] =	stream.linear.gather [hbm4b:s23+s6], $0x80, $0x38;
	[tilespmem:$0x1FF00] =	vst v63  }
.LBB2_2:
0x2f: {  	p0 =	sne.s32 s10, $0xFE00;
	[tilespmem:s8+$0x8370] =	vst v0  }
0x30: {  	[tilespmem:s8+$0x300] =	vst v0  }
0x31: {  	[tilespmem:s8+$0x310] =	vst v0  }
0x32: {  	[tilespmem:s8+$0x320] =	vst v0  }
0x33: {  	[tilespmem:s8+$0x330] =	vst v0  }
0x34: {  	[tilespmem:s8+$0x340] =	vst v0  }
0x35: {  	[tilespmem:s8+$0x350] =	vst v0  }
0x36: {  	[tilespmem:s8+$0x360] =	vst v0  }
0x37: {  	[tilespmem:s8+$0x370] =	vst v0  }
0x38: {  	[tilespmem:s8+$0x4300] =	vst v0  }
0x39: {  	[tilespmem:s8+$0x4310] =	vst v0  }
0x3a: {  	[tilespmem:s8+$0x4320] =	vst v0  }
0x3b: {  	[tilespmem:s8+$0x4330] =	vst v0  }
0x3c: {  	[tilespmem:s8+$0x4340] =	vst v0  }
0x3d: {  	[tilespmem:s8+$0x4350] =	vst v0  }
0x3e: {  	[tilespmem:s8+$0x4360] =	vst v0  }
0x3f: {  	[tilespmem:s8+$0x4370] =	vst v0  }
0x40: {  	[tilespmem:s8+$0x8300] =	vst v0  }
0x41: {  	[tilespmem:s8+$0x8310] =	vst v0  }
.Ltmp0:
0x42: {  	[tilespmem:s8+$0x8320] =	vst v0;
	(pc) =	sbr.rel @p0 .LBB2_2-.Ltmp0, $4  }
0x43: {  	[tilespmem:s8+$0x8330] =	vst v0  }
0x44: {  	[tilespmem:s8+$0x8340] =	vst v0  }
0x45: {  	[tilespmem:s8+$0x8350] =	vst v0  }
0x46: {  	[tilespmem:s8+$0x8360] =	vst v0;
	s8 =	sshra.s32 s10, $0x2;
	s10 =	sadd.s32 $0x200, s10  }
0x47: {  	[tilespmem:s8+$0x8370] =	vst v0  }
0x48: {  	[tilespmem:s8+$0x300] =	vst v0  }
0x49: {  	[tilespmem:s8+$0x310] =	vst v0  }
0x4a: {  	[tilespmem:s8+$0x320] =	vst v0  }
0x4b: {  	[tilespmem:s8+$0x330] =	vst v0  }
0x4c: {  	[tilespmem:s8+$0x340] =	vst v0  }
0x4d: {  	[tilespmem:s8+$0x350] =	vst v0  }
0x4e: {  	[tilespmem:s8+$0x360] =	vst v0  }
0x4f: {  	[tilespmem:s8+$0x370] =	vst v0  }
0x50: {  	[tilespmem:s8+$0x4300] =	vst v0  }
0x51: {  	[tilespmem:s8+$0x4310] =	vst v0  }
0x52: {  	[tilespmem:s8+$0x4320] =	vst v0  }
0x53: {  	[tilespmem:s8+$0x4330] =	vst v0  }
0x54: {  	[tilespmem:s8+$0x4340] =	vst v0  }
0x55: {  	[tilespmem:s8+$0x4350] =	vst v0  }
0x56: {  	[tilespmem:s8+$0x4360] =	vst v0  }
0x57: {  	[tilespmem:s8+$0x4370] =	vst v0  }
0x58: {  	[tilespmem:s8+$0x8300] =	vst v0  }
0x59: {  	[tilespmem:s8+$0x8310] =	vst v0  }
0x5a: {  	[tilespmem:s8+$0x8320] =	vst v0  }
0x5b: {  	[tilespmem:s8+$0x8330] =	vst v0  }
0x5c: {  	[tilespmem:s8+$0x8340] =	vst v0  }
0x5d: {  	[tilespmem:s8+$0x8350] =	vst v0  }
0x5e: {  	[tilespmem:s8+$0x8360] =	vst v0  }
0x5f: {  	[spmem:s11] =	stream.linear.scatter [tilespmem:s31], [sflag:$0x1], $0x4000, $0x38;
	[tilespmem:$0x1FF00] =	vst v63  }
0x60: {  	s0 =	rddreg [dreg:$0xd]  }
0x61: {  	[spmem:s0] =	stream.linear.scatter [tilespmem:s24], [sflag:$0x1], $0x4000, $0x38;
	[tilespmem:$0x1FF00] =	vst v63  }
0x62: {  	s18 =	rddreg [dreg:$0xe];
	s4 =	simm.s32 $0x8300  }
0x63: {  	[spmem:s18] =	stream.linear.scatter [tilespmem:s4], [sflag:$0x1], $0x4000, $0x38;
	[tilespmem:$0x1FF00] =	vst v63  }
0x64: {  	s19 =	rddreg [dreg:$0xf]  }
0x65: {  	[spmem:s19] =	stream.linear.scatter [tilespmem:s31], [sflag:$0x1], $0x4000, $0x38;
	[tilespmem:$0x1FF00] =	vst v63  }
0x66: {  	s20 =	rddreg [dreg:$0x10]  }
0x67: {  	[spmem:s20] =	stream.linear.scatter [tilespmem:s24], [sflag:$0x1], $0x3C00, $0x38;
	[tilespmem:$0x1FF00] =	vst v63  }
0x68: {  	_ =	swait.ge [sflag:s29], $0x4000  }
0x69: {  	[sflag:s29] =	ssyncset.done $0x0  }
0x6a: {  	[sflag:s29] =	ssyncadd.s32 $0xFFFFC000  }
0x6b: {  	_ =	swait.ge [sflag:s29], $0x4000  }
0x6c: {  	[sflag:s29] =	ssyncset.done $0x0  }
0x6d: {  	[sflag:s29] =	ssyncadd.s32 $0xFFFFC000  }
0x6e: {  	_ =	swait.ge [sflag:s29], $0x4000  }
0x6f: {  	[sflag:s29] =	ssyncset.done $0x0  }
0x70: {  	[sflag:s29] =	ssyncadd.s32 $0xFFFFC000  }
0x71: {  	_ =	swait.ge [sflag:s29], $0x4000  }
0x72: {  	[sflag:s29] =	ssyncset.done $0x0  }
0x73: {  	[sflag:s29] =	ssyncadd.s32 $0xFFFFC000  }
0x74: {  	_ =	swait.ge [sflag:s29], $0x3C00  }
0x75: {  	[sflag:s29] =	ssyncset.done $0x0  }
0x76: {  	[sflag:s29] =	ssyncadd.s32 $0xFFFFC400  }
0x77: {  	_ =	swait.ge [sflag:s30], $0x80  }
0x78: {  	[sflag:s30] =	ssyncset.done $0x0  }
0x79: {  	[sflag:s30] =	ssyncadd.s32 $0xFFFFFF80  }
0x7a: {  	_ =	swait.ge [sflag:s30], $0x80  }
0x7b: {  	[sflag:s30] =	ssyncset.done $0x0  }
0x7c: {  	s22 =	simm.s32 $0x0;
	[sflag:s30] =	ssyncadd.s32 $0xFFFFFF80  }
0x7d: {  	[tilespmem:s31], [sflag:$0x1] =	stream.indirect.gather [hbm4b:s1+s25], $0x80, s22, s25, $0xb8;
	[tilespmem:$0x1FF00] =	vst v63  }
0x7e: {  	_ =	swait.ge [sflag:s30], $0x80  }
0x7f: {  	s8 =	smul.u32 $0x3, s22;
	[sflag:s30] =	ssyncset.done $0x0  }
0x80: {  	[sflag:s30] =	ssyncadd.s32 $0xFFFFFF80  }
0x81: {  	s10 =	sadd.s32 $0x2, s8;
	_ =	swait.ge [sflag:s30], $0x80  }
0x82: {  	s23 =	sand.u32 $0xFF, s10;
	[sflag:s30] =	ssyncset.done $0x0  }
0x83: {  	s11 =	smul.u32 $0xAB, s23;
	[sflag:s30] =	ssyncadd.s32 $0xFFFFFF80  }
0x84: {  	[tilespmem:s24], [sflag:$0x1] =	stream.indirect.gather [hbm4b:s1+s25], $0x80, s15, s25, $0xb8;
	[tilespmem:$0x1FF00] =	vst v63  }
0x85: {  	s11 =	sshrl.u32 s11, $0x9;
	[bflag:$0x0] =	sbarrier.arrive $0xFFFF  }
0x86: {  	s11 =	smul.u32 $0x3, s11;
	_ =	swait.ge [sflag:s30], $0x80  }
0x87: {  	[sflag:s30] =	ssyncset.done $0x0  }
0x88: {  	s10 =	ssub.s32 s10, s11;
	[sflag:s30] =	ssyncadd.s32 $0xFFFFFF80  }
0x89: {  	s11 =	sand.u32 $0xFF, s10;
	_ =	swait.ge [sflag:s30], $0x80  }
0x8a: {  	s26 =	sadd.s32 $0x0, s21;
	s12 =	sshll.u32 s11, $0xE;
	[sflag:s30] =	ssyncset.done $0x0  }
0x8b: {  	s19 =	sshll.u32 s11, $0x8;
	s20 =	sor.u32 $0x300, s12;
	[sflag:s30] =	ssyncadd.s32 $0xFFFFFF80  }
0x8c: {  	[tilespmem:s20], [sflag:$0x1] =	stream.indirect.gather [hbm4b:s1+s25], $0x80, s19, s25, $0xb8;
	[tilespmem:$0x1FF00] =	vst v63  }
0x8d: {  	s11 =	sadd.s32 $0x180, s26;
	_ =	swait.ge [sflag:s29], $0x4000  }
0x8e: {  	p0 =	sgt.u32 s11, $0x4E1FF;
	[sflag:s29] =	ssyncset.done $0x0  }
0x8f: {  	s8 =	sadd.s32 $0x1, s8;
	s13 =	sadd.s32 @p0 $0x0, s21;
	[sflag:s29] =	ssyncadd.s32 $0xFFFFC000  }
0x90: {  	[spmem:s5] =	stream.indirect.scatter.add.f32 [tilespmem:s31], [sflag:$0x3], $0x80, s25, s25, $0xb8;
	[tilespmem:$0x1FF00] =	vst v63  }
0x91: {  	s11 =	sshrl.u32 @!p0 s11, $0x2;
	s13 =	sadd.s32 @p0 $0xFFFB1F80, s13;
	_ =	swait.ge [sflag:s28], $0x4000  }
0x92: {  	s14 =	simm.s32 @!p0 $0x0;
	s13 =	sshrl.u32 @p0 s13, $0x3;
	[sflag:s28] =	ssyncset.done $0x0  }
0x93: {  	s17 =	simm.s32 @p0 $0x0;
	s16 =	sadd.s32 @p0 s3, s13;
	[sflag:s28] =	ssyncadd.s32 $0xFFFFC000  }
0x94: {  	[tilespmem:s17], [sflag:$0x2] =	stream.linear.gather @p0 [hbm4b:s16+s17], $0x80, $0x38;
	[tilespmem:$0x1FF00] =	vst v63  }
0x95: {  	s13 =	sadd.s32 @p0 s7, s13;
	s16 =	sadd.s32 @!p0 s11, s9;
	s11 =	sadd.s32 @!p0 s2, s11  }
0x96: {  	[tilespmem:s14], [sflag:$0x2] =	stream.linear.gather @!p0 [hbm4b:s11+s14], $0x80, $0x38;
	[tilespmem:$0x1FF00] =	vst v63  }
0x97: {  	s4 =	sand.u32 $0xFF, s8;
	s16 =	smov.u32 @p0 s13  }
0x98: {  	[tilespmem:s25], [sflag:$0x2] =	stream.linear.gather [hbm4b:s16+s6], $0x80, $0x38;
	[tilespmem:$0x1FF00] =	vst v63  }
0x99: {  	s17 =	smul.u32 $0xAB, s4;
	_ =	swait.ge [sflag:s30], $0x80  }
0x9a: {  	[sflag:s30] =	ssyncset.done $0x0  }
0x9b: {  	s11 =	sshrl.u32 s17, $0x9;
	[sflag:s30] =	ssyncadd.s32 $0xFFFFFF80  }
0x9c: {  	s18 =	sadd.s32 $0x200, s26;
	s11 =	smul.u32 $0x3, s11;
	_ =	swait.ge [sflag:s30], $0x80  }
0x9d: {  	p0 =	sgt.u32 s18, $0x4E1FF;
	[sflag:s30] =	ssyncset.done $0x0  }
0x9e: {  	s8 =	ssub.s32 s8, s11;
	s11 =	sadd.s32 @p0 $0x0, s21;
	[sflag:s30] =	ssyncadd.s32 $0xFFFFFF80  }
0x9f: {  	[tilespmem:s31], [sflag:$0x1] =	stream.indirect.gather [hbm4b:s1+s25], $0x80, s6, s25, $0xb8;
	[tilespmem:$0x1FF00] =	vst v63  }
0xa0: {  	s8 =	sand.u32 $0xFF, s8;
	s11 =	sadd.s32 @p0 $0xFFFB2000, s11;
	_ =	swait.ge [sflag:s29], $0x4000  }
0xa1: {  	s22 =	sshll.u32 s8, $0xE;
	s8 =	sshll.u32 s8, $0x8;
	[sflag:s29] =	ssyncset.done $0x0  }
0xa2: {  	s12 =	sor.u32 $0x300, s22;
	s23 =	sor.u32 $0x80, s8;
	[sflag:s29] =	ssyncadd.s32 $0xFFFFC000  }
0xa3: {  	[spmem:s5] =	stream.indirect.scatter.add.f32 [tilespmem:s12], [sflag:$0x3], $0x80, s23, s25, $0xb8;
	[tilespmem:$0x1FF00] =	vst v63  }
0xa4: {  	s10 =	sadd.s32 $0x280, s26;
	s11 =	sshrl.u32 @p0 s11, $0x3;
	_ =	swait.ge [sflag:s28], $0x4000  }
0xa5: {  	s14 =	simm.s32 @p0 $0x0;
	s12 =	sadd.s32 @p0 s3, s11;
	[sflag:s28] =	ssyncset.done $0x0  }
0xa6: {  	s11 =	sadd.s32 @p0 s7, s11;
	s0 =	rddreg [dreg:$0x14];
	[sflag:s28] =	ssyncadd.s32 $0xFFFFC000  }
0xa7: {  	[tilespmem:s8], [sflag:$0x2] =	stream.linear.gather @p0 [hbm4b:s12+s14], $0x80, $0x38;
	[tilespmem:$0x1FF00] =	vst v63  }
0xa8: {  	s16 =	smov.u32 s0;
	s12 =	sadd.s32 @!p0 $0xFFFFFFF0, s0;
	s14 =	simm.s32 @!p0 $0x0  }
0xa9: {  	[tilespmem:s8], [sflag:$0x2] =	stream.linear.gather @!p0 [hbm4b:s12+s14], $0x80, $0x38;
	[tilespmem:$0x1FF00] =	vst v63  }
0xaa: {  	p1 =	sgt.u32 s10, $0x4E1FF;
	s17 =	simm.s32 $0x180;
	s16 =	smov.u32 @p0 s11  }
0xab: {  	[tilespmem:s23], [sflag:$0x2] =	stream.linear.gather [hbm4b:s16+s6], $0x80, $0x38;
	[tilespmem:$0x1FF00] =	vst v63  }
0xac: {  	s22 =	simm.s32 $0x300;
	s18 =	sadd.s32 $0x60, s0;
	_ =	swait.ge [sflag:s30], $0x80  }
0xad: {  	s11 =	sadd.s32 @p1 $0x0, s21;
	s8 =	simm.s32 $0x1;
	[sflag:s30] =	ssyncset.done $0x0  }
0xae: {  	s0 =	smov.u32 s2;
	s26 =	smul.u32 $0x3, s8;
	[sflag:s30] =	ssyncadd.s32 $0xFFFFFF80  }
0xaf: {  	s14 =	sor.u32 $0x80, s19;
	s12 =	sadd.s32 @p1 $0xFFFB2080, s11;
	_ =	swait.ge [sflag:s30], $0x80  }
0xb0: {  	s13 =	sadd.s32 $0x2, s26;
	[sflag:s30] =	ssyncset.done $0x0;
	s23 =	rddreg [dreg:$0x13]  }
0xb1: {  	s11 =	sadd.s32 $0x1, s26;
	[sflag:s30] =	ssyncadd.s32 $0xFFFFFF80;
	s16 =	sadd.s32 $0x60, s23  }
0xb2: {  	[tilespmem:s24], [sflag:$0x1] =	stream.indirect.gather [hbm4b:s1+s25], $0x80, s15, s25, $0xb8;
	[tilespmem:$0x1FF00] =	vst v63  }
.LBB2_4:
0xb3: {  	s15 =	sand.u32 $0xFF, s11;
	_ =	swait.ge [sflag:s29], $0x4000  }
0xb4: {  	s24 =	sadd.s32 @!p1 $0xFFFFFFF0, s23;
	s10 =	smov.u32 s17;
	s17 =	smov.u32 s22  }
0xb5: {  	s4 =	sand.u32 $0xFF, s13;
	s15 =	smul.u32 $0xAB, s15;
	[sflag:s29] =	ssyncset.done $0x0  }
0xb6: {  	s12 =	sshrl.u32 @p1 s12, $0x3;
	s4 =	smul.u32 $0xAB, s4;
	[sflag:s29] =	ssyncadd.s32 $0xFFFFC000  }
0xb7: {  	[spmem:s5] =	stream.indirect.scatter.add.f32 [tilespmem:s20], [sflag:$0x3], $0x80, s14, s25, $0xb8;
	[tilespmem:$0x1FF00] =	vst v63  }
0xb8: {  	s4 =	sshrl.u32 s4, $0x9;
	s20 =	sadd.s32 @p1 s3, s12;
	_ =	swait.ge [sflag:s28], $0x4000  }
0xb9: {  	s15 =	sshrl.u32 s15, $0x9;
	s4 =	smul.u32 $0x3, s4;
	[sflag:s28] =	ssyncset.done $0x0  }
0xba: {  	s2 =	simm.s32 @p1 $0x0;
	s12 =	sadd.s32 @p1 s7, s12;
	[sflag:s28] =	ssyncadd.s32 $0xFFFFC000  }
0xbb: {  	[tilespmem:s19], [sflag:$0x2] =	stream.linear.gather @p1 [hbm4b:s20+s2], $0x80, $0x38;
	[tilespmem:$0x1FF00] =	vst v63  }
0xbc: {  	s23 =	smov.u32 @p1 s12;
	s2 =	ssub.s32 s13, s4;
	s4 =	simm.s32 @!p1 $0x0  }
0xbd: {  	[tilespmem:s19], [sflag:$0x2] =	stream.linear.gather @!p1 [hbm4b:s24+s4], $0x80, $0x38;
	[tilespmem:$0x1FF00] =	vst v63  }
0xbe: {  	s13 =	sadd.s32 s10, s21;
	s2 =	sand.u32 $0xFF, s2;
	s4 =	smul.u32 $0x3, s15  }
0xbf: {  	[tilespmem:s14], [sflag:$0x2] =	stream.linear.gather [hbm4b:s23+s6], $0x80, $0x38;
	[tilespmem:$0x1FF00] =	vst v63  }
0xc0: {  	s12 =	sadd.s32 $0x180, s13;
	s14 =	sadd.s32 $0x200, s13;
	_ =	swait.ge [sflag:s30], $0x80  }
0xc1: {  	s15 =	sshll.u32 s2, $0xE;
	p1 =	sgt.u32 s12, $0x4E1FF;
	[sflag:s30] =	ssyncset.done $0x0  }
0xc2: {  	s19 =	sshll.u32 s2, $0x8;
	s2 =	sshrl.u32 @!p1 s12, $0x2;
	[sflag:s30] =	ssyncadd.s32 $0xFFFFFF80  }
0xc3: {  	s12 =	sadd.s32 @p1 s10, s21;
	s24 =	simm.s32 @!p1 $0x0;
	_ =	swait.ge [sflag:s30], $0x80  }
0xc4: {  	s12 =	sadd.s32 @p1 $0xFFFB1F80, s12;
	s26 =	sadd.s32 @!p1 s2, s9;
	[sflag:s30] =	ssyncset.done $0x0  }
0xc5: {  	s20 =	sor.u32 $0x300, s15;
	s12 =	sshrl.u32 @p1 s12, $0x3;
	[sflag:s30] =	ssyncadd.s32 $0xFFFFFF80  }
0xc6: {  	[tilespmem:s20], [sflag:$0x1] =	stream.indirect.gather [hbm4b:s1+s25], $0x80, s19, s25, $0xb8;
	[tilespmem:$0x1FF00] =	vst v63  }
0xc7: {  	s15 =	sadd.s32 @p1 s3, s12;
	s12 =	sadd.s32 @p1 s7, s12;
	_ =	swait.ge [sflag:s29], $0x4000  }
0xc8: {  	s2 =	sadd.s32 @!p1 s0, s2;
	s26 =	smov.u32 @p1 s12;
	[sflag:s29] =	ssyncset.done $0x0  }
0xc9: {  	s22 =	sadd.s32 $0x180, s22;
	s4 =	ssub.s32 s11, s4;
	[sflag:s29] =	ssyncadd.s32 $0xFFFFC000  }
0xca: {  	[spmem:s5] =	stream.indirect.scatter.add.f32 [tilespmem:s31], [sflag:$0x3], $0x80, s25, s25, $0xb8;
	[tilespmem:$0x1FF00] =	vst v63  }
0xcb: {  	p0 =	sne.s32 s22, $0x2880;
	s4 =	sand.u32 $0xFF, s4;
	_ =	swait.ge [sflag:s28], $0x4000  }
0xcc: {  	s11 =	simm.s32 @p1 $0x0;
	s12 =	sshll.u32 s4, $0xE;
	[sflag:s28] =	ssyncset.done $0x0  }
0xcd: {  	s23 =	smov.u32 s16;
	[sflag:s28] =	ssyncadd.s32 $0xFFFFC000  }
0xce: {  	[tilespmem:s11], [sflag:$0x2] =	stream.linear.gather @p1 [hbm4b:s15+s11], $0x80, $0x38;
	[tilespmem:$0x1FF00] =	vst v63  }
0xcf: {  	_ = 	snop  }
0xd0: {  	[tilespmem:s24], [sflag:$0x2] =	stream.linear.gather @!p1 [hbm4b:s2+s24], $0x80, $0x38;
	[tilespmem:$0x1FF00] =	vst v63  }
0xd1: {  	_ = 	snop  }
0xd2: {  	[tilespmem:s25], [sflag:$0x2] =	stream.linear.gather [hbm4b:s26+s6], $0x80, $0x38;
	[tilespmem:$0x1FF00] =	vst v63  }
0xd3: {  	_ =	swait.ge [sflag:s30], $0x80  }
0xd4: {  	[sflag:s30] =	ssyncset.done $0x0  }
0xd5: {  	p1 =	sgt.u32 s14, $0x4E1FF;
	[sflag:s30] =	ssyncadd.s32 $0xFFFFFF80  }
0xd6: {  	_ =	swait.ge [sflag:s30], $0x80  }
0xd7: {  	s2 =	sadd.s32 @p1 s10, s21;
	[sflag:s30] =	ssyncset.done $0x0  }
0xd8: {  	s2 =	sadd.s32 @p1 $0xFFFB2000, s2;
	[sflag:s30] =	ssyncadd.s32 $0xFFFFFF80  }
0xd9: {  	[tilespmem:s31], [sflag:$0x1] =	stream.indirect.gather [hbm4b:s1+s25], $0x80, s6, s25, $0xb8;
	[tilespmem:$0x1FF00] =	vst v63  }
0xda: {  	s2 =	sshrl.u32 @p1 s2, $0x3;
	_ =	swait.ge [sflag:s29], $0x4000  }
0xdb: {  	s4 =	sshll.u32 s4, $0x8;
	s11 =	sadd.s32 @p1 s7, s2;
	[sflag:s29] =	ssyncset.done $0x0  }
0xdc: {  	s12 =	sor.u32 $0x300, s12;
	s14 =	sor.u32 $0x80, s4;
	[sflag:s29] =	ssyncadd.s32 $0xFFFFC000  }
0xdd: {  	[spmem:s5] =	stream.indirect.scatter.add.f32 [tilespmem:s12], [sflag:$0x3], $0x80, s14, s25, $0xb8;
	[tilespmem:$0x1FF00] =	vst v63  }
0xde: {  	_ =	swait.ge [sflag:s28], $0x4000  }
0xdf: {  	s2 =	sadd.s32 @p1 s3, s2;
	s12 =	simm.s32 @p1 $0x0;
	[sflag:s28] =	ssyncset.done $0x0  }
0xe0: {  	[sflag:s28] =	ssyncadd.s32 $0xFFFFC000  }
0xe1: {  	s15 =	sadd.s32 @!p1 $0xFFFFFFF0, s18;
	s24 =	simm.s32 @!p1 $0x0  }
0xe2: {  	[tilespmem:s4], [sflag:$0x2] =	stream.linear.gather @p1 [hbm4b:s2+s12], $0x80, $0x38;
	[tilespmem:$0x1FF00] =	vst v63  }
0xe3: {  	s2 =	smov.u32 s18  }
0xe4: {  	s2 =	smov.u32 @p1 s11  }
0xe5: {  	[tilespmem:s4], [sflag:$0x2] =	stream.linear.gather @!p1 [hbm4b:s15+s24], $0x80, $0x38;
	[tilespmem:$0x1FF00] =	vst v63  }
0xe6: {  	s24 =	simm.s32 $0x4300;
	s15 =	simm.s32 $0x100;
	_ =	sdelay $0x1  }
0xe7: {  	[tilespmem:s14], [sflag:$0x2] =	stream.linear.gather [hbm4b:s2+s6], $0x80, $0x38;
	[tilespmem:$0x1FF00] =	vst v63  }
0xe8: {  	s8 =	sadd.s32 $0x1, s8;
	s16 =	sadd.s32 $0x60, s16;
	_ =	swait.ge [sflag:s30], $0x80  }
0xe9: {  	s18 =	sadd.s32 $0x60, s18;
	s2 =	sadd.s32 $0x280, s13;
	[sflag:s30] =	ssyncset.done $0x0  }
.Ltmp1:
0xea: {  	p1 =	sgt.u32 s2, $0x4E1FF;
	[sflag:s30] =	ssyncadd.s32 $0xFFFFFF80;
	(pc) =	sbr.rel @p0 .LBB2_4-.Ltmp1, $4  }
0xeb: {  	s2 =	smul.u32 $0x3, s8;
	s4 =	sadd.s32 @p1 s10, s21;
	_ =	swait.ge [sflag:s30], $0x80  }
0xec: {  	s14 =	sor.u32 $0x80, s19;
	s12 =	sadd.s32 @p1 $0xFFFB2080, s4;
	[sflag:s30] =	ssyncset.done $0x0  }
0xed: {  	s13 =	sadd.s32 $0x2, s2;
	s11 =	sadd.s32 $0x1, s2;
	[sflag:s30] =	ssyncadd.s32 $0xFFFFFF80  }
0xee: {  	[tilespmem:s24], [sflag:$0x1] =	stream.indirect.gather [hbm4b:s1+s25], $0x80, s15, s25, $0xb8;
	[tilespmem:$0x1FF00] =	vst v63  }
0xef: {  	_ =	swait.ge [sflag:s29], $0x4000  }
0xf0: {  	[sflag:s29] =	ssyncset.done $0x0  }
0xf1: {  	[sflag:s29] =	ssyncadd.s32 $0xFFFFC000  }
0xf2: {  	[spmem:s5] =	stream.indirect.scatter.add.f32 [tilespmem:s20], [sflag:$0x3], $0x80, s14, s25, $0xb8;
	[tilespmem:$0x1FF00] =	vst v63  }
0xf3: {  	_ =	swait.ge [sflag:s28], $0x4000  }
0xf4: {  	s2 =	sshrl.u32 @p1 s12, $0x3;
	[sflag:s28] =	ssyncset.done $0x0  }
0xf5: {  	s8 =	simm.s32 @p1 $0x0;
	s4 =	sadd.s32 @p1 s3, s2;
	[sflag:s28] =	ssyncadd.s32 $0xFFFFC000  }
0xf6: {  	[tilespmem:s19], [sflag:$0x2] =	stream.linear.gather @p1 [hbm4b:s4+s8], $0x80, $0x38;
	[tilespmem:$0x1FF00] =	vst v63  }
0xf7: {  	s10 =	sand.u32 $0xFF, s13;
	s4 =	sadd.s32 @!p1 $0xFFFFFFF0, s23;
	s8 =	simm.s32 @!p1 $0x0  }
0xf8: {  	[tilespmem:s19], [sflag:$0x2] =	stream.linear.gather @!p1 [hbm4b:s4+s8], $0x80, $0x38;
	[tilespmem:$0x1FF00] =	vst v63  }
0xf9: {  	s4 =	smul.u32 $0xAB, s10  }
0xfa: {  	s2 =	sadd.s32 @p1 s7, s2  }
0xfb: {  	s23 =	smov.u32 @p1 s2;
	s4 =	sshrl.u32 s4, $0x9  }
0xfc: {  	[tilespmem:s14], [sflag:$0x2] =	stream.linear.gather [hbm4b:s23+s6], $0x80, $0x38;
	[tilespmem:$0x1FF00] =	vst v63  }
0xfd: {  	s12 =	smul.u32 $0x3, s4;
	_ =	swait.ge [sflag:s30], $0x80  }
0xfe: {  	[sflag:s30] =	ssyncset.done $0x0  }
0xff: {  	s2 =	ssub.s32 s13, s12;
	[sflag:s30] =	ssyncadd.s32 $0xFFFFFF80  }
0x100: {  	s2 =	sand.u32 $0xFF, s2;
	_ =	swait.ge [sflag:s30], $0x80  }
0x101: {  	s13 =	sadd.s32 s17, s21;
	s14 =	sshll.u32 s2, $0xE;
	[sflag:s30] =	ssyncset.done $0x0  }
0x102: {  	s8 =	sshll.u32 s2, $0x8;
	[sflag:s30] =	ssyncadd.s32 $0xFFFFFF80;
	s10 =	sor.u32 $0x300, s14  }
0x103: {  	[tilespmem:s10], [sflag:$0x1] =	stream.indirect.gather [hbm4b:s1+s25], $0x80, s8, s25, $0xb8;
	[tilespmem:$0x1FF00] =	vst v63  }
0x104: {  	s2 =	sadd.s32 $0x180, s13;
	_ =	swait.ge [sflag:s29], $0x4000  }
0x105: {  	p0 =	sgt.u32 s2, $0x4E1FF;
	[sflag:s29] =	ssyncset.done $0x0  }
0x106: {  	s4 =	sadd.s32 @p0 s17, s21;
	[sflag:s29] =	ssyncadd.s32 $0xFFFFC000  }
0x107: {  	[spmem:s5] =	stream.indirect.scatter.add.f32 [tilespmem:s31], [sflag:$0x3], $0x80, s25, s25, $0xb8;
	[tilespmem:$0x1FF00] =	vst v63  }
0x108: {  	s2 =	sshrl.u32 @!p0 s2, $0x2;
	s4 =	sadd.s32 @p0 $0xFFFB1F80, s4;
	_ =	swait.ge [sflag:s28], $0x4000  }
0x109: {  	s14 =	simm.s32 @p0 $0x0;
	s4 =	sshrl.u32 @p0 s4, $0x3;
	[sflag:s28] =	ssyncset.done $0x0  }
0x10a: {  	s12 =	sadd.s32 @p0 s3, s4;
	s4 =	sadd.s32 @p0 s7, s4;
	[sflag:s28] =	ssyncadd.s32 $0xFFFFC000  }
0x10b: {  	[tilespmem:s14], [sflag:$0x2] =	stream.linear.gather @p0 [hbm4b:s12+s14], $0x80, $0x38;
	[tilespmem:$0x1FF00] =	vst v63  }
0x10c: {  	s12 =	simm.s32 @!p0 $0x0;
	s14 =	sadd.s32 @!p0 s0, s2;
	s2 =	sadd.s32 @!p0 s2, s9  }
0x10d: {  	[tilespmem:s12], [sflag:$0x2] =	stream.linear.gather @!p0 [hbm4b:s14+s12], $0x80, $0x38;
	[tilespmem:$0x1FF00] =	vst v63  }
0x10e: {  	s19 =	sand.u32 $0xFF, s11;
	s2 =	smov.u32 @p0 s4  }
0x10f: {  	[tilespmem:s25], [sflag:$0x2] =	stream.linear.gather [hbm4b:s2+s6], $0x80, $0x38;
	[tilespmem:$0x1FF00] =	vst v63  }
0x110: {  	s12 =	smul.u32 $0xAB, s19;
	_ =	swait.ge [sflag:s30], $0x80  }
0x111: {  	[sflag:s30] =	ssyncset.done $0x0  }
0x112: {  	s20 =	sshrl.u32 s12, $0x9;
	[sflag:s30] =	ssyncadd.s32 $0xFFFFFF80  }
0x113: {  	s2 =	smul.u32 $0x3, s20;
	_ =	swait.ge [sflag:s30], $0x80  }
0x114: {  	s22 =	sadd.s32 $0x200, s13;
	[sflag:s30] =	ssyncset.done $0x0  }
0x115: {  	p0 =	sgt.u32 s22, $0x4E1FF;
	s2 =	ssub.s32 s11, s2;
	[sflag:s30] =	ssyncadd.s32 $0xFFFFFF80  }
0x116: {  	[tilespmem:s31], [sflag:$0x1] =	stream.indirect.gather [hbm4b:s1+s25], $0x80, s6, s25, $0xb8;
	[tilespmem:$0x1FF00] =	vst v63  }
0x117: {  	s4 =	sadd.s32 @p0 s17, s21;
	s2 =	sand.u32 $0xFF, s2;
	_ =	swait.ge [sflag:s29], $0x4000  }
0x118: {  	s23 =	sshll.u32 s2, $0xE;
	s2 =	sshll.u32 s2, $0x8;
	[sflag:s29] =	ssyncset.done $0x0  }
0x119: {  	s11 =	sor.u32 $0x300, s23;
	s26 =	sor.u32 $0x80, s2;
	[sflag:s29] =	ssyncadd.s32 $0xFFFFC000  }
0x11a: {  	[spmem:s5] =	stream.indirect.scatter.add.f32 [tilespmem:s11], [sflag:$0x3], $0x80, s26, s25, $0xb8;
	[tilespmem:$0x1FF00] =	vst v63  }
0x11b: {  	s4 =	sadd.s32 @p0 $0xFFFB2000, s4;
	_ =	swait.ge [sflag:s28], $0x4000  }
0x11c: {  	s4 =	sshrl.u32 @p0 s4, $0x3;
	[sflag:s28] =	ssyncset.done $0x0  }
0x11d: {  	s14 =	simm.s32 @p0 $0x0;
	s11 =	sadd.s32 @p0 s3, s4;
	[sflag:s28] =	ssyncadd.s32 $0xFFFFC000  }
0x11e: {  	[tilespmem:s2], [sflag:$0x2] =	stream.linear.gather @p0 [hbm4b:s11+s14], $0x80, $0x38;
	[tilespmem:$0x1FF00] =	vst v63  }
0x11f: {  	s11 =	sadd.s32 @!p0 $0xFFFFFFF0, s18;
	s14 =	simm.s32 @!p0 $0x0  }
0x120: {  	[tilespmem:s2], [sflag:$0x2] =	stream.linear.gather @!p0 [hbm4b:s11+s14], $0x80, $0x38;
	[tilespmem:$0x1FF00] =	vst v63  }
0x121: {  	s2 =	sadd.s32 @p0 s7, s4  }
0x122: {  	s18 =	smov.u32 @p0 s2  }
0x123: {  	[tilespmem:s26], [sflag:$0x2] =	stream.linear.gather [hbm4b:s18+s6], $0x80, $0x38;
	[tilespmem:$0x1FF00] =	vst v63  }
0x124: {  	_ =	swait.ge [sflag:s30], $0x80  }
0x125: {  	[sflag:s30] =	ssyncset.done $0x0  }
0x126: {  	[sflag:s30] =	ssyncadd.s32 $0xFFFFFF80  }
0x127: {  	_ =	swait.ge [sflag:s30], $0x80  }
0x128: {  	[sflag:s30] =	ssyncset.done $0x0  }
0x129: {  	[sflag:s30] =	ssyncadd.s32 $0xFFFFFF80  }
0x12a: {  	[tilespmem:s24], [sflag:$0x1] =	stream.indirect.gather [hbm4b:s1+s25], $0x80, s15, s25, $0xb8;
	[tilespmem:$0x1FF00] =	vst v63  }
0x12b: {  	s14 =	sadd.s32 $0x280, s13;
	_ =	swait.ge [sflag:s29], $0x4000  }
0x12c: {  	p0 =	sgt.u32 s14, $0x4E1FF;
	[sflag:s29] =	ssyncset.done $0x0  }
0x12d: {  	s2 =	sadd.s32 @p0 s17, s21;
	s18 =	sor.u32 $0x80, s8;
	[sflag:s29] =	ssyncadd.s32 $0xFFFFC000  }
0x12e: {  	[spmem:s5] =	stream.indirect.scatter.add.f32 [tilespmem:s10], [sflag:$0x3], $0x80, s18, s25, $0xb8;
	[tilespmem:$0x1FF00] =	vst v63  }
0x12f: {  	s2 =	sadd.s32 @p0 $0xFFFB2080, s2;
	_ =	swait.ge [sflag:s28], $0x4000  }
0x130: {  	s2 =	sshrl.u32 @p0 s2, $0x3;
	[sflag:s28] =	ssyncset.done $0x0  }
0x131: {  	s11 =	simm.s32 @p0 $0x0;
	s10 =	sadd.s32 @p0 s3, s2;
	[sflag:s28] =	ssyncadd.s32 $0xFFFFC000  }
0x132: {  	[tilespmem:s8], [sflag:$0x2] =	stream.linear.gather @p0 [hbm4b:s10+s11], $0x80, $0x38;
	[tilespmem:$0x1FF00] =	vst v63  }
0x133: {  	s2 =	sadd.s32 @p0 s7, s2;
	s10 =	sadd.s32 @!p0 $0xFFFFFFF0, s16;
	s11 =	simm.s32 @!p0 $0x0  }
0x134: {  	[tilespmem:s8], [sflag:$0x2] =	stream.linear.gather @!p0 [hbm4b:s10+s11], $0x80, $0x38;
	[tilespmem:$0x1FF00] =	vst v63  }
0x135: {  	s16 =	smov.u32 @p0 s2  }
0x136: {  	[tilespmem:s18], [sflag:$0x2] =	stream.linear.gather [hbm4b:s16+s6], $0x80, $0x38;
	[tilespmem:$0x1FF00] =	vst v63  }
0x137: {  	_ =	swait.ge [sflag:s29], $0x4000  }
0x138: {  	[sflag:s29] =	ssyncset.done $0x0  }
0x139: {  	[sflag:s29] =	ssyncadd.s32 $0xFFFFC000  }
0x13a: {  	_ =	swait.ge [sflag:s29], $0x4000  }
0x13b: {  	[sflag:s29] =	ssyncset.done $0x0  }
0x13c: {  	[sflag:s29] =	ssyncadd.s32 $0xFFFFC000  }
0x13d: {  	_ =	swait.ge [sflag:s30], $0x80  }
0x13e: {  	[sflag:s30] =	ssyncset.done $0x0  }
0x13f: {  	[sflag:s30] =	ssyncadd.s32 $0xFFFFFF80  }
0x140: {  	_ =	swait.ge [sflag:s30], $0x80  }
0x141: {  	[sflag:s30] =	ssyncset.done $0x0  }
0x142: {  	[sflag:s30] =	ssyncadd.s32 $0xFFFFFF80  }
0x143: {  	s19 =	stileid.u32;
	[bflag:$0x0] =	sbarrier.arrive $0xFFFF  }
0x144: {  	s2 =	sshll.u32 s19, $0x6;
	s11 =	rddreg [dreg:$0xc]  }
0x145: {  	s2 =	sor.u32 $0x1C03, s2;
	s22 =	rddreg [dreg:$0x11];
	s20 =	sshrl.u32 s11, $0x3  }
0x146: {  	[hbm:s22], [sflag:s2] =	dma.local [spmem:s20], $0x2780  }
0x147: {  	_ =	swait.ge [sflag:s28], $0x2780  }
0x148: {  	s23 =	rddreg [dreg:$0x15]  }
0x149: {  	s26 =	rddreg [dreg:$0x12];
	s4 =	sadd.s32 $0x1, s23  }
0x14a: {  	p0 =	sne.s32 s4, s26  }
.Ltmp2:
0x14b: {  	_ = 	snop;
	(pc) =	sbr.rel @p0 .LBB2_1-.Ltmp2, $3  }
0x14c: {  	_ =	sdelay $0x1  }
0x14d: {  	[sflag:s28] =	ssyncset.done $0x0  }
0x14e: {  	s2 =	smov.u32 s0;
	[sflag:s28] =	ssyncadd.s32 $0xFFFFD880  }
0x14f: {  	_ =	sfence.sel $0x180000  }
0x150: {  	[bflag:$0x0] =	sbarrier.arrive $0xFFFF  }
0x151: {  	_ =	strace $0x90000047  }
0x152: {  	s0 =	stileid.u32;
	[bflag:$0x2] =	sbarrier.arrive $0xFFFF  }
0x153: {  	p0 =	sne.s32 s0, $0x0;
	s0 =	rddreg [dreg:$0x5]  }
0x154: {  	s0 =	sadd.s32 @!p0 $0x100000, s0  }
0x155: {  	[sflag:s0] =	ssyncadd.tile.s32 @!p0 $0x1;
	_ =	shalt  }
.Lfunc_end2:
_tile_overlayer_lowered:
.L_overlay_start_2:
0x156: {  	(tag) =	ssettag $0x2  }
0x157: {  	s0 =	rddreg [dreg:$0x0];
	s2 =	stileid.u32  }
0x158: {  	s1 =	rddreg [dreg:$0x1];
	p0 =	sne.s32 s2, $0x0  }
0x159: {  	s3 =	rddreg [dreg:$0x2];
	[bflag:$0x3] =	sbarrier.arrive $0xFFFF;
	s2 =	simm.s32 @!p0 $0x1C03  }
0x15a: {  	[timem:s3], [sflag:s2] =	dma.local @!p0 [hbm:s0], s1  }
0x15b: {  	s0 =	simm.s32 @!p0 $0x3  }
0x15c: {  	_ =	swait.ge @!p0 [sflag:s0], s1  }
0x15d: {  	s1 =	ssub.s32 @!p0 $0x0, s1;
	[sflag:s0] =	ssyncset.done @!p0 $0x0  }
0x15e: {  	[sflag:s0] =	ssyncadd.s32 @!p0 s1  }
0x15f: {  	[bflag:$0x3] =	sbarrier.arrive $0xFFFF  }
0x160: {  	_ =	shalt  }

</sc_bundles>
